<compile_context>
chip_gen: v7x
topology: tpu7x:2x2x1
jax: 0.10.2.dev20260603
libtpu: 0.0.44.dev20260713+nightly
codegen_flags: <defaults>
</compile_context>

<pallas_src>
import functools

import jax
import jax.numpy as jnp
from jax import lax
from jax.experimental import pallas as pl
from jax.experimental.pallas import tpu as pltpu
from jax.experimental.pallas import tpu_sc as plsc

NC = 2
NS = 16
L = 16
NWPAD = 576


def _neumf_sc(B, MF, E, L0, L1):
    NW = NC * NS
    bpw = B // NW
    nblk = bpw // L
    nw1 = L1 * L0
    mesh = plsc.VectorSubcoreMesh(
        core_axis_name="c", subcore_axis_name="s",
        num_cores=NC, num_subcores=NS)

    stg_t = pltpu.VMEM((4, L, 128), jnp.float32)

    @functools.partial(
        pl.kernel,
        mesh=mesh,
        compiler_params=pltpu.CompilerParams(
            needs_layout_passes=False, use_tc_tiling_on_sc=True),
        out_type=jax.ShapeDtypeStruct((B,), jnp.float32),
        scratch_types=[
            pltpu.VMEM((bpw,), jnp.int32),
            pltpu.VMEM((bpw,), jnp.int32),
            pltpu.VMEM_SHARED((NS, bpw), jnp.int32),
            pltpu.VMEM_SHARED((NS, bpw), jnp.int32),
            pltpu.SMEM((bpw,), jnp.int32),
            pltpu.SMEM((bpw,), jnp.int32),
            pltpu.VMEM((NWPAD,), jnp.float32),
            pltpu.VMEM_SHARED((NS, NWPAD), jnp.float32),
            pltpu.SMEM((NWPAD,), jnp.float32),
            stg_t,
            stg_t,
            stg_t,
            stg_t,
            pltpu.VMEM((bpw,), jnp.float32),
            pltpu.SemaphoreType.DMA((2,)),
        ],
    )
    def neumf(uidx_hbm, iidx_hbm, ugT_hbm, igT_hbm, umT_hbm, imT_hbm, w_hbm,
              out_hbm,
              uidx_v, iidx_v, uidx_sh, iidx_sh, uidx_s, iidx_s,
              w_v, w_sh, w_s, sug, sig, sum_, sim, out_v, sems):
        sid = lax.axis_index("s")
        wid = sid * NC + lax.axis_index("c")
        base = wid * bpw

        pltpu.sync_copy(uidx_hbm.at[pl.ds(base, bpw)], uidx_v)
        pltpu.sync_copy(iidx_hbm.at[pl.ds(base, bpw)], iidx_v)
        pltpu.sync_copy(w_hbm, w_v)
        pltpu.sync_copy(uidx_v, uidx_sh.at[sid])
        pltpu.sync_copy(iidx_v, iidx_sh.at[sid])
        pltpu.sync_copy(w_v, w_sh.at[sid])
        pltpu.sync_copy(uidx_sh.at[sid], uidx_s)
        pltpu.sync_copy(iidx_sh.at[sid], iidx_s)
        pltpu.sync_copy(w_sh.at[sid], w_s)

        NDMA = 8

        def fire(s, p):
            sem = sems.at[p]

            def one(i, _):
                ru = uidx_s[s * L + i]
                ri = iidx_s[s * L + i]
                ru0 = pl.multiple_of(ru & -16, 16)
                ri0 = pl.multiple_of(ri & -16, 16)
                q = p * 2 + (i >> 3)
                lb = (i & 7) * L
                for h in (0, 8):
                    pltpu.async_copy(
                        ugT_hbm.at[pl.ds(h, 8), pl.ds(ru0, L)],
                        sug.at[q, pl.ds(h, 8), pl.ds(lb, L)], sem)
                    pltpu.async_copy(
                        igT_hbm.at[pl.ds(h, 8), pl.ds(ri0, L)],
                        sig.at[q, pl.ds(h, 8), pl.ds(lb, L)], sem)
                    pltpu.async_copy(
                        umT_hbm.at[pl.ds(h, 8), pl.ds(ru0, L)],
                        sum_.at[q, pl.ds(h, 8), pl.ds(lb, L)], sem)
                    pltpu.async_copy(
                        imT_hbm.at[pl.ds(h, 8), pl.ds(ri0, L)],
                        sim.at[q, pl.ds(h, 8), pl.ds(lb, L)], sem)
                return 0
            lax.fori_loop(0, L, one, 0)

        def drain(p):
            def w(i, _):
                pltpu.make_async_copy(
                    ugT_hbm.at[pl.ds(0, 8), pl.ds(0, L)],
                    sug.at[0, pl.ds(0, 8), pl.ds(0, L)],
                    sems.at[p]).wait()
                return 0
            lax.fori_loop(0, NDMA * L, w, 0)

        b1_splat = tuple(jnp.full((L,), w_s[nw1 + j], jnp.float32)
                         for j in range(L1))
        bout_splat = jnp.full((L,), w_s[nw1 + L1 + MF + L1], jnp.float32)
        lanes = lax.iota(jnp.int32, L)

        def compute(t, p):
            slotq = (lanes >> 3) + p * 2
            lb = (lanes & 7) * L
            rlo_u = lb + (uidx_v[pl.ds(t * L, L)] & 15)
            rlo_i = lb + (iidx_v[pl.ds(t * L, L)] & 15)
            acc = bout_splat
            for d in range(MF):
                dsp = jnp.full((L,), d, jnp.int32)
                ug_d = plsc.load_gather(sug, [slotq, dsp, rlo_u])
                ig_d = plsc.load_gather(sig, [slotq, dsp, rlo_i])
                acc = acc + (ug_d * ig_d) * w_s[nw1 + L1 + d]

            def kstep_u(k, hs):
                xa = plsc.load_gather(
                    sum_, [slotq, jnp.full((L,), 0, jnp.int32) + 2 * k,
                           rlo_u])
                xb = plsc.load_gather(
                    sum_, [slotq, jnp.full((L,), 0, jnp.int32) + 2 * k + 1,
                           rlo_u])
                hs = tuple(hs[j] + xa * w_s[j * L0 + 2 * k]
                           for j in range(L1))
                return tuple(hs[j] + xb * w_s[j * L0 + 2 * k + 1]
                             for j in range(L1))

            def kstep_i(k, hs):
                xa = plsc.load_gather(
                    sim, [slotq, jnp.full((L,), 0, jnp.int32) + 2 * k,
                          rlo_i])
                xb = plsc.load_gather(
                    sim, [slotq, jnp.full((L,), 0, jnp.int32) + 2 * k + 1,
                          rlo_i])
                hs = tuple(hs[j] + xa * w_s[j * L0 + E + 2 * k]
                           for j in range(L1))
                return tuple(hs[j] + xb * w_s[j * L0 + E + 2 * k + 1]
                             for j in range(L1))

            hs = lax.fori_loop(0, E // 2, kstep_u, b1_splat)
            hs = lax.fori_loop(0, (L0 - E) // 2, kstep_i, hs)
            for j in range(L1):
                acc = acc + jnp.maximum(hs[j], 0.0) * w_s[nw1 + L1 + MF + j]
            out_v[pl.ds(t * L, L)] = acc

        fire(0, 0)

        def body(t, _):
            p = lax.rem(t, 2)

            @pl.when(t + 1 < nblk)
            def _():
                fire(t + 1, 1 - p)

            drain(p)
            compute(t, p)
            return 0

        lax.fori_loop(0, nblk, body, 0)
        pltpu.sync_copy(out_v, out_hbm.at[pl.ds(base, bpw)])

    return neumf


def kernel(user_indices, item_indices, ue_gmf, ie_gmf, ue_mlp, ie_mlp,
           W1, b1, Wout, bout):
    B = user_indices.shape[0]
    MF = ue_gmf.shape[1]
    E = ue_mlp.shape[1]
    L1, L0 = W1.shape
    w_all = jnp.concatenate(
        [W1.reshape(-1), b1.reshape(-1), Wout.reshape(-1), bout.reshape(-1)])
    w_all = jnp.pad(w_all, (0, NWPAD - w_all.shape[0]))
    fn = _neumf_sc(B, MF, E, L0, L1)
    out = fn(user_indices.astype(jnp.int32), item_indices.astype(jnp.int32),
             ue_gmf.T, ie_gmf.T, ue_mlp.T, ie_mlp.T, w_all)
    return out.reshape(B, 1)

# --- scband reference (transcript-rebuilt; emitter-appended) ---
"""Pipeline reference for scband-neu-mf-14594298872243 (READ-ONLY COPY).

The authoritative reference and input builder live on the scoring server;
editing this copy changes nothing except your own understanding.
"""

import jax, jax.numpy as jnp
import numpy as np

NU = 1000000
NI = 1000000
MF = 16
L0 = 32
L1 = 16
B = 16384

def setup_inputs(seed: int = 0) -> dict:
    key = jax.random.key(seed)
    ks = jax.random.split(key, 10)
    user_indices = jax.random.randint(ks[0], (B,), 0, NU)
    item_indices = jax.random.randint(ks[1], (B,), 0, NI)
    # kaiming-normal-like init for embeddings (fan_in = embed dim)
    ue_gmf = jax.random.normal(ks[2], (NU, MF), dtype=jnp.float32) * np.sqrt(2.0 / MF)
    ie_gmf = jax.random.normal(ks[3], (NI, MF), dtype=jnp.float32) * np.sqrt(2.0 / MF)
    ue_mlp = jax.random.normal(ks[4], (NU, L0 // 2), dtype=jnp.float32) * np.sqrt(2.0 / (L0 // 2))
    ie_mlp = jax.random.normal(ks[5], (NI, L0 // 2), dtype=jnp.float32) * np.sqrt(2.0 / (L0 // 2))
    W1 = jax.random.normal(ks[6], (L1, L0), dtype=jnp.float32) * np.sqrt(1.0 / L0)
    b1 = jnp.zeros((L1,), dtype=jnp.float32)
    Wout = jax.random.normal(ks[7], (1, MF + L1), dtype=jnp.float32) * np.sqrt(1.0 / (MF + L1))
    bout = jnp.zeros((1,), dtype=jnp.float32)
    return {
        "user_indices": user_indices,
        "item_indices": item_indices,
        "ue_gmf": ue_gmf,
        "ie_gmf": ie_gmf,
        "ue_mlp": ue_mlp,
        "ie_mlp": ie_mlp,
        "W1": W1,
        "b1": b1,
        "Wout": Wout,
        "bout": bout,
    }

def reference(user_indices, item_indices, ue_gmf, ie_gmf, ue_mlp, ie_mlp, W1, b1, Wout, bout):
    # GMF branch: embedding gathers + elementwise product
    user_latent_gmf = jnp.take(ue_gmf, user_indices, axis=0)
    item_latent_gmf = jnp.take(ie_gmf, item_indices, axis=0)
    gmf_out = user_latent_gmf * item_latent_gmf
    # MLP branch: embedding gathers + concat + Linear/ReLU stack
    user_latent_mlp = jnp.take(ue_mlp, user_indices, axis=0)
    item_latent_mlp = jnp.take(ie_mlp, item_indices, axis=0)
    mlp_input = jnp.concatenate([user_latent_mlp, item_latent_mlp], axis=-1)
    mlp_out = jax.nn.relu(mlp_input @ W1.T + b1)
    combined = jnp.concatenate([gmf_out, mlp_out], axis=-1)
    prediction = combined @ Wout.T + bout
    return prediction

if __name__ == "__main__":
    import jax
    _d = setup_inputs()
    print(jax.jit(kernel)(*tuple(_d.values())))

</pallas_src>

<mosaic_0001>
#map = affine_map<(d0, d1) -> (0)>
#map1 = affine_map<(d0, d1) -> (0, 0)>
module attributes {stable_mosaic.version = 14 : i64} {
  func.func @neumf(%arg0: i32, %arg1: i32, %arg2: memref<16384xi32, #tpu.memory_space<hbm>>, %arg3: memref<16384xi32, #tpu.memory_space<hbm>>, %arg4: memref<16x1000000xf32, #tpu.memory_space<hbm>>, %arg5: memref<16x1000000xf32, #tpu.memory_space<hbm>>, %arg6: memref<16x1000000xf32, #tpu.memory_space<hbm>>, %arg7: memref<16x1000000xf32, #tpu.memory_space<hbm>>, %arg8: memref<576xf32, #tpu.memory_space<hbm>>, %arg9: memref<16384xf32, #tpu.memory_space<hbm>>, %arg10: memref<512xi32, #tpu.memory_space<vmem>>, %arg11: memref<512xi32, #tpu.memory_space<vmem>>, %arg12: memref<16x512xi32, #tpu.memory_space<vmem_shared>>, %arg13: memref<16x512xi32, #tpu.memory_space<vmem_shared>>, %arg14: memref<512xi32, #tpu.memory_space<smem>>, %arg15: memref<512xi32, #tpu.memory_space<smem>>, %arg16: memref<576xf32, #tpu.memory_space<vmem>>, %arg17: memref<16x576xf32, #tpu.memory_space<vmem_shared>>, %arg18: memref<576xf32, #tpu.memory_space<smem>>, %arg19: memref<4x16x128xf32, #tpu.memory_space<vmem>>, %arg20: memref<4x16x128xf32, #tpu.memory_space<vmem>>, %arg21: memref<4x16x128xf32, #tpu.memory_space<vmem>>, %arg22: memref<4x16x128xf32, #tpu.memory_space<vmem>>, %arg23: memref<512xf32, #tpu.memory_space<vmem>>, %arg24: memref<2x!tpu.dma_semaphore, #tpu.memory_space<semaphore_mem>>) attributes {dimension_semantics = [#tpu.dimension_semantics<core_parallel>, #tpu.dimension_semantics<subcore_parallel>], iteration_bounds = array<i64: 2, 16>, scalar_prefetch = 0 : i64, scratch_operands = 15 : i64, tpu.core_type = #tpu.core_type<sc_vector_subcore>, window_params = [{transform_indices = #map}, {transform_indices = #map}, {transform_indices = #map1}, {transform_indices = #map1}, {transform_indices = #map1}, {transform_indices = #map1}, {transform_indices = #map}, {transform_indices = #map}]} {
    %mul3A = arith.constant 2 : i32
    %mul3A_0 = arith.muli %arg1, %mul3A : i32
    %add3A = arith.addi %mul3A_0, %arg0 : i32
    %mul3A_1 = arith.constant 512 : i32
    %mul3A_2 = arith.muli %add3A, %mul3A_1 : i32
    "tpu.region"() ({
      %run_scoped3A = tpu.sem_alloc : memref<!tpu.dma_semaphore, #tpu.memory_space<semaphore_mem>>
      %dma_start3A = tpu.memref_slice %arg2[%mul3A_2] : memref<16384xi32, #tpu.memory_space<hbm>> -> memref<512xi32, #tpu.memory_space<hbm>>
      %dma_start3A_83 = tpu.memref_slice %arg2[%mul3A_2] : memref<16384xi32, #tpu.memory_space<hbm>> -> memref<512xi32, #tpu.memory_space<hbm>>
      tpu.enqueue_dma source(%dma_start3A_83 : memref<512xi32, #tpu.memory_space<hbm>>) target(%arg10 : memref<512xi32, #tpu.memory_space<vmem>>) target_semaphore(%run_scoped3A : memref<!tpu.dma_semaphore, #tpu.memory_space<semaphore_mem>>)
      %dma_wait3A = tpu.memref_slice %arg2[%mul3A_2] : memref<16384xi32, #tpu.memory_space<hbm>> -> memref<512xi32, #tpu.memory_space<hbm>>
      %dma_wait3A_84 = tpu.memref_slice %arg2[%mul3A_2] : memref<16384xi32, #tpu.memory_space<hbm>> -> memref<512xi32, #tpu.memory_space<hbm>>
      tpu.wait_dma2 semaphore(%run_scoped3A : memref<!tpu.dma_semaphore, #tpu.memory_space<semaphore_mem>>) src(%dma_wait3A_84 : memref<512xi32, #tpu.memory_space<hbm>>) dst(%arg10 : memref<512xi32, #tpu.memory_space<vmem>>)
      tpu.yield
    }) : () -> ()
    "tpu.region"() ({
      %run_scoped3A = tpu.sem_alloc : memref<!tpu.dma_semaphore, #tpu.memory_space<semaphore_mem>>
      %dma_start3A = tpu.memref_slice %arg3[%mul3A_2] : memref<16384xi32, #tpu.memory_space<hbm>> -> memref<512xi32, #tpu.memory_space<hbm>>
      %dma_start3A_83 = tpu.memref_slice %arg3[%mul3A_2] : memref<16384xi32, #tpu.memory_space<hbm>> -> memref<512xi32, #tpu.memory_space<hbm>>
      tpu.enqueue_dma source(%dma_start3A_83 : memref<512xi32, #tpu.memory_space<hbm>>) target(%arg11 : memref<512xi32, #tpu.memory_space<vmem>>) target_semaphore(%run_scoped3A : memref<!tpu.dma_semaphore, #tpu.memory_space<semaphore_mem>>)
      %dma_wait3A = tpu.memref_slice %arg3[%mul3A_2] : memref<16384xi32, #tpu.memory_space<hbm>> -> memref<512xi32, #tpu.memory_space<hbm>>
      %dma_wait3A_84 = tpu.memref_slice %arg3[%mul3A_2] : memref<16384xi32, #tpu.memory_space<hbm>> -> memref<512xi32, #tpu.memory_space<hbm>>
      tpu.wait_dma2 semaphore(%run_scoped3A : memref<!tpu.dma_semaphore, #tpu.memory_space<semaphore_mem>>) src(%dma_wait3A_84 : memref<512xi32, #tpu.memory_space<hbm>>) dst(%arg11 : memref<512xi32, #tpu.memory_space<vmem>>)
      tpu.yield
    }) : () -> ()
    "tpu.region"() ({
      %run_scoped3A = tpu.sem_alloc : memref<!tpu.dma_semaphore, #tpu.memory_space<semaphore_mem>>
      tpu.enqueue_dma source(%arg8 : memref<576xf32, #tpu.memory_space<hbm>>) target(%arg16 : memref<576xf32, #tpu.memory_space<vmem>>) target_semaphore(%run_scoped3A : memref<!tpu.dma_semaphore, #tpu.memory_space<semaphore_mem>>)
      tpu.wait_dma2 semaphore(%run_scoped3A : memref<!tpu.dma_semaphore, #tpu.memory_space<semaphore_mem>>) src(%arg8 : memref<576xf32, #tpu.memory_space<hbm>>) dst(%arg16 : memref<576xf32, #tpu.memory_space<vmem>>)
      tpu.yield
    }) : () -> ()
    "tpu.region"() ({
      %run_scoped3A = tpu.sem_alloc : memref<!tpu.dma_semaphore, #tpu.memory_space<semaphore_mem>>
      %dma_start3A = arith.constant 0 : i32
      %dma_start3A_83 = tpu.memref_slice %arg12[%arg1, %dma_start3A] : memref<16x512xi32, #tpu.memory_space<vmem_shared>> -> memref<1x512xi32, #tpu.memory_space<vmem_shared>>
      %dma_start3A_84 = tpu.memref_squeeze %dma_start3A_83 : memref<1x512xi32, #tpu.memory_space<vmem_shared>> -> memref<512xi32, #tpu.memory_space<vmem_shared>>
      %dma_start3A_85 = arith.constant 0 : i32
      %dma_start3A_86 = tpu.memref_slice %arg12[%arg1, %dma_start3A_85] : memref<16x512xi32, #tpu.memory_space<vmem_shared>> -> memref<1x512xi32, #tpu.memory_space<vmem_shared>>
      %dma_start3A_87 = tpu.memref_squeeze %dma_start3A_86 : memref<1x512xi32, #tpu.memory_space<vmem_shared>> -> memref<512xi32, #tpu.memory_space<vmem_shared>>
      tpu.enqueue_dma source(%arg10 : memref<512xi32, #tpu.memory_space<vmem>>) target(%dma_start3A_87 : memref<512xi32, #tpu.memory_space<vmem_shared>>) target_semaphore(%run_scoped3A : memref<!tpu.dma_semaphore, #tpu.memory_space<semaphore_mem>>)
      %dma_wait3A = arith.constant 0 : i32
      %dma_wait3A_88 = tpu.memref_slice %arg12[%arg1, %dma_wait3A] : memref<16x512xi32, #tpu.memory_space<vmem_shared>> -> memref<1x512xi32, #tpu.memory_space<vmem_shared>>
      %dma_wait3A_89 = tpu.memref_squeeze %dma_wait3A_88 : memref<1x512xi32, #tpu.memory_space<vmem_shared>> -> memref<512xi32, #tpu.memory_space<vmem_shared>>
      %dma_wait3A_90 = arith.constant 0 : i32
      %dma_wait3A_91 = tpu.memref_slice %arg12[%arg1, %dma_wait3A_90] : memref<16x512xi32, #tpu.memory_space<vmem_shared>> -> memref<1x512xi32, #tpu.memory_space<vmem_shared>>
      %dma_wait3A_92 = tpu.memref_squeeze %dma_wait3A_91 : memref<1x512xi32, #tpu.memory_space<vmem_shared>> -> memref<512xi32, #tpu.memory_space<vmem_shared>>
      tpu.wait_dma2 semaphore(%run_scoped3A : memref<!tpu.dma_semaphore, #tpu.memory_space<semaphore_mem>>) src(%arg10 : memref<512xi32, #tpu.memory_space<vmem>>) dst(%dma_wait3A_92 : memref<512xi32, #tpu.memory_space<vmem_shared>>)
      tpu.yield
    }) : () -> ()
    "tpu.region"() ({
      %run_scoped3A = tpu.sem_alloc : memref<!tpu.dma_semaphore, #tpu.memory_space<semaphore_mem>>
      %dma_start3A = arith.constant 0 : i32
      %dma_start3A_83 = tpu.memref_slice %arg13[%arg1, %dma_start3A] : memref<16x512xi32, #tpu.memory_space<vmem_shared>> -> memref<1x512xi32, #tpu.memory_space<vmem_shared>>
      %dma_start3A_84 = tpu.memref_squeeze %dma_start3A_83 : memref<1x512xi32, #tpu.memory_space<vmem_shared>> -> memref<512xi32, #tpu.memory_space<vmem_shared>>
      %dma_start3A_85 = arith.constant 0 : i32
      %dma_start3A_86 = tpu.memref_slice %arg13[%arg1, %dma_start3A_85] : memref<16x512xi32, #tpu.memory_space<vmem_shared>> -> memref<1x512xi32, #tpu.memory_space<vmem_shared>>
      %dma_start3A_87 = tpu.memref_squeeze %dma_start3A_86 : memref<1x512xi32, #tpu.memory_space<vmem_shared>> -> memref<512xi32, #tpu.memory_space<vmem_shared>>
      tpu.enqueue_dma source(%arg11 : memref<512xi32, #tpu.memory_space<vmem>>) target(%dma_start3A_87 : memref<512xi32, #tpu.memory_space<vmem_shared>>) target_semaphore(%run_scoped3A : memref<!tpu.dma_semaphore, #tpu.memory_space<semaphore_mem>>)
      %dma_wait3A = arith.constant 0 : i32
      %dma_wait3A_88 = tpu.memref_slice %arg13[%arg1, %dma_wait3A] : memref<16x512xi32, #tpu.memory_space<vmem_shared>> -> memref<1x512xi32, #tpu.memory_space<vmem_shared>>
      %dma_wait3A_89 = tpu.memref_squeeze %dma_wait3A_88 : memref<1x512xi32, #tpu.memory_space<vmem_shared>> -> memref<512xi32, #tpu.memory_space<vmem_shared>>
      %dma_wait3A_90 = arith.constant 0 : i32
      %dma_wait3A_91 = tpu.memref_slice %arg13[%arg1, %dma_wait3A_90] : memref<16x512xi32, #tpu.memory_space<vmem_shared>> -> memref<1x512xi32, #tpu.memory_space<vmem_shared>>
      %dma_wait3A_92 = tpu.memref_squeeze %dma_wait3A_91 : memref<1x512xi32, #tpu.memory_space<vmem_shared>> -> memref<512xi32, #tpu.memory_space<vmem_shared>>
      tpu.wait_dma2 semaphore(%run_scoped3A : memref<!tpu.dma_semaphore, #tpu.memory_space<semaphore_mem>>) src(%arg11 : memref<512xi32, #tpu.memory_space<vmem>>) dst(%dma_wait3A_92 : memref<512xi32, #tpu.memory_space<vmem_shared>>)
      tpu.yield
    }) : () -> ()
    "tpu.region"() ({
      %run_scoped3A = tpu.sem_alloc : memref<!tpu.dma_semaphore, #tpu.memory_space<semaphore_mem>>
      %dma_start3A = arith.constant 0 : i32
      %dma_start3A_83 = tpu.memref_slice %arg17[%arg1, %dma_start3A] : memref<16x576xf32, #tpu.memory_space<vmem_shared>> -> memref<1x576xf32, #tpu.memory_space<vmem_shared>>
      %dma_start3A_84 = tpu.memref_squeeze %dma_start3A_83 : memref<1x576xf32, #tpu.memory_space<vmem_shared>> -> memref<576xf32, #tpu.memory_space<vmem_shared>>
      %dma_start3A_85 = arith.constant 0 : i32
      %dma_start3A_86 = tpu.memref_slice %arg17[%arg1, %dma_start3A_85] : memref<16x576xf32, #tpu.memory_space<vmem_shared>> -> memref<1x576xf32, #tpu.memory_space<vmem_shared>>
      %dma_start3A_87 = tpu.memref_squeeze %dma_start3A_86 : memref<1x576xf32, #tpu.memory_space<vmem_shared>> -> memref<576xf32, #tpu.memory_space<vmem_shared>>
      tpu.enqueue_dma source(%arg16 : memref<576xf32, #tpu.memory_space<vmem>>) target(%dma_start3A_87 : memref<576xf32, #tpu.memory_space<vmem_shared>>) target_semaphore(%run_scoped3A : memref<!tpu.dma_semaphore, #tpu.memory_space<semaphore_mem>>)
      %dma_wait3A = arith.constant 0 : i32
      %dma_wait3A_88 = tpu.memref_slice %arg17[%arg1, %dma_wait3A] : memref<16x576xf32, #tpu.memory_space<vmem_shared>> -> memref<1x576xf32, #tpu.memory_space<vmem_shared>>
      %dma_wait3A_89 = tpu.memref_squeeze %dma_wait3A_88 : memref<1x576xf32, #tpu.memory_space<vmem_shared>> -> memref<576xf32, #tpu.memory_space<vmem_shared>>
      %dma_wait3A_90 = arith.constant 0 : i32
      %dma_wait3A_91 = tpu.memref_slice %arg17[%arg1, %dma_wait3A_90] : memref<16x576xf32, #tpu.memory_space<vmem_shared>> -> memref<1x576xf32, #tpu.memory_space<vmem_shared>>
      %dma_wait3A_92 = tpu.memref_squeeze %dma_wait3A_91 : memref<1x576xf32, #tpu.memory_space<vmem_shared>> -> memref<576xf32, #tpu.memory_space<vmem_shared>>
      tpu.wait_dma2 semaphore(%run_scoped3A : memref<!tpu.dma_semaphore, #tpu.memory_space<semaphore_mem>>) src(%arg16 : memref<576xf32, #tpu.memory_space<vmem>>) dst(%dma_wait3A_92 : memref<576xf32, #tpu.memory_space<vmem_shared>>)
      tpu.yield
    }) : () -> ()
    "tpu.region"() ({
      %run_scoped3A = tpu.sem_alloc : memref<!tpu.dma_semaphore, #tpu.memory_space<semaphore_mem>>
      %dma_start3A = arith.constant 0 : i32
      %dma_start3A_83 = tpu.memref_slice %arg12[%arg1, %dma_start3A] : memref<16x512xi32, #tpu.memory_space<vmem_shared>> -> memref<1x512xi32, #tpu.memory_space<vmem_shared>>
      %dma_start3A_84 = tpu.memref_squeeze %dma_start3A_83 : memref<1x512xi32, #tpu.memory_space<vmem_shared>> -> memref<512xi32, #tpu.memory_space<vmem_shared>>
      tpu.enqueue_dma source(%dma_start3A_84 : memref<512xi32, #tpu.memory_space<vmem_shared>>) target(%arg14 : memref<512xi32, #tpu.memory_space<smem>>) target_semaphore(%run_scoped3A : memref<!tpu.dma_semaphore, #tpu.memory_space<semaphore_mem>>)
      %dma_wait3A = arith.constant 0 : i32
      %dma_wait3A_85 = tpu.memref_slice %arg12[%arg1, %dma_wait3A] : memref<16x512xi32, #tpu.memory_space<vmem_shared>> -> memref<1x512xi32, #tpu.memory_space<vmem_shared>>
      %dma_wait3A_86 = tpu.memref_squeeze %dma_wait3A_85 : memref<1x512xi32, #tpu.memory_space<vmem_shared>> -> memref<512xi32, #tpu.memory_space<vmem_shared>>
      tpu.wait_dma2 semaphore(%run_scoped3A : memref<!tpu.dma_semaphore, #tpu.memory_space<semaphore_mem>>) src(%dma_wait3A_86 : memref<512xi32, #tpu.memory_space<vmem_shared>>) dst(%arg14 : memref<512xi32, #tpu.memory_space<smem>>)
      tpu.yield
    }) : () -> ()
    "tpu.region"() ({
      %run_scoped3A = tpu.sem_alloc : memref<!tpu.dma_semaphore, #tpu.memory_space<semaphore_mem>>
      %dma_start3A = arith.constant 0 : i32
      %dma_start3A_83 = tpu.memref_slice %arg13[%arg1, %dma_start3A] : memref<16x512xi32, #tpu.memory_space<vmem_shared>> -> memref<1x512xi32, #tpu.memory_space<vmem_shared>>
      %dma_start3A_84 = tpu.memref_squeeze %dma_start3A_83 : memref<1x512xi32, #tpu.memory_space<vmem_shared>> -> memref<512xi32, #tpu.memory_space<vmem_shared>>
      tpu.enqueue_dma source(%dma_start3A_84 : memref<512xi32, #tpu.memory_space<vmem_shared>>) target(%arg15 : memref<512xi32, #tpu.memory_space<smem>>) target_semaphore(%run_scoped3A : memref<!tpu.dma_semaphore, #tpu.memory_space<semaphore_mem>>)
      %dma_wait3A = arith.constant 0 : i32
      %dma_wait3A_85 = tpu.memref_slice %arg13[%arg1, %dma_wait3A] : memref<16x512xi32, #tpu.memory_space<vmem_shared>> -> memref<1x512xi32, #tpu.memory_space<vmem_shared>>
      %dma_wait3A_86 = tpu.memref_squeeze %dma_wait3A_85 : memref<1x512xi32, #tpu.memory_space<vmem_shared>> -> memref<512xi32, #tpu.memory_space<vmem_shared>>
      tpu.wait_dma2 semaphore(%run_scoped3A : memref<!tpu.dma_semaphore, #tpu.memory_space<semaphore_mem>>) src(%dma_wait3A_86 : memref<512xi32, #tpu.memory_space<vmem_shared>>) dst(%arg15 : memref<512xi32, #tpu.memory_space<smem>>)
      tpu.yield
    }) : () -> ()
    "tpu.region"() ({
      %run_scoped3A = tpu.sem_alloc : memref<!tpu.dma_semaphore, #tpu.memory_space<semaphore_mem>>
      %dma_start3A = arith.constant 0 : i32
      %dma_start3A_83 = tpu.memref_slice %arg17[%arg1, %dma_start3A] : memref<16x576xf32, #tpu.memory_space<vmem_shared>> -> memref<1x576xf32, #tpu.memory_space<vmem_shared>>
      %dma_start3A_84 = tpu.memref_squeeze %dma_start3A_83 : memref<1x576xf32, #tpu.memory_space<vmem_shared>> -> memref<576xf32, #tpu.memory_space<vmem_shared>>
      tpu.enqueue_dma source(%dma_start3A_84 : memref<576xf32, #tpu.memory_space<vmem_shared>>) target(%arg18 : memref<576xf32, #tpu.memory_space<smem>>) target_semaphore(%run_scoped3A : memref<!tpu.dma_semaphore, #tpu.memory_space<semaphore_mem>>)
      %dma_wait3A = arith.constant 0 : i32
      %dma_wait3A_85 = tpu.memref_slice %arg17[%arg1, %dma_wait3A] : memref<16x576xf32, #tpu.memory_space<vmem_shared>> -> memref<1x576xf32, #tpu.memory_space<vmem_shared>>
      %dma_wait3A_86 = tpu.memref_squeeze %dma_wait3A_85 : memref<1x576xf32, #tpu.memory_space<vmem_shared>> -> memref<576xf32, #tpu.memory_space<vmem_shared>>
      tpu.wait_dma2 semaphore(%run_scoped3A : memref<!tpu.dma_semaphore, #tpu.memory_space<semaphore_mem>>) src(%dma_wait3A_86 : memref<576xf32, #tpu.memory_space<vmem_shared>>) dst(%arg18 : memref<576xf32, #tpu.memory_space<smem>>)
      tpu.yield
    }) : () -> ()
    %get3A = arith.constant 512 : i32
    %get3A_3 = arith.index_cast %get3A : i32 to index
    %get3A_4 = memref.load %arg18[%get3A_3] : memref<576xf32, #tpu.memory_space<smem>>
    %broadcast_in_dim3A = vector.broadcast %get3A_4 : f32 to vector<16xf32>
    %get3A_5 = arith.constant 513 : i32
    %get3A_6 = arith.index_cast %get3A_5 : i32 to index
    %get3A_7 = memref.load %arg18[%get3A_6] : memref<576xf32, #tpu.memory_space<smem>>
    %broadcast_in_dim3A_8 = vector.broadcast %get3A_7 : f32 to vector<16xf32>
    %get3A_9 = arith.constant 514 : i32
    %get3A_10 = arith.index_cast %get3A_9 : i32 to index
    %get3A_11 = memref.load %arg18[%get3A_10] : memref<576xf32, #tpu.memory_space<smem>>
    %broadcast_in_dim3A_12 = vector.broadcast %get3A_11 : f32 to vector<16xf32>
    %get3A_13 = arith.constant 515 : i32
    %get3A_14 = arith.index_cast %get3A_13 : i32 to index
    %get3A_15 = memref.load %arg18[%get3A_14] : memref<576xf32, #tpu.memory_space<smem>>
    %broadcast_in_dim3A_16 = vector.broadcast %get3A_15 : f32 to vector<16xf32>
    %get3A_17 = arith.constant 516 : i32
    %get3A_18 = arith.index_cast %get3A_17 : i32 to index
    %get3A_19 = memref.load %arg18[%get3A_18] : memref<576xf32, #tpu.memory_space<smem>>
    %broadcast_in_dim3A_20 = vector.broadcast %get3A_19 : f32 to vector<16xf32>
    %get3A_21 = arith.constant 517 : i32
    %get3A_22 = arith.index_cast %get3A_21 : i32 to index
    %get3A_23 = memref.load %arg18[%get3A_22] : memref<576xf32, #tpu.memory_space<smem>>
    %broadcast_in_dim3A_24 = vector.broadcast %get3A_23 : f32 to vector<16xf32>
    %get3A_25 = arith.constant 518 : i32
    %get3A_26 = arith.index_cast %get3A_25 : i32 to index
    %get3A_27 = memref.load %arg18[%get3A_26] : memref<576xf32, #tpu.memory_space<smem>>
    %broadcast_in_dim3A_28 = vector.broadcast %get3A_27 : f32 to vector<16xf32>
    %get3A_29 = arith.constant 519 : i32
    %get3A_30 = arith.index_cast %get3A_29 : i32 to index
    %get3A_31 = memref.load %arg18[%get3A_30] : memref<576xf32, #tpu.memory_space<smem>>
    %broadcast_in_dim3A_32 = vector.broadcast %get3A_31 : f32 to vector<16xf32>
    %get3A_33 = arith.constant 520 : i32
    %get3A_34 = arith.index_cast %get3A_33 : i32 to index
    %get3A_35 = memref.load %arg18[%get3A_34] : memref<576xf32, #tpu.memory_space<smem>>
    %broadcast_in_dim3A_36 = vector.broadcast %get3A_35 : f32 to vector<16xf32>
    %get3A_37 = arith.constant 521 : i32
    %get3A_38 = arith.index_cast %get3A_37 : i32 to index
    %get3A_39 = memref.load %arg18[%get3A_38] : memref<576xf32, #tpu.memory_space<smem>>
    %broadcast_in_dim3A_40 = vector.broadcast %get3A_39 : f32 to vector<16xf32>
    %get3A_41 = arith.constant 522 : i32
    %get3A_42 = arith.index_cast %get3A_41 : i32 to index
    %get3A_43 = memref.load %arg18[%get3A_42] : memref<576xf32, #tpu.memory_space<smem>>
    %broadcast_in_dim3A_44 = vector.broadcast %get3A_43 : f32 to vector<16xf32>
    %get3A_45 = arith.constant 523 : i32
    %get3A_46 = arith.index_cast %get3A_45 : i32 to index
    %get3A_47 = memref.load %arg18[%get3A_46] : memref<576xf32, #tpu.memory_space<smem>>
    %broadcast_in_dim3A_48 = vector.broadcast %get3A_47 : f32 to vector<16xf32>
    %get3A_49 = arith.constant 524 : i32
    %get3A_50 = arith.index_cast %get3A_49 : i32 to index
    %get3A_51 = memref.load %arg18[%get3A_50] : memref<576xf32, #tpu.memory_space<smem>>
    %broadcast_in_dim3A_52 = vector.broadcast %get3A_51 : f32 to vector<16xf32>
    %get3A_53 = arith.constant 525 : i32
    %get3A_54 = arith.index_cast %get3A_53 : i32 to index
    %get3A_55 = memref.load %arg18[%get3A_54] : memref<576xf32, #tpu.memory_space<smem>>
    %broadcast_in_dim3A_56 = vector.broadcast %get3A_55 : f32 to vector<16xf32>
    %get3A_57 = arith.constant 526 : i32
    %get3A_58 = arith.index_cast %get3A_57 : i32 to index
    %get3A_59 = memref.load %arg18[%get3A_58] : memref<576xf32, #tpu.memory_space<smem>>
    %broadcast_in_dim3A_60 = vector.broadcast %get3A_59 : f32 to vector<16xf32>
    %get3A_61 = arith.constant 527 : i32
    %get3A_62 = arith.index_cast %get3A_61 : i32 to index
    %get3A_63 = memref.load %arg18[%get3A_62] : memref<576xf32, #tpu.memory_space<smem>>
    %broadcast_in_dim3A_64 = vector.broadcast %get3A_63 : f32 to vector<16xf32>
    %get3A_65 = arith.constant 560 : i32
    %get3A_66 = arith.index_cast %get3A_65 : i32 to index
    %get3A_67 = memref.load %arg18[%get3A_66] : memref<576xf32, #tpu.memory_space<smem>>
    %broadcast_in_dim3A_68 = vector.broadcast %get3A_67 : f32 to vector<16xf32>
    %iota3A = tpu.iota {dimensions = array<i32: 0>} : vector<16xi32>
    %scan3A = arith.constant 0 : i32
    %scan3A_69 = arith.constant 0 : i32
    %scan3A_70 = arith.constant 0 : i32
    %scan3A_71 = arith.constant 16 : i32
    %scan3A_72 = arith.addi %scan3A_70, %scan3A_71 : i32
    %scan3A_73 = arith.constant 1 : i32
    %scan3A_74 = scf.for %scan3A_83 = %scan3A_70 to %scan3A_72 step %scan3A_73 iter_args(%scan3A_84 = %scan3A_69) -> (i32)  : i32 {
      %add3A_85 = arith.constant 0 : i32
      %add3A_86 = arith.addi %add3A_85, %scan3A_83 : i32
      %get3A_87 = arith.index_cast %add3A_86 : i32 to index
      %get3A_88 = memref.load %arg14[%get3A_87] : memref<512xi32, #tpu.memory_space<smem>>
      %add3A_89 = arith.constant 0 : i32
      %add3A_90 = arith.addi %add3A_89, %scan3A_83 : i32
      %get3A_91 = arith.index_cast %add3A_90 : i32 to index
      %get3A_92 = memref.load %arg15[%get3A_91] : memref<512xi32, #tpu.memory_space<smem>>
      %and3A = arith.constant -16 : i32
      %and3A_93 = arith.andi %get3A_88, %and3A : i32
      %multiple_of3A = tpu.assume_multiple %and3A_93, 16 : i32
      %and3A_94 = arith.constant -16 : i32
      %and3A_95 = arith.andi %get3A_92, %and3A_94 : i32
      %multiple_of3A_96 = tpu.assume_multiple %and3A_95, 16 : i32
      %shift_right_arithmetic3A = arith.constant 3 : i32
      %shift_right_arithmetic3A_97 = arith.shrsi %scan3A_83, %shift_right_arithmetic3A : i32
      %add3A_98 = arith.constant 0 : i32
      %add3A_99 = arith.addi %add3A_98, %shift_right_arithmetic3A_97 : i32
      %and3A_100 = arith.constant 7 : i32
      %and3A_101 = arith.andi %scan3A_83, %and3A_100 : i32
      %mul3A_102 = arith.constant 16 : i32
      %mul3A_103 = arith.muli %and3A_101, %mul3A_102 : i32
      %dma_start3A = arith.constant 0 : i32
      %dma_start3A_104 = tpu.memref_slice %arg19[%add3A_99, %dma_start3A, %mul3A_103] : memref<4x16x128xf32, #tpu.memory_space<vmem>> -> memref<1x8x16xf32, #tpu.memory_space<vmem>>
      %dma_start3A_105 = tpu.memref_squeeze %dma_start3A_104 : memref<1x8x16xf32, #tpu.memory_space<vmem>> -> memref<8x16xf32, #tpu.memory_space<vmem>>
      %dma_start3A_106 = arith.constant 0 : i32
      %dma_start3A_107 = tpu.memref_slice %arg4[%dma_start3A_106, %multiple_of3A] : memref<16x1000000xf32, #tpu.memory_space<hbm>> -> memref<8x16xf32, #tpu.memory_space<hbm>>
      %dma_start3A_108 = tpu.memref_slice %arg24[%scan3A] : memref<2x!tpu.dma_semaphore, #tpu.memory_space<semaphore_mem>> -> memref<1x!tpu.dma_semaphore, #tpu.memory_space<semaphore_mem>>
      %dma_start3A_109 = tpu.memref_squeeze %dma_start3A_108 : memref<1x!tpu.dma_semaphore, #tpu.memory_space<semaphore_mem>> -> memref<!tpu.dma_semaphore, #tpu.memory_space<semaphore_mem>>
      %dma_start3A_110 = arith.constant 0 : i32
      %dma_start3A_111 = tpu.memref_slice %arg19[%add3A_99, %dma_start3A_110, %mul3A_103] : memref<4x16x128xf32, #tpu.memory_space<vmem>> -> memref<1x8x16xf32, #tpu.memory_space<vmem>>
      %dma_start3A_112 = tpu.memref_squeeze %dma_start3A_111 : memref<1x8x16xf32, #tpu.memory_space<vmem>> -> memref<8x16xf32, #tpu.memory_space<vmem>>
      %dma_start3A_113 = arith.constant 0 : i32
      %dma_start3A_114 = tpu.memref_slice %arg4[%dma_start3A_113, %multiple_of3A] : memref<16x1000000xf32, #tpu.memory_space<hbm>> -> memref<8x16xf32, #tpu.memory_space<hbm>>
      tpu.enqueue_dma source(%dma_start3A_114 : memref<8x16xf32, #tpu.memory_space<hbm>>) target(%dma_start3A_112 : memref<8x16xf32, #tpu.memory_space<vmem>>) target_semaphore(%dma_start3A_109 : memref<!tpu.dma_semaphore, #tpu.memory_space<semaphore_mem>>)
      %dma_start3A_115 = arith.constant 0 : i32
      %dma_start3A_116 = tpu.memref_slice %arg20[%add3A_99, %dma_start3A_115, %mul3A_103] : memref<4x16x128xf32, #tpu.memory_space<vmem>> -> memref<1x8x16xf32, #tpu.memory_space<vmem>>
      %dma_start3A_117 = tpu.memref_squeeze %dma_start3A_116 : memref<1x8x16xf32, #tpu.memory_space<vmem>> -> memref<8x16xf32, #tpu.memory_space<vmem>>
      %dma_start3A_118 = arith.constant 0 : i32
      %dma_start3A_119 = tpu.memref_slice %arg5[%dma_start3A_118, %multiple_of3A_96] : memref<16x1000000xf32, #tpu.memory_space<hbm>> -> memref<8x16xf32, #tpu.memory_space<hbm>>
      %dma_start3A_120 = tpu.memref_slice %arg24[%scan3A] : memref<2x!tpu.dma_semaphore, #tpu.memory_space<semaphore_mem>> -> memref<1x!tpu.dma_semaphore, #tpu.memory_space<semaphore_mem>>
      %dma_start3A_121 = tpu.memref_squeeze %dma_start3A_120 : memref<1x!tpu.dma_semaphore, #tpu.memory_space<semaphore_mem>> -> memref<!tpu.dma_semaphore, #tpu.memory_space<semaphore_mem>>
      %dma_start3A_122 = arith.constant 0 : i32
      %dma_start3A_123 = tpu.memref_slice %arg20[%add3A_99, %dma_start3A_122, %mul3A_103] : memref<4x16x128xf32, #tpu.memory_space<vmem>> -> memref<1x8x16xf32, #tpu.memory_space<vmem>>
      %dma_start3A_124 = tpu.memref_squeeze %dma_start3A_123 : memref<1x8x16xf32, #tpu.memory_space<vmem>> -> memref<8x16xf32, #tpu.memory_space<vmem>>
      %dma_start3A_125 = arith.constant 0 : i32
      %dma_start3A_126 = tpu.memref_slice %arg5[%dma_start3A_125, %multiple_of3A_96] : memref<16x1000000xf32, #tpu.memory_space<hbm>> -> memref<8x16xf32, #tpu.memory_space<hbm>>
      tpu.enqueue_dma source(%dma_start3A_126 : memref<8x16xf32, #tpu.memory_space<hbm>>) target(%dma_start3A_124 : memref<8x16xf32, #tpu.memory_space<vmem>>) target_semaphore(%dma_start3A_121 : memref<!tpu.dma_semaphore, #tpu.memory_space<semaphore_mem>>)
      %dma_start3A_127 = arith.constant 0 : i32
      %dma_start3A_128 = tpu.memref_slice %arg21[%add3A_99, %dma_start3A_127, %mul3A_103] : memref<4x16x128xf32, #tpu.memory_space<vmem>> -> memref<1x8x16xf32, #tpu.memory_space<vmem>>
      %dma_start3A_129 = tpu.memref_squeeze %dma_start3A_128 : memref<1x8x16xf32, #tpu.memory_space<vmem>> -> memref<8x16xf32, #tpu.memory_space<vmem>>
      %dma_start3A_130 = arith.constant 0 : i32
      %dma_start3A_131 = tpu.memref_slice %arg6[%dma_start3A_130, %multiple_of3A] : memref<16x1000000xf32, #tpu.memory_space<hbm>> -> memref<8x16xf32, #tpu.memory_space<hbm>>
      %dma_start3A_132 = tpu.memref_slice %arg24[%scan3A] : memref<2x!tpu.dma_semaphore, #tpu.memory_space<semaphore_mem>> -> memref<1x!tpu.dma_semaphore, #tpu.memory_space<semaphore_mem>>
      %dma_start3A_133 = tpu.memref_squeeze %dma_start3A_132 : memref<1x!tpu.dma_semaphore, #tpu.memory_space<semaphore_mem>> -> memref<!tpu.dma_semaphore, #tpu.memory_space<semaphore_mem>>
      %dma_start3A_134 = arith.constant 0 : i32
      %dma_start3A_135 = tpu.memref_slice %arg21[%add3A_99, %dma_start3A_134, %mul3A_103] : memref<4x16x128xf32, #tpu.memory_space<vmem>> -> memref<1x8x16xf32, #tpu.memory_space<vmem>>
      %dma_start3A_136 = tpu.memref_squeeze %dma_start3A_135 : memref<1x8x16xf32, #tpu.memory_space<vmem>> -> memref<8x16xf32, #tpu.memory_space<vmem>>
      %dma_start3A_137 = arith.constant 0 : i32
      %dma_start3A_138 = tpu.memref_slice %arg6[%dma_start3A_137, %multiple_of3A] : memref<16x1000000xf32, #tpu.memory_space<hbm>> -> memref<8x16xf32, #tpu.memory_space<hbm>>
      tpu.enqueue_dma source(%dma_start3A_138 : memref<8x16xf32, #tpu.memory_space<hbm>>) target(%dma_start3A_136 : memref<8x16xf32, #tpu.memory_space<vmem>>) target_semaphore(%dma_start3A_133 : memref<!tpu.dma_semaphore, #tpu.memory_space<semaphore_mem>>)
      %dma_start3A_139 = arith.constant 0 : i32
      %dma_start3A_140 = tpu.memref_slice %arg22[%add3A_99, %dma_start3A_139, %mul3A_103] : memref<4x16x128xf32, #tpu.memory_space<vmem>> -> memref<1x8x16xf32, #tpu.memory_space<vmem>>
      %dma_start3A_141 = tpu.memref_squeeze %dma_start3A_140 : memref<1x8x16xf32, #tpu.memory_space<vmem>> -> memref<8x16xf32, #tpu.memory_space<vmem>>
      %dma_start3A_142 = arith.constant 0 : i32
      %dma_start3A_143 = tpu.memref_slice %arg7[%dma_start3A_142, %multiple_of3A_96] : memref<16x1000000xf32, #tpu.memory_space<hbm>> -> memref<8x16xf32, #tpu.memory_space<hbm>>
      %dma_start3A_144 = tpu.memref_slice %arg24[%scan3A] : memref<2x!tpu.dma_semaphore, #tpu.memory_space<semaphore_mem>> -> memref<1x!tpu.dma_semaphore, #tpu.memory_space<semaphore_mem>>
      %dma_start3A_145 = tpu.memref_squeeze %dma_start3A_144 : memref<1x!tpu.dma_semaphore, #tpu.memory_space<semaphore_mem>> -> memref<!tpu.dma_semaphore, #tpu.memory_space<semaphore_mem>>
      %dma_start3A_146 = arith.constant 0 : i32
      %dma_start3A_147 = tpu.memref_slice %arg22[%add3A_99, %dma_start3A_146, %mul3A_103] : memref<4x16x128xf32, #tpu.memory_space<vmem>> -> memref<1x8x16xf32, #tpu.memory_space<vmem>>
      %dma_start3A_148 = tpu.memref_squeeze %dma_start3A_147 : memref<1x8x16xf32, #tpu.memory_space<vmem>> -> memref<8x16xf32, #tpu.memory_space<vmem>>
      %dma_start3A_149 = arith.constant 0 : i32
      %dma_start3A_150 = tpu.memref_slice %arg7[%dma_start3A_149, %multiple_of3A_96] : memref<16x1000000xf32, #tpu.memory_space<hbm>> -> memref<8x16xf32, #tpu.memory_space<hbm>>
      tpu.enqueue_dma source(%dma_start3A_150 : memref<8x16xf32, #tpu.memory_space<hbm>>) target(%dma_start3A_148 : memref<8x16xf32, #tpu.memory_space<vmem>>) target_semaphore(%dma_start3A_145 : memref<!tpu.dma_semaphore, #tpu.memory_space<semaphore_mem>>)
      %dma_start3A_151 = arith.constant 8 : i32
      %dma_start3A_152 = tpu.memref_slice %arg19[%add3A_99, %dma_start3A_151, %mul3A_103] : memref<4x16x128xf32, #tpu.memory_space<vmem>> -> memref<1x8x16xf32, #tpu.memory_space<vmem>>
      %dma_start3A_153 = tpu.memref_squeeze %dma_start3A_152 : memref<1x8x16xf32, #tpu.memory_space<vmem>> -> memref<8x16xf32, #tpu.memory_space<vmem>>
      %dma_start3A_154 = arith.constant 8 : i32
      %dma_start3A_155 = tpu.memref_slice %arg4[%dma_start3A_154, %multiple_of3A] : memref<16x1000000xf32, #tpu.memory_space<hbm>> -> memref<8x16xf32, #tpu.memory_space<hbm>>
      %dma_start3A_156 = tpu.memref_slice %arg24[%scan3A] : memref<2x!tpu.dma_semaphore, #tpu.memory_space<semaphore_mem>> -> memref<1x!tpu.dma_semaphore, #tpu.memory_space<semaphore_mem>>
      %dma_start3A_157 = tpu.memref_squeeze %dma_start3A_156 : memref<1x!tpu.dma_semaphore, #tpu.memory_space<semaphore_mem>> -> memref<!tpu.dma_semaphore, #tpu.memory_space<semaphore_mem>>
      %dma_start3A_158 = arith.constant 8 : i32
      %dma_start3A_159 = tpu.memref_slice %arg19[%add3A_99, %dma_start3A_158, %mul3A_103] : memref<4x16x128xf32, #tpu.memory_space<vmem>> -> memref<1x8x16xf32, #tpu.memory_space<vmem>>
      %dma_start3A_160 = tpu.memref_squeeze %dma_start3A_159 : memref<1x8x16xf32, #tpu.memory_space<vmem>> -> memref<8x16xf32, #tpu.memory_space<vmem>>
      %dma_start3A_161 = arith.constant 8 : i32
      %dma_start3A_162 = tpu.memref_slice %arg4[%dma_start3A_161, %multiple_of3A] : memref<16x1000000xf32, #tpu.memory_space<hbm>> -> memref<8x16xf32, #tpu.memory_space<hbm>>
      tpu.enqueue_dma source(%dma_start3A_162 : memref<8x16xf32, #tpu.memory_space<hbm>>) target(%dma_start3A_160 : memref<8x16xf32, #tpu.memory_space<vmem>>) target_semaphore(%dma_start3A_157 : memref<!tpu.dma_semaphore, #tpu.memory_space<semaphore_mem>>)
      %dma_start3A_163 = arith.constant 8 : i32
      %dma_start3A_164 = tpu.memref_slice %arg20[%add3A_99, %dma_start3A_163, %mul3A_103] : memref<4x16x128xf32, #tpu.memory_space<vmem>> -> memref<1x8x16xf32, #tpu.memory_space<vmem>>
      %dma_start3A_165 = tpu.memref_squeeze %dma_start3A_164 : memref<1x8x16xf32, #tpu.memory_space<vmem>> -> memref<8x16xf32, #tpu.memory_space<vmem>>
      %dma_start3A_166 = arith.constant 8 : i32
      %dma_start3A_167 = tpu.memref_slice %arg5[%dma_start3A_166, %multiple_of3A_96] : memref<16x1000000xf32, #tpu.memory_space<hbm>> -> memref<8x16xf32, #tpu.memory_space<hbm>>
      %dma_start3A_168 = tpu.memref_slice %arg24[%scan3A] : memref<2x!tpu.dma_semaphore, #tpu.memory_space<semaphore_mem>> -> memref<1x!tpu.dma_semaphore, #tpu.memory_space<semaphore_mem>>
      %dma_start3A_169 = tpu.memref_squeeze %dma_start3A_168 : memref<1x!tpu.dma_semaphore, #tpu.memory_space<semaphore_mem>> -> memref<!tpu.dma_semaphore, #tpu.memory_space<semaphore_mem>>
      %dma_start3A_170 = arith.constant 8 : i32
      %dma_start3A_171 = tpu.memref_slice %arg20[%add3A_99, %dma_start3A_170, %mul3A_103] : memref<4x16x128xf32, #tpu.memory_space<vmem>> -> memref<1x8x16xf32, #tpu.memory_space<vmem>>
      %dma_start3A_172 = tpu.memref_squeeze %dma_start3A_171 : memref<1x8x16xf32, #tpu.memory_space<vmem>> -> memref<8x16xf32, #tpu.memory_space<vmem>>
      %dma_start3A_173 = arith.constant 8 : i32
      %dma_start3A_174 = tpu.memref_slice %arg5[%dma_start3A_173, %multiple_of3A_96] : memref<16x1000000xf32, #tpu.memory_space<hbm>> -> memref<8x16xf32, #tpu.memory_space<hbm>>
      tpu.enqueue_dma source(%dma_start3A_174 : memref<8x16xf32, #tpu.memory_space<hbm>>) target(%dma_start3A_172 : memref<8x16xf32, #tpu.memory_space<vmem>>) target_semaphore(%dma_start3A_169 : memref<!tpu.dma_semaphore, #tpu.memory_space<semaphore_mem>>)
      %dma_start3A_175 = arith.constant 8 : i32
      %dma_start3A_176 = tpu.memref_slice %arg21[%add3A_99, %dma_start3A_175, %mul3A_103] : memref<4x16x128xf32, #tpu.memory_space<vmem>> -> memref<1x8x16xf32, #tpu.memory_space<vmem>>
      %dma_start3A_177 = tpu.memref_squeeze %dma_start3A_176 : memref<1x8x16xf32, #tpu.memory_space<vmem>> -> memref<8x16xf32, #tpu.memory_space<vmem>>
      %dma_start3A_178 = arith.constant 8 : i32
      %dma_start3A_179 = tpu.memref_slice %arg6[%dma_start3A_178, %multiple_of3A] : memref<16x1000000xf32, #tpu.memory_space<hbm>> -> memref<8x16xf32, #tpu.memory_space<hbm>>
      %dma_start3A_180 = tpu.memref_slice %arg24[%scan3A] : memref<2x!tpu.dma_semaphore, #tpu.memory_space<semaphore_mem>> -> memref<1x!tpu.dma_semaphore, #tpu.memory_space<semaphore_mem>>
      %dma_start3A_181 = tpu.memref_squeeze %dma_start3A_180 : memref<1x!tpu.dma_semaphore, #tpu.memory_space<semaphore_mem>> -> memref<!tpu.dma_semaphore, #tpu.memory_space<semaphore_mem>>
      %dma_start3A_182 = arith.constant 8 : i32
      %dma_start3A_183 = tpu.memref_slice %arg21[%add3A_99, %dma_start3A_182, %mul3A_103] : memref<4x16x128xf32, #tpu.memory_space<vmem>> -> memref<1x8x16xf32, #tpu.memory_space<vmem>>
      %dma_start3A_184 = tpu.memref_squeeze %dma_start3A_183 : memref<1x8x16xf32, #tpu.memory_space<vmem>> -> memref<8x16xf32, #tpu.memory_space<vmem>>
      %dma_start3A_185 = arith.constant 8 : i32
      %dma_start3A_186 = tpu.memref_slice %arg6[%dma_start3A_185, %multiple_of3A] : memref<16x1000000xf32, #tpu.memory_space<hbm>> -> memref<8x16xf32, #tpu.memory_space<hbm>>
      tpu.enqueue_dma source(%dma_start3A_186 : memref<8x16xf32, #tpu.memory_space<hbm>>) target(%dma_start3A_184 : memref<8x16xf32, #tpu.memory_space<vmem>>) target_semaphore(%dma_start3A_181 : memref<!tpu.dma_semaphore, #tpu.memory_space<semaphore_mem>>)
      %dma_start3A_187 = arith.constant 8 : i32
      %dma_start3A_188 = tpu.memref_slice %arg22[%add3A_99, %dma_start3A_187, %mul3A_103] : memref<4x16x128xf32, #tpu.memory_space<vmem>> -> memref<1x8x16xf32, #tpu.memory_space<vmem>>
      %dma_start3A_189 = tpu.memref_squeeze %dma_start3A_188 : memref<1x8x16xf32, #tpu.memory_space<vmem>> -> memref<8x16xf32, #tpu.memory_space<vmem>>
      %dma_start3A_190 = arith.constant 8 : i32
      %dma_start3A_191 = tpu.memref_slice %arg7[%dma_start3A_190, %multiple_of3A_96] : memref<16x1000000xf32, #tpu.memory_space<hbm>> -> memref<8x16xf32, #tpu.memory_space<hbm>>
      %dma_start3A_192 = tpu.memref_slice %arg24[%scan3A] : memref<2x!tpu.dma_semaphore, #tpu.memory_space<semaphore_mem>> -> memref<1x!tpu.dma_semaphore, #tpu.memory_space<semaphore_mem>>
      %dma_start3A_193 = tpu.memref_squeeze %dma_start3A_192 : memref<1x!tpu.dma_semaphore, #tpu.memory_space<semaphore_mem>> -> memref<!tpu.dma_semaphore, #tpu.memory_space<semaphore_mem>>
      %dma_start3A_194 = arith.constant 8 : i32
      %dma_start3A_195 = tpu.memref_slice %arg22[%add3A_99, %dma_start3A_194, %mul3A_103] : memref<4x16x128xf32, #tpu.memory_space<vmem>> -> memref<1x8x16xf32, #tpu.memory_space<vmem>>
      %dma_start3A_196 = tpu.memref_squeeze %dma_start3A_195 : memref<1x8x16xf32, #tpu.memory_space<vmem>> -> memref<8x16xf32, #tpu.memory_space<vmem>>
      %dma_start3A_197 = arith.constant 8 : i32
      %dma_start3A_198 = tpu.memref_slice %arg7[%dma_start3A_197, %multiple_of3A_96] : memref<16x1000000xf32, #tpu.memory_space<hbm>> -> memref<8x16xf32, #tpu.memory_space<hbm>>
      tpu.enqueue_dma source(%dma_start3A_198 : memref<8x16xf32, #tpu.memory_space<hbm>>) target(%dma_start3A_196 : memref<8x16xf32, #tpu.memory_space<vmem>>) target_semaphore(%dma_start3A_193 : memref<!tpu.dma_semaphore, #tpu.memory_space<semaphore_mem>>)
      %scan3A_199 = arith.constant 0 : i32
      scf.yield %scan3A_199 : i32
    }
    %scan3A_75 = arith.constant 16 : i32
    %scan3A_76 = arith.constant 0 : i32
    %scan3A_77 = arith.constant 0 : i32
    %scan3A_78 = arith.constant 32 : i32
    %scan3A_79 = arith.addi %scan3A_77, %scan3A_78 : i32
    %scan3A_80 = arith.constant 1 : i32
    %scan3A_81 = scf.for %scan3A_83 = %scan3A_77 to %scan3A_79 step %scan3A_80 iter_args(%scan3A_84 = %scan3A_76) -> (i32)  : i32 {
      %rem3A = arith.constant 2 : i32
      %rem3A_85 = arith.remsi %scan3A_83, %rem3A : i32
      %add3A_86 = arith.constant 1 : i32
      %add3A_87 = arith.addi %scan3A_83, %add3A_86 : i32
      %lt3A = arith.constant 32 : i32
      %lt3A_88 = arith.cmpi slt, %add3A_87, %lt3A : i32
      %convert_element_type3A = arith.extui %lt3A_88 : i1 to i32
      %cond3A = arith.constant 0 : i32
      %cond3A_89 = arith.cmpi ne, %convert_element_type3A, %cond3A : i32
      scf.if %cond3A_89 {
        %add3A_458 = arith.constant 1 : i32
        %add3A_459 = arith.addi %scan3A_83, %add3A_458 : i32
        %sub3A = arith.constant 1 : i32
        %sub3A_460 = arith.subi %sub3A, %rem3A_85 : i32
        %scan3A_461 = arith.constant 0 : i32
        %scan3A_462 = arith.constant 0 : i32
        %scan3A_463 = arith.constant 16 : i32
        %scan3A_464 = arith.addi %scan3A_462, %scan3A_463 : i32
        %scan3A_465 = arith.constant 1 : i32
        %scan3A_466 = scf.for %scan3A_468 = %scan3A_462 to %scan3A_464 step %scan3A_465 iter_args(%scan3A_469 = %scan3A_461) -> (i32)  : i32 {
          %mul3A_470 = arith.constant 16 : i32
          %mul3A_471 = arith.muli %add3A_459, %mul3A_470 : i32
          %add3A_472 = arith.addi %mul3A_471, %scan3A_468 : i32
          %get3A_473 = arith.index_cast %add3A_472 : i32 to index
          %get3A_474 = memref.load %arg14[%get3A_473] : memref<512xi32, #tpu.memory_space<smem>>
          %mul3A_475 = arith.constant 16 : i32
          %mul3A_476 = arith.muli %add3A_459, %mul3A_475 : i32
          %add3A_477 = arith.addi %mul3A_476, %scan3A_468 : i32
          %get3A_478 = arith.index_cast %add3A_477 : i32 to index
          %get3A_479 = memref.load %arg15[%get3A_478] : memref<512xi32, #tpu.memory_space<smem>>
          %and3A_480 = arith.constant -16 : i32
          %and3A_481 = arith.andi %get3A_474, %and3A_480 : i32
          %multiple_of3A = tpu.assume_multiple %and3A_481, 16 : i32
          %and3A_482 = arith.constant -16 : i32
          %and3A_483 = arith.andi %get3A_479, %and3A_482 : i32
          %multiple_of3A_484 = tpu.assume_multiple %and3A_483, 16 : i32
          %mul3A_485 = arith.constant 2 : i32
          %mul3A_486 = arith.muli %sub3A_460, %mul3A_485 : i32
          %shift_right_arithmetic3A_487 = arith.constant 3 : i32
          %shift_right_arithmetic3A_488 = arith.shrsi %scan3A_468, %shift_right_arithmetic3A_487 : i32
          %add3A_489 = arith.addi %mul3A_486, %shift_right_arithmetic3A_488 : i32
          %and3A_490 = arith.constant 7 : i32
          %and3A_491 = arith.andi %scan3A_468, %and3A_490 : i32
          %mul3A_492 = arith.constant 16 : i32
          %mul3A_493 = arith.muli %and3A_491, %mul3A_492 : i32
          %dma_start3A = arith.constant 0 : i32
          %dma_start3A_494 = tpu.memref_slice %arg19[%add3A_489, %dma_start3A, %mul3A_493] : memref<4x16x128xf32, #tpu.memory_space<vmem>> -> memref<1x8x16xf32, #tpu.memory_space<vmem>>
          %dma_start3A_495 = tpu.memref_squeeze %dma_start3A_494 : memref<1x8x16xf32, #tpu.memory_space<vmem>> -> memref<8x16xf32, #tpu.memory_space<vmem>>
          %dma_start3A_496 = arith.constant 0 : i32
          %dma_start3A_497 = tpu.memref_slice %arg4[%dma_start3A_496, %multiple_of3A] : memref<16x1000000xf32, #tpu.memory_space<hbm>> -> memref<8x16xf32, #tpu.memory_space<hbm>>
          %dma_start3A_498 = tpu.memref_slice %arg24[%sub3A_460] : memref<2x!tpu.dma_semaphore, #tpu.memory_space<semaphore_mem>> -> memref<1x!tpu.dma_semaphore, #tpu.memory_space<semaphore_mem>>
          %dma_start3A_499 = tpu.memref_squeeze %dma_start3A_498 : memref<1x!tpu.dma_semaphore, #tpu.memory_space<semaphore_mem>> -> memref<!tpu.dma_semaphore, #tpu.memory_space<semaphore_mem>>
          %dma_start3A_500 = arith.constant 0 : i32
          %dma_start3A_501 = tpu.memref_slice %arg19[%add3A_489, %dma_start3A_500, %mul3A_493] : memref<4x16x128xf32, #tpu.memory_space<vmem>> -> memref<1x8x16xf32, #tpu.memory_space<vmem>>
          %dma_start3A_502 = tpu.memref_squeeze %dma_start3A_501 : memref<1x8x16xf32, #tpu.memory_space<vmem>> -> memref<8x16xf32, #tpu.memory_space<vmem>>
          %dma_start3A_503 = arith.constant 0 : i32
          %dma_start3A_504 = tpu.memref_slice %arg4[%dma_start3A_503, %multiple_of3A] : memref<16x1000000xf32, #tpu.memory_space<hbm>> -> memref<8x16xf32, #tpu.memory_space<hbm>>
          tpu.enqueue_dma source(%dma_start3A_504 : memref<8x16xf32, #tpu.memory_space<hbm>>) target(%dma_start3A_502 : memref<8x16xf32, #tpu.memory_space<vmem>>) target_semaphore(%dma_start3A_499 : memref<!tpu.dma_semaphore, #tpu.memory_space<semaphore_mem>>)
          %dma_start3A_505 = arith.constant 0 : i32
          %dma_start3A_506 = tpu.memref_slice %arg20[%add3A_489, %dma_start3A_505, %mul3A_493] : memref<4x16x128xf32, #tpu.memory_space<vmem>> -> memref<1x8x16xf32, #tpu.memory_space<vmem>>
          %dma_start3A_507 = tpu.memref_squeeze %dma_start3A_506 : memref<1x8x16xf32, #tpu.memory_space<vmem>> -> memref<8x16xf32, #tpu.memory_space<vmem>>
          %dma_start3A_508 = arith.constant 0 : i32
          %dma_start3A_509 = tpu.memref_slice %arg5[%dma_start3A_508, %multiple_of3A_484] : memref<16x1000000xf32, #tpu.memory_space<hbm>> -> memref<8x16xf32, #tpu.memory_space<hbm>>
          %dma_start3A_510 = tpu.memref_slice %arg24[%sub3A_460] : memref<2x!tpu.dma_semaphore, #tpu.memory_space<semaphore_mem>> -> memref<1x!tpu.dma_semaphore, #tpu.memory_space<semaphore_mem>>
          %dma_start3A_511 = tpu.memref_squeeze %dma_start3A_510 : memref<1x!tpu.dma_semaphore, #tpu.memory_space<semaphore_mem>> -> memref<!tpu.dma_semaphore, #tpu.memory_space<semaphore_mem>>
          %dma_start3A_512 = arith.constant 0 : i32
          %dma_start3A_513 = tpu.memref_slice %arg20[%add3A_489, %dma_start3A_512, %mul3A_493] : memref<4x16x128xf32, #tpu.memory_space<vmem>> -> memref<1x8x16xf32, #tpu.memory_space<vmem>>
          %dma_start3A_514 = tpu.memref_squeeze %dma_start3A_513 : memref<1x8x16xf32, #tpu.memory_space<vmem>> -> memref<8x16xf32, #tpu.memory_space<vmem>>
          %dma_start3A_515 = arith.constant 0 : i32
          %dma_start3A_516 = tpu.memref_slice %arg5[%dma_start3A_515, %multiple_of3A_484] : memref<16x1000000xf32, #tpu.memory_space<hbm>> -> memref<8x16xf32, #tpu.memory_space<hbm>>
          tpu.enqueue_dma source(%dma_start3A_516 : memref<8x16xf32, #tpu.memory_space<hbm>>) target(%dma_start3A_514 : memref<8x16xf32, #tpu.memory_space<vmem>>) target_semaphore(%dma_start3A_511 : memref<!tpu.dma_semaphore, #tpu.memory_space<semaphore_mem>>)
          %dma_start3A_517 = arith.constant 0 : i32
          %dma_start3A_518 = tpu.memref_slice %arg21[%add3A_489, %dma_start3A_517, %mul3A_493] : memref<4x16x128xf32, #tpu.memory_space<vmem>> -> memref<1x8x16xf32, #tpu.memory_space<vmem>>
          %dma_start3A_519 = tpu.memref_squeeze %dma_start3A_518 : memref<1x8x16xf32, #tpu.memory_space<vmem>> -> memref<8x16xf32, #tpu.memory_space<vmem>>
          %dma_start3A_520 = arith.constant 0 : i32
          %dma_start3A_521 = tpu.memref_slice %arg6[%dma_start3A_520, %multiple_of3A] : memref<16x1000000xf32, #tpu.memory_space<hbm>> -> memref<8x16xf32, #tpu.memory_space<hbm>>
          %dma_start3A_522 = tpu.memref_slice %arg24[%sub3A_460] : memref<2x!tpu.dma_semaphore, #tpu.memory_space<semaphore_mem>> -> memref<1x!tpu.dma_semaphore, #tpu.memory_space<semaphore_mem>>
          %dma_start3A_523 = tpu.memref_squeeze %dma_start3A_522 : memref<1x!tpu.dma_semaphore, #tpu.memory_space<semaphore_mem>> -> memref<!tpu.dma_semaphore, #tpu.memory_space<semaphore_mem>>
          %dma_start3A_524 = arith.constant 0 : i32
          %dma_start3A_525 = tpu.memref_slice %arg21[%add3A_489, %dma_start3A_524, %mul3A_493] : memref<4x16x128xf32, #tpu.memory_space<vmem>> -> memref<1x8x16xf32, #tpu.memory_space<vmem>>
          %dma_start3A_526 = tpu.memref_squeeze %dma_start3A_525 : memref<1x8x16xf32, #tpu.memory_space<vmem>> -> memref<8x16xf32, #tpu.memory_space<vmem>>
          %dma_start3A_527 = arith.constant 0 : i32
          %dma_start3A_528 = tpu.memref_slice %arg6[%dma_start3A_527, %multiple_of3A] : memref<16x1000000xf32, #tpu.memory_space<hbm>> -> memref<8x16xf32, #tpu.memory_space<hbm>>
          tpu.enqueue_dma source(%dma_start3A_528 : memref<8x16xf32, #tpu.memory_space<hbm>>) target(%dma_start3A_526 : memref<8x16xf32, #tpu.memory_space<vmem>>) target_semaphore(%dma_start3A_523 : memref<!tpu.dma_semaphore, #tpu.memory_space<semaphore_mem>>)
          %dma_start3A_529 = arith.constant 0 : i32
          %dma_start3A_530 = tpu.memref_slice %arg22[%add3A_489, %dma_start3A_529, %mul3A_493] : memref<4x16x128xf32, #tpu.memory_space<vmem>> -> memref<1x8x16xf32, #tpu.memory_space<vmem>>
          %dma_start3A_531 = tpu.memref_squeeze %dma_start3A_530 : memref<1x8x16xf32, #tpu.memory_space<vmem>> -> memref<8x16xf32, #tpu.memory_space<vmem>>
          %dma_start3A_532 = arith.constant 0 : i32
          %dma_start3A_533 = tpu.memref_slice %arg7[%dma_start3A_532, %multiple_of3A_484] : memref<16x1000000xf32, #tpu.memory_space<hbm>> -> memref<8x16xf32, #tpu.memory_space<hbm>>
          %dma_start3A_534 = tpu.memref_slice %arg24[%sub3A_460] : memref<2x!tpu.dma_semaphore, #tpu.memory_space<semaphore_mem>> -> memref<1x!tpu.dma_semaphore, #tpu.memory_space<semaphore_mem>>
          %dma_start3A_535 = tpu.memref_squeeze %dma_start3A_534 : memref<1x!tpu.dma_semaphore, #tpu.memory_space<semaphore_mem>> -> memref<!tpu.dma_semaphore, #tpu.memory_space<semaphore_mem>>
          %dma_start3A_536 = arith.constant 0 : i32
          %dma_start3A_537 = tpu.memref_slice %arg22[%add3A_489, %dma_start3A_536, %mul3A_493] : memref<4x16x128xf32, #tpu.memory_space<vmem>> -> memref<1x8x16xf32, #tpu.memory_space<vmem>>
          %dma_start3A_538 = tpu.memref_squeeze %dma_start3A_537 : memref<1x8x16xf32, #tpu.memory_space<vmem>> -> memref<8x16xf32, #tpu.memory_space<vmem>>
          %dma_start3A_539 = arith.constant 0 : i32
          %dma_start3A_540 = tpu.memref_slice %arg7[%dma_start3A_539, %multiple_of3A_484] : memref<16x1000000xf32, #tpu.memory_space<hbm>> -> memref<8x16xf32, #tpu.memory_space<hbm>>
          tpu.enqueue_dma source(%dma_start3A_540 : memref<8x16xf32, #tpu.memory_space<hbm>>) target(%dma_start3A_538 : memref<8x16xf32, #tpu.memory_space<vmem>>) target_semaphore(%dma_start3A_535 : memref<!tpu.dma_semaphore, #tpu.memory_space<semaphore_mem>>)
          %dma_start3A_541 = arith.constant 8 : i32
          %dma_start3A_542 = tpu.memref_slice %arg19[%add3A_489, %dma_start3A_541, %mul3A_493] : memref<4x16x128xf32, #tpu.memory_space<vmem>> -> memref<1x8x16xf32, #tpu.memory_space<vmem>>
          %dma_start3A_543 = tpu.memref_squeeze %dma_start3A_542 : memref<1x8x16xf32, #tpu.memory_space<vmem>> -> memref<8x16xf32, #tpu.memory_space<vmem>>
          %dma_start3A_544 = arith.constant 8 : i32
          %dma_start3A_545 = tpu.memref_slice %arg4[%dma_start3A_544, %multiple_of3A] : memref<16x1000000xf32, #tpu.memory_space<hbm>> -> memref<8x16xf32, #tpu.memory_space<hbm>>
          %dma_start3A_546 = tpu.memref_slice %arg24[%sub3A_460] : memref<2x!tpu.dma_semaphore, #tpu.memory_space<semaphore_mem>> -> memref<1x!tpu.dma_semaphore, #tpu.memory_space<semaphore_mem>>
          %dma_start3A_547 = tpu.memref_squeeze %dma_start3A_546 : memref<1x!tpu.dma_semaphore, #tpu.memory_space<semaphore_mem>> -> memref<!tpu.dma_semaphore, #tpu.memory_space<semaphore_mem>>
          %dma_start3A_548 = arith.constant 8 : i32
          %dma_start3A_549 = tpu.memref_slice %arg19[%add3A_489, %dma_start3A_548, %mul3A_493] : memref<4x16x128xf32, #tpu.memory_space<vmem>> -> memref<1x8x16xf32, #tpu.memory_space<vmem>>
          %dma_start3A_550 = tpu.memref_squeeze %dma_start3A_549 : memref<1x8x16xf32, #tpu.memory_space<vmem>> -> memref<8x16xf32, #tpu.memory_space<vmem>>
          %dma_start3A_551 = arith.constant 8 : i32
          %dma_start3A_552 = tpu.memref_slice %arg4[%dma_start3A_551, %multiple_of3A] : memref<16x1000000xf32, #tpu.memory_space<hbm>> -> memref<8x16xf32, #tpu.memory_space<hbm>>
          tpu.enqueue_dma source(%dma_start3A_552 : memref<8x16xf32, #tpu.memory_space<hbm>>) target(%dma_start3A_550 : memref<8x16xf32, #tpu.memory_space<vmem>>) target_semaphore(%dma_start3A_547 : memref<!tpu.dma_semaphore, #tpu.memory_space<semaphore_mem>>)
          %dma_start3A_553 = arith.constant 8 : i32
          %dma_start3A_554 = tpu.memref_slice %arg20[%add3A_489, %dma_start3A_553, %mul3A_493] : memref<4x16x128xf32, #tpu.memory_space<vmem>> -> memref<1x8x16xf32, #tpu.memory_space<vmem>>
          %dma_start3A_555 = tpu.memref_squeeze %dma_start3A_554 : memref<1x8x16xf32, #tpu.memory_space<vmem>> -> memref<8x16xf32, #tpu.memory_space<vmem>>
          %dma_start3A_556 = arith.constant 8 : i32
          %dma_start3A_557 = tpu.memref_slice %arg5[%dma_start3A_556, %multiple_of3A_484] : memref<16x1000000xf32, #tpu.memory_space<hbm>> -> memref<8x16xf32, #tpu.memory_space<hbm>>
          %dma_start3A_558 = tpu.memref_slice %arg24[%sub3A_460] : memref<2x!tpu.dma_semaphore, #tpu.memory_space<semaphore_mem>> -> memref<1x!tpu.dma_semaphore, #tpu.memory_space<semaphore_mem>>
          %dma_start3A_559 = tpu.memref_squeeze %dma_start3A_558 : memref<1x!tpu.dma_semaphore, #tpu.memory_space<semaphore_mem>> -> memref<!tpu.dma_semaphore, #tpu.memory_space<semaphore_mem>>
          %dma_start3A_560 = arith.constant 8 : i32
          %dma_start3A_561 = tpu.memref_slice %arg20[%add3A_489, %dma_start3A_560, %mul3A_493] : memref<4x16x128xf32, #tpu.memory_space<vmem>> -> memref<1x8x16xf32, #tpu.memory_space<vmem>>
          %dma_start3A_562 = tpu.memref_squeeze %dma_start3A_561 : memref<1x8x16xf32, #tpu.memory_space<vmem>> -> memref<8x16xf32, #tpu.memory_space<vmem>>
          %dma_start3A_563 = arith.constant 8 : i32
          %dma_start3A_564 = tpu.memref_slice %arg5[%dma_start3A_563, %multiple_of3A_484] : memref<16x1000000xf32, #tpu.memory_space<hbm>> -> memref<8x16xf32, #tpu.memory_space<hbm>>
          tpu.enqueue_dma source(%dma_start3A_564 : memref<8x16xf32, #tpu.memory_space<hbm>>) target(%dma_start3A_562 : memref<8x16xf32, #tpu.memory_space<vmem>>) target_semaphore(%dma_start3A_559 : memref<!tpu.dma_semaphore, #tpu.memory_space<semaphore_mem>>)
          %dma_start3A_565 = arith.constant 8 : i32
          %dma_start3A_566 = tpu.memref_slice %arg21[%add3A_489, %dma_start3A_565, %mul3A_493] : memref<4x16x128xf32, #tpu.memory_space<vmem>> -> memref<1x8x16xf32, #tpu.memory_space<vmem>>
          %dma_start3A_567 = tpu.memref_squeeze %dma_start3A_566 : memref<1x8x16xf32, #tpu.memory_space<vmem>> -> memref<8x16xf32, #tpu.memory_space<vmem>>
          %dma_start3A_568 = arith.constant 8 : i32
          %dma_start3A_569 = tpu.memref_slice %arg6[%dma_start3A_568, %multiple_of3A] : memref<16x1000000xf32, #tpu.memory_space<hbm>> -> memref<8x16xf32, #tpu.memory_space<hbm>>
          %dma_start3A_570 = tpu.memref_slice %arg24[%sub3A_460] : memref<2x!tpu.dma_semaphore, #tpu.memory_space<semaphore_mem>> -> memref<1x!tpu.dma_semaphore, #tpu.memory_space<semaphore_mem>>
          %dma_start3A_571 = tpu.memref_squeeze %dma_start3A_570 : memref<1x!tpu.dma_semaphore, #tpu.memory_space<semaphore_mem>> -> memref<!tpu.dma_semaphore, #tpu.memory_space<semaphore_mem>>
          %dma_start3A_572 = arith.constant 8 : i32
          %dma_start3A_573 = tpu.memref_slice %arg21[%add3A_489, %dma_start3A_572, %mul3A_493] : memref<4x16x128xf32, #tpu.memory_space<vmem>> -> memref<1x8x16xf32, #tpu.memory_space<vmem>>
          %dma_start3A_574 = tpu.memref_squeeze %dma_start3A_573 : memref<1x8x16xf32, #tpu.memory_space<vmem>> -> memref<8x16xf32, #tpu.memory_space<vmem>>
          %dma_start3A_575 = arith.constant 8 : i32
          %dma_start3A_576 = tpu.memref_slice %arg6[%dma_start3A_575, %multiple_of3A] : memref<16x1000000xf32, #tpu.memory_space<hbm>> -> memref<8x16xf32, #tpu.memory_space<hbm>>
          tpu.enqueue_dma source(%dma_start3A_576 : memref<8x16xf32, #tpu.memory_space<hbm>>) target(%dma_start3A_574 : memref<8x16xf32, #tpu.memory_space<vmem>>) target_semaphore(%dma_start3A_571 : memref<!tpu.dma_semaphore, #tpu.memory_space<semaphore_mem>>)
          %dma_start3A_577 = arith.constant 8 : i32
          %dma_start3A_578 = tpu.memref_slice %arg22[%add3A_489, %dma_start3A_577, %mul3A_493] : memref<4x16x128xf32, #tpu.memory_space<vmem>> -> memref<1x8x16xf32, #tpu.memory_space<vmem>>
          %dma_start3A_579 = tpu.memref_squeeze %dma_start3A_578 : memref<1x8x16xf32, #tpu.memory_space<vmem>> -> memref<8x16xf32, #tpu.memory_space<vmem>>
          %dma_start3A_580 = arith.constant 8 : i32
          %dma_start3A_581 = tpu.memref_slice %arg7[%dma_start3A_580, %multiple_of3A_484] : memref<16x1000000xf32, #tpu.memory_space<hbm>> -> memref<8x16xf32, #tpu.memory_space<hbm>>
          %dma_start3A_582 = tpu.memref_slice %arg24[%sub3A_460] : memref<2x!tpu.dma_semaphore, #tpu.memory_space<semaphore_mem>> -> memref<1x!tpu.dma_semaphore, #tpu.memory_space<semaphore_mem>>
          %dma_start3A_583 = tpu.memref_squeeze %dma_start3A_582 : memref<1x!tpu.dma_semaphore, #tpu.memory_space<semaphore_mem>> -> memref<!tpu.dma_semaphore, #tpu.memory_space<semaphore_mem>>
          %dma_start3A_584 = arith.constant 8 : i32
          %dma_start3A_585 = tpu.memref_slice %arg22[%add3A_489, %dma_start3A_584, %mul3A_493] : memref<4x16x128xf32, #tpu.memory_space<vmem>> -> memref<1x8x16xf32, #tpu.memory_space<vmem>>
          %dma_start3A_586 = tpu.memref_squeeze %dma_start3A_585 : memref<1x8x16xf32, #tpu.memory_space<vmem>> -> memref<8x16xf32, #tpu.memory_space<vmem>>
          %dma_start3A_587 = arith.constant 8 : i32
          %dma_start3A_588 = tpu.memref_slice %arg7[%dma_start3A_587, %multiple_of3A_484] : memref<16x1000000xf32, #tpu.memory_space<hbm>> -> memref<8x16xf32, #tpu.memory_space<hbm>>
          tpu.enqueue_dma source(%dma_start3A_588 : memref<8x16xf32, #tpu.memory_space<hbm>>) target(%dma_start3A_586 : memref<8x16xf32, #tpu.memory_space<vmem>>) target_semaphore(%dma_start3A_583 : memref<!tpu.dma_semaphore, #tpu.memory_space<semaphore_mem>>)
          %scan3A_589 = arith.constant 0 : i32
          scf.yield %scan3A_589 : i32
        }
        %scan3A_467 = arith.constant 16 : i32
      } else {
      }
      %scan3A_90 = arith.constant 0 : i32
      %scan3A_91 = arith.constant 0 : i32
      %scan3A_92 = arith.constant 128 : i32
      %scan3A_93 = arith.addi %scan3A_91, %scan3A_92 : i32
      %scan3A_94 = arith.constant 1 : i32
      %scan3A_95 = scf.for %scan3A_458 = %scan3A_91 to %scan3A_93 step %scan3A_94 iter_args(%scan3A_459 = %scan3A_90) -> (i32)  : i32 {
        %dma_wait3A = arith.constant 0 : i32
        %dma_wait3A_460 = arith.constant 0 : i32
        %dma_wait3A_461 = arith.constant 0 : i32
        %dma_wait3A_462 = tpu.memref_slice %arg19[%dma_wait3A, %dma_wait3A_460, %dma_wait3A_461] : memref<4x16x128xf32, #tpu.memory_space<vmem>> -> memref<1x8x16xf32, #tpu.memory_space<vmem>>
        %dma_wait3A_463 = tpu.memref_squeeze %dma_wait3A_462 : memref<1x8x16xf32, #tpu.memory_space<vmem>> -> memref<8x16xf32, #tpu.memory_space<vmem>>
        %dma_wait3A_464 = arith.constant 0 : i32
        %dma_wait3A_465 = arith.constant 0 : i32
        %dma_wait3A_466 = tpu.memref_slice %arg4[%dma_wait3A_464, %dma_wait3A_465] : memref<16x1000000xf32, #tpu.memory_space<hbm>> -> memref<8x16xf32, #tpu.memory_space<hbm>>
        %dma_wait3A_467 = tpu.memref_slice %arg24[%rem3A_85] : memref<2x!tpu.dma_semaphore, #tpu.memory_space<semaphore_mem>> -> memref<1x!tpu.dma_semaphore, #tpu.memory_space<semaphore_mem>>
        %dma_wait3A_468 = tpu.memref_squeeze %dma_wait3A_467 : memref<1x!tpu.dma_semaphore, #tpu.memory_space<semaphore_mem>> -> memref<!tpu.dma_semaphore, #tpu.memory_space<semaphore_mem>>
        %dma_wait3A_469 = arith.constant 0 : i32
        %dma_wait3A_470 = arith.constant 0 : i32
        %dma_wait3A_471 = tpu.memref_slice %arg19[%dma_wait3A, %dma_wait3A_469, %dma_wait3A_470] : memref<4x16x128xf32, #tpu.memory_space<vmem>> -> memref<1x8x16xf32, #tpu.memory_space<vmem>>
        %dma_wait3A_472 = tpu.memref_squeeze %dma_wait3A_471 : memref<1x8x16xf32, #tpu.memory_space<vmem>> -> memref<8x16xf32, #tpu.memory_space<vmem>>
        %dma_wait3A_473 = arith.constant 0 : i32
        %dma_wait3A_474 = arith.constant 0 : i32
        %dma_wait3A_475 = tpu.memref_slice %arg4[%dma_wait3A_473, %dma_wait3A_474] : memref<16x1000000xf32, #tpu.memory_space<hbm>> -> memref<8x16xf32, #tpu.memory_space<hbm>>
        tpu.wait_dma2 semaphore(%dma_wait3A_468 : memref<!tpu.dma_semaphore, #tpu.memory_space<semaphore_mem>>) src(%dma_wait3A_475 : memref<8x16xf32, #tpu.memory_space<hbm>>) dst(%dma_wait3A_472 : memref<8x16xf32, #tpu.memory_space<vmem>>)
        %scan3A_476 = arith.constant 0 : i32
        scf.yield %scan3A_476 : i32
      }
      %scan3A_96 = arith.constant 128 : i32
      %shift_right_arithmetic3A = arith.constant 3 : i32
      %shift_right_arithmetic3A_97 = vector.broadcast %shift_right_arithmetic3A : i32 to vector<16xi32>
      %shift_right_arithmetic3A_98 = arith.shrsi %iota3A, %shift_right_arithmetic3A_97 : vector<16xi32>
      %mul3A_99 = arith.constant 2 : i32
      %mul3A_100 = arith.muli %rem3A_85, %mul3A_99 : i32
      %add3A_101 = vector.broadcast %mul3A_100 : i32 to vector<16xi32>
      %add3A_102 = arith.addi %shift_right_arithmetic3A_98, %add3A_101 : vector<16xi32>
      %and3A = arith.constant 7 : i32
      %and3A_103 = vector.broadcast %and3A : i32 to vector<16xi32>
      %and3A_104 = arith.andi %iota3A, %and3A_103 : vector<16xi32>
      %mul3A_105 = arith.constant 16 : i32
      %mul3A_106 = vector.broadcast %mul3A_105 : i32 to vector<16xi32>
      %mul3A_107 = arith.muli %and3A_104, %mul3A_106 : vector<16xi32>
      %mul3A_108 = arith.constant 16 : i32
      %mul3A_109 = arith.muli %scan3A_83, %mul3A_108 : i32
      %get3A_110 = arith.index_cast %mul3A_109 : i32 to index
      %get3A_111 = tpu.vector_load %arg10[%get3A_110] {strides = array<i32>} : memref<512xi32, #tpu.memory_space<vmem>>, vector<16xi32>,
      %and3A_112 = arith.constant 15 : i32
      %and3A_113 = vector.broadcast %and3A_112 : i32 to vector<16xi32>
      %and3A_114 = arith.andi %get3A_111, %and3A_113 : vector<16xi32>
      %add3A_115 = arith.addi %mul3A_107, %and3A_114 : vector<16xi32>
      %mul3A_116 = arith.constant 16 : i32
      %mul3A_117 = arith.muli %scan3A_83, %mul3A_116 : i32
      %get3A_118 = arith.index_cast %mul3A_117 : i32 to index
      %get3A_119 = tpu.vector_load %arg11[%get3A_118] {strides = array<i32>} : memref<512xi32, #tpu.memory_space<vmem>>, vector<16xi32>,
      %and3A_120 = arith.constant 15 : i32
      %and3A_121 = vector.broadcast %and3A_120 : i32 to vector<16xi32>
      %and3A_122 = arith.andi %get3A_119, %and3A_121 : vector<16xi32>
      %add3A_123 = arith.addi %mul3A_107, %and3A_122 : vector<16xi32>
      %broadcast_in_dim3A_124 = arith.constant 0 : i32
      %broadcast_in_dim3A_125 = vector.broadcast %broadcast_in_dim3A_124 : i32 to vector<16xi32>
      %gather3A = tpu.vector_load_idx %arg19[%add3A_102, %broadcast_in_dim3A_125, %add3A_115] : memref<4x16x128xf32, #tpu.memory_space<vmem>>[vector<16xi32>, vector<16xi32>, vector<16xi32>], vector<16xf32>,
      %gather3A_126 = tpu.vector_load_idx %arg20[%add3A_102, %broadcast_in_dim3A_125, %add3A_123] : memref<4x16x128xf32, #tpu.memory_space<vmem>>[vector<16xi32>, vector<16xi32>, vector<16xi32>], vector<16xf32>,
      %mul3A_127 = arith.mulf %gather3A, %gather3A_126 : vector<16xf32>
      %get3A_128 = arith.constant 528 : i32
      %get3A_129 = arith.index_cast %get3A_128 : i32 to index
      %get3A_130 = memref.load %arg18[%get3A_129] : memref<576xf32, #tpu.memory_space<smem>>
      %mul3A_131 = vector.broadcast %get3A_130 : f32 to vector<16xf32>
      %mul3A_132 = arith.mulf %mul3A_127, %mul3A_131 : vector<16xf32>
      %add3A_133 = arith.addf %broadcast_in_dim3A_68, %mul3A_132 : vector<16xf32>
      %broadcast_in_dim3A_134 = arith.constant 1 : i32
      %broadcast_in_dim3A_135 = vector.broadcast %broadcast_in_dim3A_134 : i32 to vector<16xi32>
      %gather3A_136 = tpu.vector_load_idx %arg19[%add3A_102, %broadcast_in_dim3A_135, %add3A_115] : memref<4x16x128xf32, #tpu.memory_space<vmem>>[vector<16xi32>, vector<16xi32>, vector<16xi32>], vector<16xf32>,
      %gather3A_137 = tpu.vector_load_idx %arg20[%add3A_102, %broadcast_in_dim3A_135, %add3A_123] : memref<4x16x128xf32, #tpu.memory_space<vmem>>[vector<16xi32>, vector<16xi32>, vector<16xi32>], vector<16xf32>,
      %mul3A_138 = arith.mulf %gather3A_136, %gather3A_137 : vector<16xf32>
      %get3A_139 = arith.constant 529 : i32
      %get3A_140 = arith.index_cast %get3A_139 : i32 to index
      %get3A_141 = memref.load %arg18[%get3A_140] : memref<576xf32, #tpu.memory_space<smem>>
      %mul3A_142 = vector.broadcast %get3A_141 : f32 to vector<16xf32>
      %mul3A_143 = arith.mulf %mul3A_138, %mul3A_142 : vector<16xf32>
      %add3A_144 = arith.addf %add3A_133, %mul3A_143 : vector<16xf32>
      %broadcast_in_dim3A_145 = arith.constant 2 : i32
      %broadcast_in_dim3A_146 = vector.broadcast %broadcast_in_dim3A_145 : i32 to vector<16xi32>
      %gather3A_147 = tpu.vector_load_idx %arg19[%add3A_102, %broadcast_in_dim3A_146, %add3A_115] : memref<4x16x128xf32, #tpu.memory_space<vmem>>[vector<16xi32>, vector<16xi32>, vector<16xi32>], vector<16xf32>,
      %gather3A_148 = tpu.vector_load_idx %arg20[%add3A_102, %broadcast_in_dim3A_146, %add3A_123] : memref<4x16x128xf32, #tpu.memory_space<vmem>>[vector<16xi32>, vector<16xi32>, vector<16xi32>], vector<16xf32>,
      %mul3A_149 = arith.mulf %gather3A_147, %gather3A_148 : vector<16xf32>
      %get3A_150 = arith.constant 530 : i32
      %get3A_151 = arith.index_cast %get3A_150 : i32 to index
      %get3A_152 = memref.load %arg18[%get3A_151] : memref<576xf32, #tpu.memory_space<smem>>
      %mul3A_153 = vector.broadcast %get3A_152 : f32 to vector<16xf32>
      %mul3A_154 = arith.mulf %mul3A_149, %mul3A_153 : vector<16xf32>
      %add3A_155 = arith.addf %add3A_144, %mul3A_154 : vector<16xf32>
      %broadcast_in_dim3A_156 = arith.constant 3 : i32
      %broadcast_in_dim3A_157 = vector.broadcast %broadcast_in_dim3A_156 : i32 to vector<16xi32>
      %gather3A_158 = tpu.vector_load_idx %arg19[%add3A_102, %broadcast_in_dim3A_157, %add3A_115] : memref<4x16x128xf32, #tpu.memory_space<vmem>>[vector<16xi32>, vector<16xi32>, vector<16xi32>], vector<16xf32>,
      %gather3A_159 = tpu.vector_load_idx %arg20[%add3A_102, %broadcast_in_dim3A_157, %add3A_123] : memref<4x16x128xf32, #tpu.memory_space<vmem>>[vector<16xi32>, vector<16xi32>, vector<16xi32>], vector<16xf32>,
      %mul3A_160 = arith.mulf %gather3A_158, %gather3A_159 : vector<16xf32>
      %get3A_161 = arith.constant 531 : i32
      %get3A_162 = arith.index_cast %get3A_161 : i32 to index
      %get3A_163 = memref.load %arg18[%get3A_162] : memref<576xf32, #tpu.memory_space<smem>>
      %mul3A_164 = vector.broadcast %get3A_163 : f32 to vector<16xf32>
      %mul3A_165 = arith.mulf %mul3A_160, %mul3A_164 : vector<16xf32>
      %add3A_166 = arith.addf %add3A_155, %mul3A_165 : vector<16xf32>
      %broadcast_in_dim3A_167 = arith.constant 4 : i32
      %broadcast_in_dim3A_168 = vector.broadcast %broadcast_in_dim3A_167 : i32 to vector<16xi32>
      %gather3A_169 = tpu.vector_load_idx %arg19[%add3A_102, %broadcast_in_dim3A_168, %add3A_115] : memref<4x16x128xf32, #tpu.memory_space<vmem>>[vector<16xi32>, vector<16xi32>, vector<16xi32>], vector<16xf32>,
      %gather3A_170 = tpu.vector_load_idx %arg20[%add3A_102, %broadcast_in_dim3A_168, %add3A_123] : memref<4x16x128xf32, #tpu.memory_space<vmem>>[vector<16xi32>, vector<16xi32>, vector<16xi32>], vector<16xf32>,
      %mul3A_171 = arith.mulf %gather3A_169, %gather3A_170 : vector<16xf32>
      %get3A_172 = arith.constant 532 : i32
      %get3A_173 = arith.index_cast %get3A_172 : i32 to index
      %get3A_174 = memref.load %arg18[%get3A_173] : memref<576xf32, #tpu.memory_space<smem>>
      %mul3A_175 = vector.broadcast %get3A_174 : f32 to vector<16xf32>
      %mul3A_176 = arith.mulf %mul3A_171, %mul3A_175 : vector<16xf32>
      %add3A_177 = arith.addf %add3A_166, %mul3A_176 : vector<16xf32>
      %broadcast_in_dim3A_178 = arith.constant 5 : i32
      %broadcast_in_dim3A_179 = vector.broadcast %broadcast_in_dim3A_178 : i32 to vector<16xi32>
      %gather3A_180 = tpu.vector_load_idx %arg19[%add3A_102, %broadcast_in_dim3A_179, %add3A_115] : memref<4x16x128xf32, #tpu.memory_space<vmem>>[vector<16xi32>, vector<16xi32>, vector<16xi32>], vector<16xf32>,
      %gather3A_181 = tpu.vector_load_idx %arg20[%add3A_102, %broadcast_in_dim3A_179, %add3A_123] : memref<4x16x128xf32, #tpu.memory_space<vmem>>[vector<16xi32>, vector<16xi32>, vector<16xi32>], vector<16xf32>,
      %mul3A_182 = arith.mulf %gather3A_180, %gather3A_181 : vector<16xf32>
      %get3A_183 = arith.constant 533 : i32
      %get3A_184 = arith.index_cast %get3A_183 : i32 to index
      %get3A_185 = memref.load %arg18[%get3A_184] : memref<576xf32, #tpu.memory_space<smem>>
      %mul3A_186 = vector.broadcast %get3A_185 : f32 to vector<16xf32>
      %mul3A_187 = arith.mulf %mul3A_182, %mul3A_186 : vector<16xf32>
      %add3A_188 = arith.addf %add3A_177, %mul3A_187 : vector<16xf32>
      %broadcast_in_dim3A_189 = arith.constant 6 : i32
      %broadcast_in_dim3A_190 = vector.broadcast %broadcast_in_dim3A_189 : i32 to vector<16xi32>
      %gather3A_191 = tpu.vector_load_idx %arg19[%add3A_102, %broadcast_in_dim3A_190, %add3A_115] : memref<4x16x128xf32, #tpu.memory_space<vmem>>[vector<16xi32>, vector<16xi32>, vector<16xi32>], vector<16xf32>,
      %gather3A_192 = tpu.vector_load_idx %arg20[%add3A_102, %broadcast_in_dim3A_190, %add3A_123] : memref<4x16x128xf32, #tpu.memory_space<vmem>>[vector<16xi32>, vector<16xi32>, vector<16xi32>], vector<16xf32>,
      %mul3A_193 = arith.mulf %gather3A_191, %gather3A_192 : vector<16xf32>
      %get3A_194 = arith.constant 534 : i32
      %get3A_195 = arith.index_cast %get3A_194 : i32 to index
      %get3A_196 = memref.load %arg18[%get3A_195] : memref<576xf32, #tpu.memory_space<smem>>
      %mul3A_197 = vector.broadcast %get3A_196 : f32 to vector<16xf32>
      %mul3A_198 = arith.mulf %mul3A_193, %mul3A_197 : vector<16xf32>
      %add3A_199 = arith.addf %add3A_188, %mul3A_198 : vector<16xf32>
      %broadcast_in_dim3A_200 = arith.constant 7 : i32
      %broadcast_in_dim3A_201 = vector.broadcast %broadcast_in_dim3A_200 : i32 to vector<16xi32>
      %gather3A_202 = tpu.vector_load_idx %arg19[%add3A_102, %broadcast_in_dim3A_201, %add3A_115] : memref<4x16x128xf32, #tpu.memory_space<vmem>>[vector<16xi32>, vector<16xi32>, vector<16xi32>], vector<16xf32>,
      %gather3A_203 = tpu.vector_load_idx %arg20[%add3A_102, %broadcast_in_dim3A_201, %add3A_123] : memref<4x16x128xf32, #tpu.memory_space<vmem>>[vector<16xi32>, vector<16xi32>, vector<16xi32>], vector<16xf32>,
      %mul3A_204 = arith.mulf %gather3A_202, %gather3A_203 : vector<16xf32>
      %get3A_205 = arith.constant 535 : i32
      %get3A_206 = arith.index_cast %get3A_205 : i32 to index
      %get3A_207 = memref.load %arg18[%get3A_206] : memref<576xf32, #tpu.memory_space<smem>>
      %mul3A_208 = vector.broadcast %get3A_207 : f32 to vector<16xf32>
      %mul3A_209 = arith.mulf %mul3A_204, %mul3A_208 : vector<16xf32>
      %add3A_210 = arith.addf %add3A_199, %mul3A_209 : vector<16xf32>
      %broadcast_in_dim3A_211 = arith.constant 8 : i32
      %broadcast_in_dim3A_212 = vector.broadcast %broadcast_in_dim3A_211 : i32 to vector<16xi32>
      %gather3A_213 = tpu.vector_load_idx %arg19[%add3A_102, %broadcast_in_dim3A_212, %add3A_115] : memref<4x16x128xf32, #tpu.memory_space<vmem>>[vector<16xi32>, vector<16xi32>, vector<16xi32>], vector<16xf32>,
      %gather3A_214 = tpu.vector_load_idx %arg20[%add3A_102, %broadcast_in_dim3A_212, %add3A_123] : memref<4x16x128xf32, #tpu.memory_space<vmem>>[vector<16xi32>, vector<16xi32>, vector<16xi32>], vector<16xf32>,
      %mul3A_215 = arith.mulf %gather3A_213, %gather3A_214 : vector<16xf32>
      %get3A_216 = arith.constant 536 : i32
      %get3A_217 = arith.index_cast %get3A_216 : i32 to index
      %get3A_218 = memref.load %arg18[%get3A_217] : memref<576xf32, #tpu.memory_space<smem>>
      %mul3A_219 = vector.broadcast %get3A_218 : f32 to vector<16xf32>
      %mul3A_220 = arith.mulf %mul3A_215, %mul3A_219 : vector<16xf32>
      %add3A_221 = arith.addf %add3A_210, %mul3A_220 : vector<16xf32>
      %broadcast_in_dim3A_222 = arith.constant 9 : i32
      %broadcast_in_dim3A_223 = vector.broadcast %broadcast_in_dim3A_222 : i32 to vector<16xi32>
      %gather3A_224 = tpu.vector_load_idx %arg19[%add3A_102, %broadcast_in_dim3A_223, %add3A_115] : memref<4x16x128xf32, #tpu.memory_space<vmem>>[vector<16xi32>, vector<16xi32>, vector<16xi32>], vector<16xf32>,
      %gather3A_225 = tpu.vector_load_idx %arg20[%add3A_102, %broadcast_in_dim3A_223, %add3A_123] : memref<4x16x128xf32, #tpu.memory_space<vmem>>[vector<16xi32>, vector<16xi32>, vector<16xi32>], vector<16xf32>,
      %mul3A_226 = arith.mulf %gather3A_224, %gather3A_225 : vector<16xf32>
      %get3A_227 = arith.constant 537 : i32
      %get3A_228 = arith.index_cast %get3A_227 : i32 to index
      %get3A_229 = memref.load %arg18[%get3A_228] : memref<576xf32, #tpu.memory_space<smem>>
      %mul3A_230 = vector.broadcast %get3A_229 : f32 to vector<16xf32>
      %mul3A_231 = arith.mulf %mul3A_226, %mul3A_230 : vector<16xf32>
      %add3A_232 = arith.addf %add3A_221, %mul3A_231 : vector<16xf32>
      %broadcast_in_dim3A_233 = arith.constant 10 : i32
      %broadcast_in_dim3A_234 = vector.broadcast %broadcast_in_dim3A_233 : i32 to vector<16xi32>
      %gather3A_235 = tpu.vector_load_idx %arg19[%add3A_102, %broadcast_in_dim3A_234, %add3A_115] : memref<4x16x128xf32, #tpu.memory_space<vmem>>[vector<16xi32>, vector<16xi32>, vector<16xi32>], vector<16xf32>,
      %gather3A_236 = tpu.vector_load_idx %arg20[%add3A_102, %broadcast_in_dim3A_234, %add3A_123] : memref<4x16x128xf32, #tpu.memory_space<vmem>>[vector<16xi32>, vector<16xi32>, vector<16xi32>], vector<16xf32>,
      %mul3A_237 = arith.mulf %gather3A_235, %gather3A_236 : vector<16xf32>
      %get3A_238 = arith.constant 538 : i32
      %get3A_239 = arith.index_cast %get3A_238 : i32 to index
      %get3A_240 = memref.load %arg18[%get3A_239] : memref<576xf32, #tpu.memory_space<smem>>
      %mul3A_241 = vector.broadcast %get3A_240 : f32 to vector<16xf32>
      %mul3A_242 = arith.mulf %mul3A_237, %mul3A_241 : vector<16xf32>
      %add3A_243 = arith.addf %add3A_232, %mul3A_242 : vector<16xf32>
      %broadcast_in_dim3A_244 = arith.constant 11 : i32
      %broadcast_in_dim3A_245 = vector.broadcast %broadcast_in_dim3A_244 : i32 to vector<16xi32>
      %gather3A_246 = tpu.vector_load_idx %arg19[%add3A_102, %broadcast_in_dim3A_245, %add3A_115] : memref<4x16x128xf32, #tpu.memory_space<vmem>>[vector<16xi32>, vector<16xi32>, vector<16xi32>], vector<16xf32>,
      %gather3A_247 = tpu.vector_load_idx %arg20[%add3A_102, %broadcast_in_dim3A_245, %add3A_123] : memref<4x16x128xf32, #tpu.memory_space<vmem>>[vector<16xi32>, vector<16xi32>, vector<16xi32>], vector<16xf32>,
      %mul3A_248 = arith.mulf %gather3A_246, %gather3A_247 : vector<16xf32>
      %get3A_249 = arith.constant 539 : i32
      %get3A_250 = arith.index_cast %get3A_249 : i32 to index
      %get3A_251 = memref.load %arg18[%get3A_250] : memref<576xf32, #tpu.memory_space<smem>>
      %mul3A_252 = vector.broadcast %get3A_251 : f32 to vector<16xf32>
      %mul3A_253 = arith.mulf %mul3A_248, %mul3A_252 : vector<16xf32>
      %add3A_254 = arith.addf %add3A_243, %mul3A_253 : vector<16xf32>
      %broadcast_in_dim3A_255 = arith.constant 12 : i32
      %broadcast_in_dim3A_256 = vector.broadcast %broadcast_in_dim3A_255 : i32 to vector<16xi32>
      %gather3A_257 = tpu.vector_load_idx %arg19[%add3A_102, %broadcast_in_dim3A_256, %add3A_115] : memref<4x16x128xf32, #tpu.memory_space<vmem>>[vector<16xi32>, vector<16xi32>, vector<16xi32>], vector<16xf32>,
      %gather3A_258 = tpu.vector_load_idx %arg20[%add3A_102, %broadcast_in_dim3A_256, %add3A_123] : memref<4x16x128xf32, #tpu.memory_space<vmem>>[vector<16xi32>, vector<16xi32>, vector<16xi32>], vector<16xf32>,
      %mul3A_259 = arith.mulf %gather3A_257, %gather3A_258 : vector<16xf32>
      %get3A_260 = arith.constant 540 : i32
      %get3A_261 = arith.index_cast %get3A_260 : i32 to index
      %get3A_262 = memref.load %arg18[%get3A_261] : memref<576xf32, #tpu.memory_space<smem>>
      %mul3A_263 = vector.broadcast %get3A_262 : f32 to vector<16xf32>
      %mul3A_264 = arith.mulf %mul3A_259, %mul3A_263 : vector<16xf32>
      %add3A_265 = arith.addf %add3A_254, %mul3A_264 : vector<16xf32>
      %broadcast_in_dim3A_266 = arith.constant 13 : i32
      %broadcast_in_dim3A_267 = vector.broadcast %broadcast_in_dim3A_266 : i32 to vector<16xi32>
      %gather3A_268 = tpu.vector_load_idx %arg19[%add3A_102, %broadcast_in_dim3A_267, %add3A_115] : memref<4x16x128xf32, #tpu.memory_space<vmem>>[vector<16xi32>, vector<16xi32>, vector<16xi32>], vector<16xf32>,
      %gather3A_269 = tpu.vector_load_idx %arg20[%add3A_102, %broadcast_in_dim3A_267, %add3A_123] : memref<4x16x128xf32, #tpu.memory_space<vmem>>[vector<16xi32>, vector<16xi32>, vector<16xi32>], vector<16xf32>,
      %mul3A_270 = arith.mulf %gather3A_268, %gather3A_269 : vector<16xf32>
      %get3A_271 = arith.constant 541 : i32
      %get3A_272 = arith.index_cast %get3A_271 : i32 to index
      %get3A_273 = memref.load %arg18[%get3A_272] : memref<576xf32, #tpu.memory_space<smem>>
      %mul3A_274 = vector.broadcast %get3A_273 : f32 to vector<16xf32>
      %mul3A_275 = arith.mulf %mul3A_270, %mul3A_274 : vector<16xf32>
      %add3A_276 = arith.addf %add3A_265, %mul3A_275 : vector<16xf32>
      %broadcast_in_dim3A_277 = arith.constant 14 : i32
      %broadcast_in_dim3A_278 = vector.broadcast %broadcast_in_dim3A_277 : i32 to vector<16xi32>
      %gather3A_279 = tpu.vector_load_idx %arg19[%add3A_102, %broadcast_in_dim3A_278, %add3A_115] : memref<4x16x128xf32, #tpu.memory_space<vmem>>[vector<16xi32>, vector<16xi32>, vector<16xi32>], vector<16xf32>,
      %gather3A_280 = tpu.vector_load_idx %arg20[%add3A_102, %broadcast_in_dim3A_278, %add3A_123] : memref<4x16x128xf32, #tpu.memory_space<vmem>>[vector<16xi32>, vector<16xi32>, vector<16xi32>], vector<16xf32>,
      %mul3A_281 = arith.mulf %gather3A_279, %gather3A_280 : vector<16xf32>
      %get3A_282 = arith.constant 542 : i32
      %get3A_283 = arith.index_cast %get3A_282 : i32 to index
      %get3A_284 = memref.load %arg18[%get3A_283] : memref<576xf32, #tpu.memory_space<smem>>
      %mul3A_285 = vector.broadcast %get3A_284 : f32 to vector<16xf32>
      %mul3A_286 = arith.mulf %mul3A_281, %mul3A_285 : vector<16xf32>
      %add3A_287 = arith.addf %add3A_276, %mul3A_286 : vector<16xf32>
      %broadcast_in_dim3A_288 = arith.constant 15 : i32
      %broadcast_in_dim3A_289 = vector.broadcast %broadcast_in_dim3A_288 : i32 to vector<16xi32>
      %gather3A_290 = tpu.vector_load_idx %arg19[%add3A_102, %broadcast_in_dim3A_289, %add3A_115] : memref<4x16x128xf32, #tpu.memory_space<vmem>>[vector<16xi32>, vector<16xi32>, vector<16xi32>], vector<16xf32>,
      %gather3A_291 = tpu.vector_load_idx %arg20[%add3A_102, %broadcast_in_dim3A_289, %add3A_123] : memref<4x16x128xf32, #tpu.memory_space<vmem>>[vector<16xi32>, vector<16xi32>, vector<16xi32>], vector<16xf32>,
      %mul3A_292 = arith.mulf %gather3A_290, %gather3A_291 : vector<16xf32>
      %get3A_293 = arith.constant 543 : i32
      %get3A_294 = arith.index_cast %get3A_293 : i32 to index
      %get3A_295 = memref.load %arg18[%get3A_294] : memref<576xf32, #tpu.memory_space<smem>>
      %mul3A_296 = vector.broadcast %get3A_295 : f32 to vector<16xf32>
      %mul3A_297 = arith.mulf %mul3A_292, %mul3A_296 : vector<16xf32>
      %add3A_298 = arith.addf %add3A_287, %mul3A_297 : vector<16xf32>
      %scan3A_299 = arith.constant 0 : i32
      %scan3A_300 = arith.constant 8 : i32
      %scan3A_301 = arith.addi %scan3A_299, %scan3A_300 : i32
      %scan3A_302 = arith.constant 1 : i32
      %scan3A_303:16 = scf.for %scan3A_458 = %scan3A_299 to %scan3A_301 step %scan3A_302 iter_args(%scan3A_459 = %broadcast_in_dim3A, %scan3A_460 = %broadcast_in_dim3A_8, %scan3A_461 = %broadcast_in_dim3A_12, %scan3A_462 = %broadcast_in_dim3A_16, %scan3A_463 = %broadcast_in_dim3A_20, %scan3A_464 = %broadcast_in_dim3A_24, %scan3A_465 = %broadcast_in_dim3A_28, %scan3A_466 = %broadcast_in_dim3A_32, %scan3A_467 = %broadcast_in_dim3A_36, %scan3A_468 = %broadcast_in_dim3A_40, %scan3A_469 = %broadcast_in_dim3A_44, %scan3A_470 = %broadcast_in_dim3A_48, %scan3A_471 = %broadcast_in_dim3A_52, %scan3A_472 = %broadcast_in_dim3A_56, %scan3A_473 = %broadcast_in_dim3A_60, %scan3A_474 = %broadcast_in_dim3A_64) -> (vector<16xf32>, vector<16xf32>, vector<16xf32>, vector<16xf32>, vector<16xf32>, vector<16xf32>, vector<16xf32>, vector<16xf32>, vector<16xf32>, vector<16xf32>, vector<16xf32>, vector<16xf32>, vector<16xf32>, vector<16xf32>, vector<16xf32>, vector<16xf32>)  : i32 {
        %broadcast_in_dim3A_475 = arith.constant 0 : i32
        %broadcast_in_dim3A_476 = vector.broadcast %broadcast_in_dim3A_475 : i32 to vector<16xi32>
        %mul3A_477 = arith.constant 2 : i32
        %mul3A_478 = arith.muli %mul3A_477, %scan3A_458 : i32
        %add3A_479 = vector.broadcast %mul3A_478 : i32 to vector<16xi32>
        %add3A_480 = arith.addi %broadcast_in_dim3A_476, %add3A_479 : vector<16xi32>
        %gather3A_481 = tpu.vector_load_idx %arg21[%add3A_102, %add3A_480, %add3A_115] : memref<4x16x128xf32, #tpu.memory_space<vmem>>[vector<16xi32>, vector<16xi32>, vector<16xi32>], vector<16xf32>,
        %broadcast_in_dim3A_482 = arith.constant 0 : i32
        %broadcast_in_dim3A_483 = vector.broadcast %broadcast_in_dim3A_482 : i32 to vector<16xi32>
        %mul3A_484 = arith.constant 2 : i32
        %mul3A_485 = arith.muli %mul3A_484, %scan3A_458 : i32
        %add3A_486 = vector.broadcast %mul3A_485 : i32 to vector<16xi32>
        %add3A_487 = arith.addi %broadcast_in_dim3A_483, %add3A_486 : vector<16xi32>
        %add3A_488 = arith.constant 1 : i32
        %add3A_489 = vector.broadcast %add3A_488 : i32 to vector<16xi32>
        %add3A_490 = arith.addi %add3A_487, %add3A_489 : vector<16xi32>
        %gather3A_491 = tpu.vector_load_idx %arg21[%add3A_102, %add3A_490, %add3A_115] : memref<4x16x128xf32, #tpu.memory_space<vmem>>[vector<16xi32>, vector<16xi32>, vector<16xi32>], vector<16xf32>,
        %mul3A_492 = arith.constant 2 : i32
        %mul3A_493 = arith.muli %mul3A_492, %scan3A_458 : i32
        %add3A_494 = arith.constant 0 : i32
        %add3A_495 = arith.addi %add3A_494, %mul3A_493 : i32
        %get3A_496 = arith.index_cast %add3A_495 : i32 to index
        %get3A_497 = memref.load %arg18[%get3A_496] : memref<576xf32, #tpu.memory_space<smem>>
        %mul3A_498 = vector.broadcast %get3A_497 : f32 to vector<16xf32>
        %mul3A_499 = arith.mulf %gather3A_481, %mul3A_498 : vector<16xf32>
        %add3A_500 = arith.addf %scan3A_459, %mul3A_499 : vector<16xf32>
        %mul3A_501 = arith.constant 2 : i32
        %mul3A_502 = arith.muli %mul3A_501, %scan3A_458 : i32
        %add3A_503 = arith.constant 32 : i32
        %add3A_504 = arith.addi %add3A_503, %mul3A_502 : i32
        %get3A_505 = arith.index_cast %add3A_504 : i32 to index
        %get3A_506 = memref.load %arg18[%get3A_505] : memref<576xf32, #tpu.memory_space<smem>>
        %mul3A_507 = vector.broadcast %get3A_506 : f32 to vector<16xf32>
        %mul3A_508 = arith.mulf %gather3A_481, %mul3A_507 : vector<16xf32>
        %add3A_509 = arith.addf %scan3A_460, %mul3A_508 : vector<16xf32>
        %mul3A_510 = arith.constant 2 : i32
        %mul3A_511 = arith.muli %mul3A_510, %scan3A_458 : i32
        %add3A_512 = arith.constant 64 : i32
        %add3A_513 = arith.addi %add3A_512, %mul3A_511 : i32
        %get3A_514 = arith.index_cast %add3A_513 : i32 to index
        %get3A_515 = memref.load %arg18[%get3A_514] : memref<576xf32, #tpu.memory_space<smem>>
        %mul3A_516 = vector.broadcast %get3A_515 : f32 to vector<16xf32>
        %mul3A_517 = arith.mulf %gather3A_481, %mul3A_516 : vector<16xf32>
        %add3A_518 = arith.addf %scan3A_461, %mul3A_517 : vector<16xf32>
        %mul3A_519 = arith.constant 2 : i32
        %mul3A_520 = arith.muli %mul3A_519, %scan3A_458 : i32
        %add3A_521 = arith.constant 96 : i32
        %add3A_522 = arith.addi %add3A_521, %mul3A_520 : i32
        %get3A_523 = arith.index_cast %add3A_522 : i32 to index
        %get3A_524 = memref.load %arg18[%get3A_523] : memref<576xf32, #tpu.memory_space<smem>>
        %mul3A_525 = vector.broadcast %get3A_524 : f32 to vector<16xf32>
        %mul3A_526 = arith.mulf %gather3A_481, %mul3A_525 : vector<16xf32>
        %add3A_527 = arith.addf %scan3A_462, %mul3A_526 : vector<16xf32>
        %mul3A_528 = arith.constant 2 : i32
        %mul3A_529 = arith.muli %mul3A_528, %scan3A_458 : i32
        %add3A_530 = arith.constant 128 : i32
        %add3A_531 = arith.addi %add3A_530, %mul3A_529 : i32
        %get3A_532 = arith.index_cast %add3A_531 : i32 to index
        %get3A_533 = memref.load %arg18[%get3A_532] : memref<576xf32, #tpu.memory_space<smem>>
        %mul3A_534 = vector.broadcast %get3A_533 : f32 to vector<16xf32>
        %mul3A_535 = arith.mulf %gather3A_481, %mul3A_534 : vector<16xf32>
        %add3A_536 = arith.addf %scan3A_463, %mul3A_535 : vector<16xf32>
        %mul3A_537 = arith.constant 2 : i32
        %mul3A_538 = arith.muli %mul3A_537, %scan3A_458 : i32
        %add3A_539 = arith.constant 160 : i32
        %add3A_540 = arith.addi %add3A_539, %mul3A_538 : i32
        %get3A_541 = arith.index_cast %add3A_540 : i32 to index
        %get3A_542 = memref.load %arg18[%get3A_541] : memref<576xf32, #tpu.memory_space<smem>>
        %mul3A_543 = vector.broadcast %get3A_542 : f32 to vector<16xf32>
        %mul3A_544 = arith.mulf %gather3A_481, %mul3A_543 : vector<16xf32>
        %add3A_545 = arith.addf %scan3A_464, %mul3A_544 : vector<16xf32>
        %mul3A_546 = arith.constant 2 : i32
        %mul3A_547 = arith.muli %mul3A_546, %scan3A_458 : i32
        %add3A_548 = arith.constant 192 : i32
        %add3A_549 = arith.addi %add3A_548, %mul3A_547 : i32
        %get3A_550 = arith.index_cast %add3A_549 : i32 to index
        %get3A_551 = memref.load %arg18[%get3A_550] : memref<576xf32, #tpu.memory_space<smem>>
        %mul3A_552 = vector.broadcast %get3A_551 : f32 to vector<16xf32>
        %mul3A_553 = arith.mulf %gather3A_481, %mul3A_552 : vector<16xf32>
        %add3A_554 = arith.addf %scan3A_465, %mul3A_553 : vector<16xf32>
        %mul3A_555 = arith.constant 2 : i32
        %mul3A_556 = arith.muli %mul3A_555, %scan3A_458 : i32
        %add3A_557 = arith.constant 224 : i32
        %add3A_558 = arith.addi %add3A_557, %mul3A_556 : i32
        %get3A_559 = arith.index_cast %add3A_558 : i32 to index
        %get3A_560 = memref.load %arg18[%get3A_559] : memref<576xf32, #tpu.memory_space<smem>>
        %mul3A_561 = vector.broadcast %get3A_560 : f32 to vector<16xf32>
        %mul3A_562 = arith.mulf %gather3A_481, %mul3A_561 : vector<16xf32>
        %add3A_563 = arith.addf %scan3A_466, %mul3A_562 : vector<16xf32>
        %mul3A_564 = arith.constant 2 : i32
        %mul3A_565 = arith.muli %mul3A_564, %scan3A_458 : i32
        %add3A_566 = arith.constant 256 : i32
        %add3A_567 = arith.addi %add3A_566, %mul3A_565 : i32
        %get3A_568 = arith.index_cast %add3A_567 : i32 to index
        %get3A_569 = memref.load %arg18[%get3A_568] : memref<576xf32, #tpu.memory_space<smem>>
        %mul3A_570 = vector.broadcast %get3A_569 : f32 to vector<16xf32>
        %mul3A_571 = arith.mulf %gather3A_481, %mul3A_570 : vector<16xf32>
        %add3A_572 = arith.addf %scan3A_467, %mul3A_571 : vector<16xf32>
        %mul3A_573 = arith.constant 2 : i32
        %mul3A_574 = arith.muli %mul3A_573, %scan3A_458 : i32
        %add3A_575 = arith.constant 288 : i32
        %add3A_576 = arith.addi %add3A_575, %mul3A_574 : i32
        %get3A_577 = arith.index_cast %add3A_576 : i32 to index
        %get3A_578 = memref.load %arg18[%get3A_577] : memref<576xf32, #tpu.memory_space<smem>>
        %mul3A_579 = vector.broadcast %get3A_578 : f32 to vector<16xf32>
        %mul3A_580 = arith.mulf %gather3A_481, %mul3A_579 : vector<16xf32>
        %add3A_581 = arith.addf %scan3A_468, %mul3A_580 : vector<16xf32>
        %mul3A_582 = arith.constant 2 : i32
        %mul3A_583 = arith.muli %mul3A_582, %scan3A_458 : i32
        %add3A_584 = arith.constant 320 : i32
        %add3A_585 = arith.addi %add3A_584, %mul3A_583 : i32
        %get3A_586 = arith.index_cast %add3A_585 : i32 to index
        %get3A_587 = memref.load %arg18[%get3A_586] : memref<576xf32, #tpu.memory_space<smem>>
        %mul3A_588 = vector.broadcast %get3A_587 : f32 to vector<16xf32>
        %mul3A_589 = arith.mulf %gather3A_481, %mul3A_588 : vector<16xf32>
        %add3A_590 = arith.addf %scan3A_469, %mul3A_589 : vector<16xf32>
        %mul3A_591 = arith.constant 2 : i32
        %mul3A_592 = arith.muli %mul3A_591, %scan3A_458 : i32
        %add3A_593 = arith.constant 352 : i32
        %add3A_594 = arith.addi %add3A_593, %mul3A_592 : i32
        %get3A_595 = arith.index_cast %add3A_594 : i32 to index
        %get3A_596 = memref.load %arg18[%get3A_595] : memref<576xf32, #tpu.memory_space<smem>>
        %mul3A_597 = vector.broadcast %get3A_596 : f32 to vector<16xf32>
        %mul3A_598 = arith.mulf %gather3A_481, %mul3A_597 : vector<16xf32>
        %add3A_599 = arith.addf %scan3A_470, %mul3A_598 : vector<16xf32>
        %mul3A_600 = arith.constant 2 : i32
        %mul3A_601 = arith.muli %mul3A_600, %scan3A_458 : i32
        %add3A_602 = arith.constant 384 : i32
        %add3A_603 = arith.addi %add3A_602, %mul3A_601 : i32
        %get3A_604 = arith.index_cast %add3A_603 : i32 to index
        %get3A_605 = memref.load %arg18[%get3A_604] : memref<576xf32, #tpu.memory_space<smem>>
        %mul3A_606 = vector.broadcast %get3A_605 : f32 to vector<16xf32>
        %mul3A_607 = arith.mulf %gather3A_481, %mul3A_606 : vector<16xf32>
        %add3A_608 = arith.addf %scan3A_471, %mul3A_607 : vector<16xf32>
        %mul3A_609 = arith.constant 2 : i32
        %mul3A_610 = arith.muli %mul3A_609, %scan3A_458 : i32
        %add3A_611 = arith.constant 416 : i32
        %add3A_612 = arith.addi %add3A_611, %mul3A_610 : i32
        %get3A_613 = arith.index_cast %add3A_612 : i32 to index
        %get3A_614 = memref.load %arg18[%get3A_613] : memref<576xf32, #tpu.memory_space<smem>>
        %mul3A_615 = vector.broadcast %get3A_614 : f32 to vector<16xf32>
        %mul3A_616 = arith.mulf %gather3A_481, %mul3A_615 : vector<16xf32>
        %add3A_617 = arith.addf %scan3A_472, %mul3A_616 : vector<16xf32>
        %mul3A_618 = arith.constant 2 : i32
        %mul3A_619 = arith.muli %mul3A_618, %scan3A_458 : i32
        %add3A_620 = arith.constant 448 : i32
        %add3A_621 = arith.addi %add3A_620, %mul3A_619 : i32
        %get3A_622 = arith.index_cast %add3A_621 : i32 to index
        %get3A_623 = memref.load %arg18[%get3A_622] : memref<576xf32, #tpu.memory_space<smem>>
        %mul3A_624 = vector.broadcast %get3A_623 : f32 to vector<16xf32>
        %mul3A_625 = arith.mulf %gather3A_481, %mul3A_624 : vector<16xf32>
        %add3A_626 = arith.addf %scan3A_473, %mul3A_625 : vector<16xf32>
        %mul3A_627 = arith.constant 2 : i32
        %mul3A_628 = arith.muli %mul3A_627, %scan3A_458 : i32
        %add3A_629 = arith.constant 480 : i32
        %add3A_630 = arith.addi %add3A_629, %mul3A_628 : i32
        %get3A_631 = arith.index_cast %add3A_630 : i32 to index
        %get3A_632 = memref.load %arg18[%get3A_631] : memref<576xf32, #tpu.memory_space<smem>>
        %mul3A_633 = vector.broadcast %get3A_632 : f32 to vector<16xf32>
        %mul3A_634 = arith.mulf %gather3A_481, %mul3A_633 : vector<16xf32>
        %add3A_635 = arith.addf %scan3A_474, %mul3A_634 : vector<16xf32>
        %mul3A_636 = arith.constant 2 : i32
        %mul3A_637 = arith.muli %mul3A_636, %scan3A_458 : i32
        %add3A_638 = arith.constant 0 : i32
        %add3A_639 = arith.addi %add3A_638, %mul3A_637 : i32
        %add3A_640 = arith.constant 1 : i32
        %add3A_641 = arith.addi %add3A_639, %add3A_640 : i32
        %get3A_642 = arith.index_cast %add3A_641 : i32 to index
        %get3A_643 = memref.load %arg18[%get3A_642] : memref<576xf32, #tpu.memory_space<smem>>
        %mul3A_644 = vector.broadcast %get3A_643 : f32 to vector<16xf32>
        %mul3A_645 = arith.mulf %gather3A_491, %mul3A_644 : vector<16xf32>
        %add3A_646 = arith.addf %add3A_500, %mul3A_645 : vector<16xf32>
        %mul3A_647 = arith.constant 2 : i32
        %mul3A_648 = arith.muli %mul3A_647, %scan3A_458 : i32
        %add3A_649 = arith.constant 32 : i32
        %add3A_650 = arith.addi %add3A_649, %mul3A_648 : i32
        %add3A_651 = arith.constant 1 : i32
        %add3A_652 = arith.addi %add3A_650, %add3A_651 : i32
        %get3A_653 = arith.index_cast %add3A_652 : i32 to index
        %get3A_654 = memref.load %arg18[%get3A_653] : memref<576xf32, #tpu.memory_space<smem>>
        %mul3A_655 = vector.broadcast %get3A_654 : f32 to vector<16xf32>
        %mul3A_656 = arith.mulf %gather3A_491, %mul3A_655 : vector<16xf32>
        %add3A_657 = arith.addf %add3A_509, %mul3A_656 : vector<16xf32>
        %mul3A_658 = arith.constant 2 : i32
        %mul3A_659 = arith.muli %mul3A_658, %scan3A_458 : i32
        %add3A_660 = arith.constant 64 : i32
        %add3A_661 = arith.addi %add3A_660, %mul3A_659 : i32
        %add3A_662 = arith.constant 1 : i32
        %add3A_663 = arith.addi %add3A_661, %add3A_662 : i32
        %get3A_664 = arith.index_cast %add3A_663 : i32 to index
        %get3A_665 = memref.load %arg18[%get3A_664] : memref<576xf32, #tpu.memory_space<smem>>
        %mul3A_666 = vector.broadcast %get3A_665 : f32 to vector<16xf32>
        %mul3A_667 = arith.mulf %gather3A_491, %mul3A_666 : vector<16xf32>
        %add3A_668 = arith.addf %add3A_518, %mul3A_667 : vector<16xf32>
        %mul3A_669 = arith.constant 2 : i32
        %mul3A_670 = arith.muli %mul3A_669, %scan3A_458 : i32
        %add3A_671 = arith.constant 96 : i32
        %add3A_672 = arith.addi %add3A_671, %mul3A_670 : i32
        %add3A_673 = arith.constant 1 : i32
        %add3A_674 = arith.addi %add3A_672, %add3A_673 : i32
        %get3A_675 = arith.index_cast %add3A_674 : i32 to index
        %get3A_676 = memref.load %arg18[%get3A_675] : memref<576xf32, #tpu.memory_space<smem>>
        %mul3A_677 = vector.broadcast %get3A_676 : f32 to vector<16xf32>
        %mul3A_678 = arith.mulf %gather3A_491, %mul3A_677 : vector<16xf32>
        %add3A_679 = arith.addf %add3A_527, %mul3A_678 : vector<16xf32>
        %mul3A_680 = arith.constant 2 : i32
        %mul3A_681 = arith.muli %mul3A_680, %scan3A_458 : i32
        %add3A_682 = arith.constant 128 : i32
        %add3A_683 = arith.addi %add3A_682, %mul3A_681 : i32
        %add3A_684 = arith.constant 1 : i32
        %add3A_685 = arith.addi %add3A_683, %add3A_684 : i32
        %get3A_686 = arith.index_cast %add3A_685 : i32 to index
        %get3A_687 = memref.load %arg18[%get3A_686] : memref<576xf32, #tpu.memory_space<smem>>
        %mul3A_688 = vector.broadcast %get3A_687 : f32 to vector<16xf32>
        %mul3A_689 = arith.mulf %gather3A_491, %mul3A_688 : vector<16xf32>
        %add3A_690 = arith.addf %add3A_536, %mul3A_689 : vector<16xf32>
        %mul3A_691 = arith.constant 2 : i32
        %mul3A_692 = arith.muli %mul3A_691, %scan3A_458 : i32
        %add3A_693 = arith.constant 160 : i32
        %add3A_694 = arith.addi %add3A_693, %mul3A_692 : i32
        %add3A_695 = arith.constant 1 : i32
        %add3A_696 = arith.addi %add3A_694, %add3A_695 : i32
        %get3A_697 = arith.index_cast %add3A_696 : i32 to index
        %get3A_698 = memref.load %arg18[%get3A_697] : memref<576xf32, #tpu.memory_space<smem>>
        %mul3A_699 = vector.broadcast %get3A_698 : f32 to vector<16xf32>
        %mul3A_700 = arith.mulf %gather3A_491, %mul3A_699 : vector<16xf32>
        %add3A_701 = arith.addf %add3A_545, %mul3A_700 : vector<16xf32>
        %mul3A_702 = arith.constant 2 : i32
        %mul3A_703 = arith.muli %mul3A_702, %scan3A_458 : i32
        %add3A_704 = arith.constant 192 : i32
        %add3A_705 = arith.addi %add3A_704, %mul3A_703 : i32
        %add3A_706 = arith.constant 1 : i32
        %add3A_707 = arith.addi %add3A_705, %add3A_706 : i32
        %get3A_708 = arith.index_cast %add3A_707 : i32 to index
        %get3A_709 = memref.load %arg18[%get3A_708] : memref<576xf32, #tpu.memory_space<smem>>
        %mul3A_710 = vector.broadcast %get3A_709 : f32 to vector<16xf32>
        %mul3A_711 = arith.mulf %gather3A_491, %mul3A_710 : vector<16xf32>
        %add3A_712 = arith.addf %add3A_554, %mul3A_711 : vector<16xf32>
        %mul3A_713 = arith.constant 2 : i32
        %mul3A_714 = arith.muli %mul3A_713, %scan3A_458 : i32
        %add3A_715 = arith.constant 224 : i32
        %add3A_716 = arith.addi %add3A_715, %mul3A_714 : i32
        %add3A_717 = arith.constant 1 : i32
        %add3A_718 = arith.addi %add3A_716, %add3A_717 : i32
        %get3A_719 = arith.index_cast %add3A_718 : i32 to index
        %get3A_720 = memref.load %arg18[%get3A_719] : memref<576xf32, #tpu.memory_space<smem>>
        %mul3A_721 = vector.broadcast %get3A_720 : f32 to vector<16xf32>
        %mul3A_722 = arith.mulf %gather3A_491, %mul3A_721 : vector<16xf32>
        %add3A_723 = arith.addf %add3A_563, %mul3A_722 : vector<16xf32>
        %mul3A_724 = arith.constant 2 : i32
        %mul3A_725 = arith.muli %mul3A_724, %scan3A_458 : i32
        %add3A_726 = arith.constant 256 : i32
        %add3A_727 = arith.addi %add3A_726, %mul3A_725 : i32
        %add3A_728 = arith.constant 1 : i32
        %add3A_729 = arith.addi %add3A_727, %add3A_728 : i32
        %get3A_730 = arith.index_cast %add3A_729 : i32 to index
        %get3A_731 = memref.load %arg18[%get3A_730] : memref<576xf32, #tpu.memory_space<smem>>
        %mul3A_732 = vector.broadcast %get3A_731 : f32 to vector<16xf32>
        %mul3A_733 = arith.mulf %gather3A_491, %mul3A_732 : vector<16xf32>
        %add3A_734 = arith.addf %add3A_572, %mul3A_733 : vector<16xf32>
        %mul3A_735 = arith.constant 2 : i32
        %mul3A_736 = arith.muli %mul3A_735, %scan3A_458 : i32
        %add3A_737 = arith.constant 288 : i32
        %add3A_738 = arith.addi %add3A_737, %mul3A_736 : i32
        %add3A_739 = arith.constant 1 : i32
        %add3A_740 = arith.addi %add3A_738, %add3A_739 : i32
        %get3A_741 = arith.index_cast %add3A_740 : i32 to index
        %get3A_742 = memref.load %arg18[%get3A_741] : memref<576xf32, #tpu.memory_space<smem>>
        %mul3A_743 = vector.broadcast %get3A_742 : f32 to vector<16xf32>
        %mul3A_744 = arith.mulf %gather3A_491, %mul3A_743 : vector<16xf32>
        %add3A_745 = arith.addf %add3A_581, %mul3A_744 : vector<16xf32>
        %mul3A_746 = arith.constant 2 : i32
        %mul3A_747 = arith.muli %mul3A_746, %scan3A_458 : i32
        %add3A_748 = arith.constant 320 : i32
        %add3A_749 = arith.addi %add3A_748, %mul3A_747 : i32
        %add3A_750 = arith.constant 1 : i32
        %add3A_751 = arith.addi %add3A_749, %add3A_750 : i32
        %get3A_752 = arith.index_cast %add3A_751 : i32 to index
        %get3A_753 = memref.load %arg18[%get3A_752] : memref<576xf32, #tpu.memory_space<smem>>
        %mul3A_754 = vector.broadcast %get3A_753 : f32 to vector<16xf32>
        %mul3A_755 = arith.mulf %gather3A_491, %mul3A_754 : vector<16xf32>
        %add3A_756 = arith.addf %add3A_590, %mul3A_755 : vector<16xf32>
        %mul3A_757 = arith.constant 2 : i32
        %mul3A_758 = arith.muli %mul3A_757, %scan3A_458 : i32
        %add3A_759 = arith.constant 352 : i32
        %add3A_760 = arith.addi %add3A_759, %mul3A_758 : i32
        %add3A_761 = arith.constant 1 : i32
        %add3A_762 = arith.addi %add3A_760, %add3A_761 : i32
        %get3A_763 = arith.index_cast %add3A_762 : i32 to index
        %get3A_764 = memref.load %arg18[%get3A_763] : memref<576xf32, #tpu.memory_space<smem>>
        %mul3A_765 = vector.broadcast %get3A_764 : f32 to vector<16xf32>
        %mul3A_766 = arith.mulf %gather3A_491, %mul3A_765 : vector<16xf32>
        %add3A_767 = arith.addf %add3A_599, %mul3A_766 : vector<16xf32>
        %mul3A_768 = arith.constant 2 : i32
        %mul3A_769 = arith.muli %mul3A_768, %scan3A_458 : i32
        %add3A_770 = arith.constant 384 : i32
        %add3A_771 = arith.addi %add3A_770, %mul3A_769 : i32
        %add3A_772 = arith.constant 1 : i32
        %add3A_773 = arith.addi %add3A_771, %add3A_772 : i32
        %get3A_774 = arith.index_cast %add3A_773 : i32 to index
        %get3A_775 = memref.load %arg18[%get3A_774] : memref<576xf32, #tpu.memory_space<smem>>
        %mul3A_776 = vector.broadcast %get3A_775 : f32 to vector<16xf32>
        %mul3A_777 = arith.mulf %gather3A_491, %mul3A_776 : vector<16xf32>
        %add3A_778 = arith.addf %add3A_608, %mul3A_777 : vector<16xf32>
        %mul3A_779 = arith.constant 2 : i32
        %mul3A_780 = arith.muli %mul3A_779, %scan3A_458 : i32
        %add3A_781 = arith.constant 416 : i32
        %add3A_782 = arith.addi %add3A_781, %mul3A_780 : i32
        %add3A_783 = arith.constant 1 : i32
        %add3A_784 = arith.addi %add3A_782, %add3A_783 : i32
        %get3A_785 = arith.index_cast %add3A_784 : i32 to index
        %get3A_786 = memref.load %arg18[%get3A_785] : memref<576xf32, #tpu.memory_space<smem>>
        %mul3A_787 = vector.broadcast %get3A_786 : f32 to vector<16xf32>
        %mul3A_788 = arith.mulf %gather3A_491, %mul3A_787 : vector<16xf32>
        %add3A_789 = arith.addf %add3A_617, %mul3A_788 : vector<16xf32>
        %mul3A_790 = arith.constant 2 : i32
        %mul3A_791 = arith.muli %mul3A_790, %scan3A_458 : i32
        %add3A_792 = arith.constant 448 : i32
        %add3A_793 = arith.addi %add3A_792, %mul3A_791 : i32
        %add3A_794 = arith.constant 1 : i32
        %add3A_795 = arith.addi %add3A_793, %add3A_794 : i32
        %get3A_796 = arith.index_cast %add3A_795 : i32 to index
        %get3A_797 = memref.load %arg18[%get3A_796] : memref<576xf32, #tpu.memory_space<smem>>
        %mul3A_798 = vector.broadcast %get3A_797 : f32 to vector<16xf32>
        %mul3A_799 = arith.mulf %gather3A_491, %mul3A_798 : vector<16xf32>
        %add3A_800 = arith.addf %add3A_626, %mul3A_799 : vector<16xf32>
        %mul3A_801 = arith.constant 2 : i32
        %mul3A_802 = arith.muli %mul3A_801, %scan3A_458 : i32
        %add3A_803 = arith.constant 480 : i32
        %add3A_804 = arith.addi %add3A_803, %mul3A_802 : i32
        %add3A_805 = arith.constant 1 : i32
        %add3A_806 = arith.addi %add3A_804, %add3A_805 : i32
        %get3A_807 = arith.index_cast %add3A_806 : i32 to index
        %get3A_808 = memref.load %arg18[%get3A_807] : memref<576xf32, #tpu.memory_space<smem>>
        %mul3A_809 = vector.broadcast %get3A_808 : f32 to vector<16xf32>
        %mul3A_810 = arith.mulf %gather3A_491, %mul3A_809 : vector<16xf32>
        %add3A_811 = arith.addf %add3A_635, %mul3A_810 : vector<16xf32>
        scf.yield %add3A_646, %add3A_657, %add3A_668, %add3A_679, %add3A_690, %add3A_701, %add3A_712, %add3A_723, %add3A_734, %add3A_745, %add3A_756, %add3A_767, %add3A_778, %add3A_789, %add3A_800, %add3A_811 : vector<16xf32>, vector<16xf32>, vector<16xf32>, vector<16xf32>, vector<16xf32>, vector<16xf32>, vector<16xf32>, vector<16xf32>, vector<16xf32>, vector<16xf32>, vector<16xf32>, vector<16xf32>, vector<16xf32>, vector<16xf32>, vector<16xf32>, vector<16xf32>
      }
      %scan3A_304 = arith.constant 8 : i32
      %scan3A_305 = arith.constant 0 : i32
      %scan3A_306 = arith.constant 8 : i32
      %scan3A_307 = arith.addi %scan3A_305, %scan3A_306 : i32
      %scan3A_308 = arith.constant 1 : i32
      %scan3A_309:16 = scf.for %scan3A_458 = %scan3A_305 to %scan3A_307 step %scan3A_308 iter_args(%scan3A_459 = %scan3A_303#0, %scan3A_460 = %scan3A_303#1, %scan3A_461 = %scan3A_303#2, %scan3A_462 = %scan3A_303#3, %scan3A_463 = %scan3A_303#4, %scan3A_464 = %scan3A_303#5, %scan3A_465 = %scan3A_303#6, %scan3A_466 = %scan3A_303#7, %scan3A_467 = %scan3A_303#8, %scan3A_468 = %scan3A_303#9, %scan3A_469 = %scan3A_303#10, %scan3A_470 = %scan3A_303#11, %scan3A_471 = %scan3A_303#12, %scan3A_472 = %scan3A_303#13, %scan3A_473 = %scan3A_303#14, %scan3A_474 = %scan3A_303#15) -> (vector<16xf32>, vector<16xf32>, vector<16xf32>, vector<16xf32>, vector<16xf32>, vector<16xf32>, vector<16xf32>, vector<16xf32>, vector<16xf32>, vector<16xf32>, vector<16xf32>, vector<16xf32>, vector<16xf32>, vector<16xf32>, vector<16xf32>, vector<16xf32>)  : i32 {
        %broadcast_in_dim3A_475 = arith.constant 0 : i32
        %broadcast_in_dim3A_476 = vector.broadcast %broadcast_in_dim3A_475 : i32 to vector<16xi32>
        %mul3A_477 = arith.constant 2 : i32
        %mul3A_478 = arith.muli %mul3A_477, %scan3A_458 : i32
        %add3A_479 = vector.broadcast %mul3A_478 : i32 to vector<16xi32>
        %add3A_480 = arith.addi %broadcast_in_dim3A_476, %add3A_479 : vector<16xi32>
        %gather3A_481 = tpu.vector_load_idx %arg22[%add3A_102, %add3A_480, %add3A_123] : memref<4x16x128xf32, #tpu.memory_space<vmem>>[vector<16xi32>, vector<16xi32>, vector<16xi32>], vector<16xf32>,
        %broadcast_in_dim3A_482 = arith.constant 0 : i32
        %broadcast_in_dim3A_483 = vector.broadcast %broadcast_in_dim3A_482 : i32 to vector<16xi32>
        %mul3A_484 = arith.constant 2 : i32
        %mul3A_485 = arith.muli %mul3A_484, %scan3A_458 : i32
        %add3A_486 = vector.broadcast %mul3A_485 : i32 to vector<16xi32>
        %add3A_487 = arith.addi %broadcast_in_dim3A_483, %add3A_486 : vector<16xi32>
        %add3A_488 = arith.constant 1 : i32
        %add3A_489 = vector.broadcast %add3A_488 : i32 to vector<16xi32>
        %add3A_490 = arith.addi %add3A_487, %add3A_489 : vector<16xi32>
        %gather3A_491 = tpu.vector_load_idx %arg22[%add3A_102, %add3A_490, %add3A_123] : memref<4x16x128xf32, #tpu.memory_space<vmem>>[vector<16xi32>, vector<16xi32>, vector<16xi32>], vector<16xf32>,
        %mul3A_492 = arith.constant 2 : i32
        %mul3A_493 = arith.muli %mul3A_492, %scan3A_458 : i32
        %add3A_494 = arith.constant 16 : i32
        %add3A_495 = arith.addi %add3A_494, %mul3A_493 : i32
        %get3A_496 = arith.index_cast %add3A_495 : i32 to index
        %get3A_497 = memref.load %arg18[%get3A_496] : memref<576xf32, #tpu.memory_space<smem>>
        %mul3A_498 = vector.broadcast %get3A_497 : f32 to vector<16xf32>
        %mul3A_499 = arith.mulf %gather3A_481, %mul3A_498 : vector<16xf32>
        %add3A_500 = arith.addf %scan3A_459, %mul3A_499 : vector<16xf32>
        %mul3A_501 = arith.constant 2 : i32
        %mul3A_502 = arith.muli %mul3A_501, %scan3A_458 : i32
        %add3A_503 = arith.constant 48 : i32
        %add3A_504 = arith.addi %add3A_503, %mul3A_502 : i32
        %get3A_505 = arith.index_cast %add3A_504 : i32 to index
        %get3A_506 = memref.load %arg18[%get3A_505] : memref<576xf32, #tpu.memory_space<smem>>
        %mul3A_507 = vector.broadcast %get3A_506 : f32 to vector<16xf32>
        %mul3A_508 = arith.mulf %gather3A_481, %mul3A_507 : vector<16xf32>
        %add3A_509 = arith.addf %scan3A_460, %mul3A_508 : vector<16xf32>
        %mul3A_510 = arith.constant 2 : i32
        %mul3A_511 = arith.muli %mul3A_510, %scan3A_458 : i32
        %add3A_512 = arith.constant 80 : i32
        %add3A_513 = arith.addi %add3A_512, %mul3A_511 : i32
        %get3A_514 = arith.index_cast %add3A_513 : i32 to index
        %get3A_515 = memref.load %arg18[%get3A_514] : memref<576xf32, #tpu.memory_space<smem>>
        %mul3A_516 = vector.broadcast %get3A_515 : f32 to vector<16xf32>
        %mul3A_517 = arith.mulf %gather3A_481, %mul3A_516 : vector<16xf32>
        %add3A_518 = arith.addf %scan3A_461, %mul3A_517 : vector<16xf32>
        %mul3A_519 = arith.constant 2 : i32
        %mul3A_520 = arith.muli %mul3A_519, %scan3A_458 : i32
        %add3A_521 = arith.constant 112 : i32
        %add3A_522 = arith.addi %add3A_521, %mul3A_520 : i32
        %get3A_523 = arith.index_cast %add3A_522 : i32 to index
        %get3A_524 = memref.load %arg18[%get3A_523] : memref<576xf32, #tpu.memory_space<smem>>
        %mul3A_525 = vector.broadcast %get3A_524 : f32 to vector<16xf32>
        %mul3A_526 = arith.mulf %gather3A_481, %mul3A_525 : vector<16xf32>
        %add3A_527 = arith.addf %scan3A_462, %mul3A_526 : vector<16xf32>
        %mul3A_528 = arith.constant 2 : i32
        %mul3A_529 = arith.muli %mul3A_528, %scan3A_458 : i32
        %add3A_530 = arith.constant 144 : i32
        %add3A_531 = arith.addi %add3A_530, %mul3A_529 : i32
        %get3A_532 = arith.index_cast %add3A_531 : i32 to index
        %get3A_533 = memref.load %arg18[%get3A_532] : memref<576xf32, #tpu.memory_space<smem>>
        %mul3A_534 = vector.broadcast %get3A_533 : f32 to vector<16xf32>
        %mul3A_535 = arith.mulf %gather3A_481, %mul3A_534 : vector<16xf32>
        %add3A_536 = arith.addf %scan3A_463, %mul3A_535 : vector<16xf32>
        %mul3A_537 = arith.constant 2 : i32
        %mul3A_538 = arith.muli %mul3A_537, %scan3A_458 : i32
        %add3A_539 = arith.constant 176 : i32
        %add3A_540 = arith.addi %add3A_539, %mul3A_538 : i32
        %get3A_541 = arith.index_cast %add3A_540 : i32 to index
        %get3A_542 = memref.load %arg18[%get3A_541] : memref<576xf32, #tpu.memory_space<smem>>
        %mul3A_543 = vector.broadcast %get3A_542 : f32 to vector<16xf32>
        %mul3A_544 = arith.mulf %gather3A_481, %mul3A_543 : vector<16xf32>
        %add3A_545 = arith.addf %scan3A_464, %mul3A_544 : vector<16xf32>
        %mul3A_546 = arith.constant 2 : i32
        %mul3A_547 = arith.muli %mul3A_546, %scan3A_458 : i32
        %add3A_548 = arith.constant 208 : i32
        %add3A_549 = arith.addi %add3A_548, %mul3A_547 : i32
        %get3A_550 = arith.index_cast %add3A_549 : i32 to index
        %get3A_551 = memref.load %arg18[%get3A_550] : memref<576xf32, #tpu.memory_space<smem>>
        %mul3A_552 = vector.broadcast %get3A_551 : f32 to vector<16xf32>
        %mul3A_553 = arith.mulf %gather3A_481, %mul3A_552 : vector<16xf32>
        %add3A_554 = arith.addf %scan3A_465, %mul3A_553 : vector<16xf32>
        %mul3A_555 = arith.constant 2 : i32
        %mul3A_556 = arith.muli %mul3A_555, %scan3A_458 : i32
        %add3A_557 = arith.constant 240 : i32
        %add3A_558 = arith.addi %add3A_557, %mul3A_556 : i32
        %get3A_559 = arith.index_cast %add3A_558 : i32 to index
        %get3A_560 = memref.load %arg18[%get3A_559] : memref<576xf32, #tpu.memory_space<smem>>
        %mul3A_561 = vector.broadcast %get3A_560 : f32 to vector<16xf32>
        %mul3A_562 = arith.mulf %gather3A_481, %mul3A_561 : vector<16xf32>
        %add3A_563 = arith.addf %scan3A_466, %mul3A_562 : vector<16xf32>
        %mul3A_564 = arith.constant 2 : i32
        %mul3A_565 = arith.muli %mul3A_564, %scan3A_458 : i32
        %add3A_566 = arith.constant 272 : i32
        %add3A_567 = arith.addi %add3A_566, %mul3A_565 : i32
        %get3A_568 = arith.index_cast %add3A_567 : i32 to index
        %get3A_569 = memref.load %arg18[%get3A_568] : memref<576xf32, #tpu.memory_space<smem>>
        %mul3A_570 = vector.broadcast %get3A_569 : f32 to vector<16xf32>
        %mul3A_571 = arith.mulf %gather3A_481, %mul3A_570 : vector<16xf32>
        %add3A_572 = arith.addf %scan3A_467, %mul3A_571 : vector<16xf32>
        %mul3A_573 = arith.constant 2 : i32
        %mul3A_574 = arith.muli %mul3A_573, %scan3A_458 : i32
        %add3A_575 = arith.constant 304 : i32
        %add3A_576 = arith.addi %add3A_575, %mul3A_574 : i32
        %get3A_577 = arith.index_cast %add3A_576 : i32 to index
        %get3A_578 = memref.load %arg18[%get3A_577] : memref<576xf32, #tpu.memory_space<smem>>
        %mul3A_579 = vector.broadcast %get3A_578 : f32 to vector<16xf32>
        %mul3A_580 = arith.mulf %gather3A_481, %mul3A_579 : vector<16xf32>
        %add3A_581 = arith.addf %scan3A_468, %mul3A_580 : vector<16xf32>
        %mul3A_582 = arith.constant 2 : i32
        %mul3A_583 = arith.muli %mul3A_582, %scan3A_458 : i32
        %add3A_584 = arith.constant 336 : i32
        %add3A_585 = arith.addi %add3A_584, %mul3A_583 : i32
        %get3A_586 = arith.index_cast %add3A_585 : i32 to index
        %get3A_587 = memref.load %arg18[%get3A_586] : memref<576xf32, #tpu.memory_space<smem>>
        %mul3A_588 = vector.broadcast %get3A_587 : f32 to vector<16xf32>
        %mul3A_589 = arith.mulf %gather3A_481, %mul3A_588 : vector<16xf32>
        %add3A_590 = arith.addf %scan3A_469, %mul3A_589 : vector<16xf32>
        %mul3A_591 = arith.constant 2 : i32
        %mul3A_592 = arith.muli %mul3A_591, %scan3A_458 : i32
        %add3A_593 = arith.constant 368 : i32
        %add3A_594 = arith.addi %add3A_593, %mul3A_592 : i32
        %get3A_595 = arith.index_cast %add3A_594 : i32 to index
        %get3A_596 = memref.load %arg18[%get3A_595] : memref<576xf32, #tpu.memory_space<smem>>
        %mul3A_597 = vector.broadcast %get3A_596 : f32 to vector<16xf32>
        %mul3A_598 = arith.mulf %gather3A_481, %mul3A_597 : vector<16xf32>
        %add3A_599 = arith.addf %scan3A_470, %mul3A_598 : vector<16xf32>
        %mul3A_600 = arith.constant 2 : i32
        %mul3A_601 = arith.muli %mul3A_600, %scan3A_458 : i32
        %add3A_602 = arith.constant 400 : i32
        %add3A_603 = arith.addi %add3A_602, %mul3A_601 : i32
        %get3A_604 = arith.index_cast %add3A_603 : i32 to index
        %get3A_605 = memref.load %arg18[%get3A_604] : memref<576xf32, #tpu.memory_space<smem>>
        %mul3A_606 = vector.broadcast %get3A_605 : f32 to vector<16xf32>
        %mul3A_607 = arith.mulf %gather3A_481, %mul3A_606 : vector<16xf32>
        %add3A_608 = arith.addf %scan3A_471, %mul3A_607 : vector<16xf32>
        %mul3A_609 = arith.constant 2 : i32
        %mul3A_610 = arith.muli %mul3A_609, %scan3A_458 : i32
        %add3A_611 = arith.constant 432 : i32
        %add3A_612 = arith.addi %add3A_611, %mul3A_610 : i32
        %get3A_613 = arith.index_cast %add3A_612 : i32 to index
        %get3A_614 = memref.load %arg18[%get3A_613] : memref<576xf32, #tpu.memory_space<smem>>
        %mul3A_615 = vector.broadcast %get3A_614 : f32 to vector<16xf32>
        %mul3A_616 = arith.mulf %gather3A_481, %mul3A_615 : vector<16xf32>
        %add3A_617 = arith.addf %scan3A_472, %mul3A_616 : vector<16xf32>
        %mul3A_618 = arith.constant 2 : i32
        %mul3A_619 = arith.muli %mul3A_618, %scan3A_458 : i32
        %add3A_620 = arith.constant 464 : i32
        %add3A_621 = arith.addi %add3A_620, %mul3A_619 : i32
        %get3A_622 = arith.index_cast %add3A_621 : i32 to index
        %get3A_623 = memref.load %arg18[%get3A_622] : memref<576xf32, #tpu.memory_space<smem>>
        %mul3A_624 = vector.broadcast %get3A_623 : f32 to vector<16xf32>
        %mul3A_625 = arith.mulf %gather3A_481, %mul3A_624 : vector<16xf32>
        %add3A_626 = arith.addf %scan3A_473, %mul3A_625 : vector<16xf32>
        %mul3A_627 = arith.constant 2 : i32
        %mul3A_628 = arith.muli %mul3A_627, %scan3A_458 : i32
        %add3A_629 = arith.constant 496 : i32
        %add3A_630 = arith.addi %add3A_629, %mul3A_628 : i32
        %get3A_631 = arith.index_cast %add3A_630 : i32 to index
        %get3A_632 = memref.load %arg18[%get3A_631] : memref<576xf32, #tpu.memory_space<smem>>
        %mul3A_633 = vector.broadcast %get3A_632 : f32 to vector<16xf32>
        %mul3A_634 = arith.mulf %gather3A_481, %mul3A_633 : vector<16xf32>
        %add3A_635 = arith.addf %scan3A_474, %mul3A_634 : vector<16xf32>
        %mul3A_636 = arith.constant 2 : i32
        %mul3A_637 = arith.muli %mul3A_636, %scan3A_458 : i32
        %add3A_638 = arith.constant 16 : i32
        %add3A_639 = arith.addi %add3A_638, %mul3A_637 : i32
        %add3A_640 = arith.constant 1 : i32
        %add3A_641 = arith.addi %add3A_639, %add3A_640 : i32
        %get3A_642 = arith.index_cast %add3A_641 : i32 to index
        %get3A_643 = memref.load %arg18[%get3A_642] : memref<576xf32, #tpu.memory_space<smem>>
        %mul3A_644 = vector.broadcast %get3A_643 : f32 to vector<16xf32>
        %mul3A_645 = arith.mulf %gather3A_491, %mul3A_644 : vector<16xf32>
        %add3A_646 = arith.addf %add3A_500, %mul3A_645 : vector<16xf32>
        %mul3A_647 = arith.constant 2 : i32
        %mul3A_648 = arith.muli %mul3A_647, %scan3A_458 : i32
        %add3A_649 = arith.constant 48 : i32
        %add3A_650 = arith.addi %add3A_649, %mul3A_648 : i32
        %add3A_651 = arith.constant 1 : i32
        %add3A_652 = arith.addi %add3A_650, %add3A_651 : i32
        %get3A_653 = arith.index_cast %add3A_652 : i32 to index
        %get3A_654 = memref.load %arg18[%get3A_653] : memref<576xf32, #tpu.memory_space<smem>>
        %mul3A_655 = vector.broadcast %get3A_654 : f32 to vector<16xf32>
        %mul3A_656 = arith.mulf %gather3A_491, %mul3A_655 : vector<16xf32>
        %add3A_657 = arith.addf %add3A_509, %mul3A_656 : vector<16xf32>
        %mul3A_658 = arith.constant 2 : i32
        %mul3A_659 = arith.muli %mul3A_658, %scan3A_458 : i32
        %add3A_660 = arith.constant 80 : i32
        %add3A_661 = arith.addi %add3A_660, %mul3A_659 : i32
        %add3A_662 = arith.constant 1 : i32
        %add3A_663 = arith.addi %add3A_661, %add3A_662 : i32
        %get3A_664 = arith.index_cast %add3A_663 : i32 to index
        %get3A_665 = memref.load %arg18[%get3A_664] : memref<576xf32, #tpu.memory_space<smem>>
        %mul3A_666 = vector.broadcast %get3A_665 : f32 to vector<16xf32>
        %mul3A_667 = arith.mulf %gather3A_491, %mul3A_666 : vector<16xf32>
        %add3A_668 = arith.addf %add3A_518, %mul3A_667 : vector<16xf32>
        %mul3A_669 = arith.constant 2 : i32
        %mul3A_670 = arith.muli %mul3A_669, %scan3A_458 : i32
        %add3A_671 = arith.constant 112 : i32
        %add3A_672 = arith.addi %add3A_671, %mul3A_670 : i32
        %add3A_673 = arith.constant 1 : i32
        %add3A_674 = arith.addi %add3A_672, %add3A_673 : i32
        %get3A_675 = arith.index_cast %add3A_674 : i32 to index
        %get3A_676 = memref.load %arg18[%get3A_675] : memref<576xf32, #tpu.memory_space<smem>>
        %mul3A_677 = vector.broadcast %get3A_676 : f32 to vector<16xf32>
        %mul3A_678 = arith.mulf %gather3A_491, %mul3A_677 : vector<16xf32>
        %add3A_679 = arith.addf %add3A_527, %mul3A_678 : vector<16xf32>
        %mul3A_680 = arith.constant 2 : i32
        %mul3A_681 = arith.muli %mul3A_680, %scan3A_458 : i32
        %add3A_682 = arith.constant 144 : i32
        %add3A_683 = arith.addi %add3A_682, %mul3A_681 : i32
        %add3A_684 = arith.constant 1 : i32
        %add3A_685 = arith.addi %add3A_683, %add3A_684 : i32
        %get3A_686 = arith.index_cast %add3A_685 : i32 to index
        %get3A_687 = memref.load %arg18[%get3A_686] : memref<576xf32, #tpu.memory_space<smem>>
        %mul3A_688 = vector.broadcast %get3A_687 : f32 to vector<16xf32>
        %mul3A_689 = arith.mulf %gather3A_491, %mul3A_688 : vector<16xf32>
        %add3A_690 = arith.addf %add3A_536, %mul3A_689 : vector<16xf32>
        %mul3A_691 = arith.constant 2 : i32
        %mul3A_692 = arith.muli %mul3A_691, %scan3A_458 : i32
        %add3A_693 = arith.constant 176 : i32
        %add3A_694 = arith.addi %add3A_693, %mul3A_692 : i32
        %add3A_695 = arith.constant 1 : i32
        %add3A_696 = arith.addi %add3A_694, %add3A_695 : i32
        %get3A_697 = arith.index_cast %add3A_696 : i32 to index
        %get3A_698 = memref.load %arg18[%get3A_697] : memref<576xf32, #tpu.memory_space<smem>>
        %mul3A_699 = vector.broadcast %get3A_698 : f32 to vector<16xf32>
        %mul3A_700 = arith.mulf %gather3A_491, %mul3A_699 : vector<16xf32>
        %add3A_701 = arith.addf %add3A_545, %mul3A_700 : vector<16xf32>
        %mul3A_702 = arith.constant 2 : i32
        %mul3A_703 = arith.muli %mul3A_702, %scan3A_458 : i32
        %add3A_704 = arith.constant 208 : i32
        %add3A_705 = arith.addi %add3A_704, %mul3A_703 : i32
        %add3A_706 = arith.constant 1 : i32
        %add3A_707 = arith.addi %add3A_705, %add3A_706 : i32
        %get3A_708 = arith.index_cast %add3A_707 : i32 to index
        %get3A_709 = memref.load %arg18[%get3A_708] : memref<576xf32, #tpu.memory_space<smem>>
        %mul3A_710 = vector.broadcast %get3A_709 : f32 to vector<16xf32>
        %mul3A_711 = arith.mulf %gather3A_491, %mul3A_710 : vector<16xf32>
        %add3A_712 = arith.addf %add3A_554, %mul3A_711 : vector<16xf32>
        %mul3A_713 = arith.constant 2 : i32
        %mul3A_714 = arith.muli %mul3A_713, %scan3A_458 : i32
        %add3A_715 = arith.constant 240 : i32
        %add3A_716 = arith.addi %add3A_715, %mul3A_714 : i32
        %add3A_717 = arith.constant 1 : i32
        %add3A_718 = arith.addi %add3A_716, %add3A_717 : i32
        %get3A_719 = arith.index_cast %add3A_718 : i32 to index
        %get3A_720 = memref.load %arg18[%get3A_719] : memref<576xf32, #tpu.memory_space<smem>>
        %mul3A_721 = vector.broadcast %get3A_720 : f32 to vector<16xf32>
        %mul3A_722 = arith.mulf %gather3A_491, %mul3A_721 : vector<16xf32>
        %add3A_723 = arith.addf %add3A_563, %mul3A_722 : vector<16xf32>
        %mul3A_724 = arith.constant 2 : i32
        %mul3A_725 = arith.muli %mul3A_724, %scan3A_458 : i32
        %add3A_726 = arith.constant 272 : i32
        %add3A_727 = arith.addi %add3A_726, %mul3A_725 : i32
        %add3A_728 = arith.constant 1 : i32
        %add3A_729 = arith.addi %add3A_727, %add3A_728 : i32
        %get3A_730 = arith.index_cast %add3A_729 : i32 to index
        %get3A_731 = memref.load %arg18[%get3A_730] : memref<576xf32, #tpu.memory_space<smem>>
        %mul3A_732 = vector.broadcast %get3A_731 : f32 to vector<16xf32>
        %mul3A_733 = arith.mulf %gather3A_491, %mul3A_732 : vector<16xf32>
        %add3A_734 = arith.addf %add3A_572, %mul3A_733 : vector<16xf32>
        %mul3A_735 = arith.constant 2 : i32
        %mul3A_736 = arith.muli %mul3A_735, %scan3A_458 : i32
        %add3A_737 = arith.constant 304 : i32
        %add3A_738 = arith.addi %add3A_737, %mul3A_736 : i32
        %add3A_739 = arith.constant 1 : i32
        %add3A_740 = arith.addi %add3A_738, %add3A_739 : i32
        %get3A_741 = arith.index_cast %add3A_740 : i32 to index
        %get3A_742 = memref.load %arg18[%get3A_741] : memref<576xf32, #tpu.memory_space<smem>>
        %mul3A_743 = vector.broadcast %get3A_742 : f32 to vector<16xf32>
        %mul3A_744 = arith.mulf %gather3A_491, %mul3A_743 : vector<16xf32>
        %add3A_745 = arith.addf %add3A_581, %mul3A_744 : vector<16xf32>
        %mul3A_746 = arith.constant 2 : i32
        %mul3A_747 = arith.muli %mul3A_746, %scan3A_458 : i32
        %add3A_748 = arith.constant 336 : i32
        %add3A_749 = arith.addi %add3A_748, %mul3A_747 : i32
        %add3A_750 = arith.constant 1 : i32
        %add3A_751 = arith.addi %add3A_749, %add3A_750 : i32
        %get3A_752 = arith.index_cast %add3A_751 : i32 to index
        %get3A_753 = memref.load %arg18[%get3A_752] : memref<576xf32, #tpu.memory_space<smem>>
        %mul3A_754 = vector.broadcast %get3A_753 : f32 to vector<16xf32>
        %mul3A_755 = arith.mulf %gather3A_491, %mul3A_754 : vector<16xf32>
        %add3A_756 = arith.addf %add3A_590, %mul3A_755 : vector<16xf32>
        %mul3A_757 = arith.constant 2 : i32
        %mul3A_758 = arith.muli %mul3A_757, %scan3A_458 : i32
        %add3A_759 = arith.constant 368 : i32
        %add3A_760 = arith.addi %add3A_759, %mul3A_758 : i32
        %add3A_761 = arith.constant 1 : i32
        %add3A_762 = arith.addi %add3A_760, %add3A_761 : i32
        %get3A_763 = arith.index_cast %add3A_762 : i32 to index
        %get3A_764 = memref.load %arg18[%get3A_763] : memref<576xf32, #tpu.memory_space<smem>>
        %mul3A_765 = vector.broadcast %get3A_764 : f32 to vector<16xf32>
        %mul3A_766 = arith.mulf %gather3A_491, %mul3A_765 : vector<16xf32>
        %add3A_767 = arith.addf %add3A_599, %mul3A_766 : vector<16xf32>
        %mul3A_768 = arith.constant 2 : i32
        %mul3A_769 = arith.muli %mul3A_768, %scan3A_458 : i32
        %add3A_770 = arith.constant 400 : i32
        %add3A_771 = arith.addi %add3A_770, %mul3A_769 : i32
        %add3A_772 = arith.constant 1 : i32
        %add3A_773 = arith.addi %add3A_771, %add3A_772 : i32
        %get3A_774 = arith.index_cast %add3A_773 : i32 to index
        %get3A_775 = memref.load %arg18[%get3A_774] : memref<576xf32, #tpu.memory_space<smem>>
        %mul3A_776 = vector.broadcast %get3A_775 : f32 to vector<16xf32>
        %mul3A_777 = arith.mulf %gather3A_491, %mul3A_776 : vector<16xf32>
        %add3A_778 = arith.addf %add3A_608, %mul3A_777 : vector<16xf32>
        %mul3A_779 = arith.constant 2 : i32
        %mul3A_780 = arith.muli %mul3A_779, %scan3A_458 : i32
        %add3A_781 = arith.constant 432 : i32
        %add3A_782 = arith.addi %add3A_781, %mul3A_780 : i32
        %add3A_783 = arith.constant 1 : i32
        %add3A_784 = arith.addi %add3A_782, %add3A_783 : i32
        %get3A_785 = arith.index_cast %add3A_784 : i32 to index
        %get3A_786 = memref.load %arg18[%get3A_785] : memref<576xf32, #tpu.memory_space<smem>>
        %mul3A_787 = vector.broadcast %get3A_786 : f32 to vector<16xf32>
        %mul3A_788 = arith.mulf %gather3A_491, %mul3A_787 : vector<16xf32>
        %add3A_789 = arith.addf %add3A_617, %mul3A_788 : vector<16xf32>
        %mul3A_790 = arith.constant 2 : i32
        %mul3A_791 = arith.muli %mul3A_790, %scan3A_458 : i32
        %add3A_792 = arith.constant 464 : i32
        %add3A_793 = arith.addi %add3A_792, %mul3A_791 : i32
        %add3A_794 = arith.constant 1 : i32
        %add3A_795 = arith.addi %add3A_793, %add3A_794 : i32
        %get3A_796 = arith.index_cast %add3A_795 : i32 to index
        %get3A_797 = memref.load %arg18[%get3A_796] : memref<576xf32, #tpu.memory_space<smem>>
        %mul3A_798 = vector.broadcast %get3A_797 : f32 to vector<16xf32>
        %mul3A_799 = arith.mulf %gather3A_491, %mul3A_798 : vector<16xf32>
        %add3A_800 = arith.addf %add3A_626, %mul3A_799 : vector<16xf32>
        %mul3A_801 = arith.constant 2 : i32
        %mul3A_802 = arith.muli %mul3A_801, %scan3A_458 : i32
        %add3A_803 = arith.constant 496 : i32
        %add3A_804 = arith.addi %add3A_803, %mul3A_802 : i32
        %add3A_805 = arith.constant 1 : i32
        %add3A_806 = arith.addi %add3A_804, %add3A_805 : i32
        %get3A_807 = arith.index_cast %add3A_806 : i32 to index
        %get3A_808 = memref.load %arg18[%get3A_807] : memref<576xf32, #tpu.memory_space<smem>>
        %mul3A_809 = vector.broadcast %get3A_808 : f32 to vector<16xf32>
        %mul3A_810 = arith.mulf %gather3A_491, %mul3A_809 : vector<16xf32>
        %add3A_811 = arith.addf %add3A_635, %mul3A_810 : vector<16xf32>
        scf.yield %add3A_646, %add3A_657, %add3A_668, %add3A_679, %add3A_690, %add3A_701, %add3A_712, %add3A_723, %add3A_734, %add3A_745, %add3A_756, %add3A_767, %add3A_778, %add3A_789, %add3A_800, %add3A_811 : vector<16xf32>, vector<16xf32>, vector<16xf32>, vector<16xf32>, vector<16xf32>, vector<16xf32>, vector<16xf32>, vector<16xf32>, vector<16xf32>, vector<16xf32>, vector<16xf32>, vector<16xf32>, vector<16xf32>, vector<16xf32>, vector<16xf32>, vector<16xf32>
      }
      %scan3A_310 = arith.constant 8 : i32
      %max3A = arith.constant 0.000000e+00 : f32
      %max3A_311 = vector.broadcast %max3A : f32 to vector<16xf32>
      %max3A_312 = arith.maximumf %scan3A_309#0, %max3A_311 : vector<16xf32>
      %get3A_313 = arith.constant 544 : i32
      %get3A_314 = arith.index_cast %get3A_313 : i32 to index
      %get3A_315 = memref.load %arg18[%get3A_314] : memref<576xf32, #tpu.memory_space<smem>>
      %mul3A_316 = vector.broadcast %get3A_315 : f32 to vector<16xf32>
      %mul3A_317 = arith.mulf %max3A_312, %mul3A_316 : vector<16xf32>
      %add3A_318 = arith.addf %add3A_298, %mul3A_317 : vector<16xf32>
      %max3A_319 = arith.constant 0.000000e+00 : f32
      %max3A_320 = vector.broadcast %max3A_319 : f32 to vector<16xf32>
      %max3A_321 = arith.maximumf %scan3A_309#1, %max3A_320 : vector<16xf32>
      %get3A_322 = arith.constant 545 : i32
      %get3A_323 = arith.index_cast %get3A_322 : i32 to index
      %get3A_324 = memref.load %arg18[%get3A_323] : memref<576xf32, #tpu.memory_space<smem>>
      %mul3A_325 = vector.broadcast %get3A_324 : f32 to vector<16xf32>
      %mul3A_326 = arith.mulf %max3A_321, %mul3A_325 : vector<16xf32>
      %add3A_327 = arith.addf %add3A_318, %mul3A_326 : vector<16xf32>
      %max3A_328 = arith.constant 0.000000e+00 : f32
      %max3A_329 = vector.broadcast %max3A_328 : f32 to vector<16xf32>
      %max3A_330 = arith.maximumf %scan3A_309#2, %max3A_329 : vector<16xf32>
      %get3A_331 = arith.constant 546 : i32
      %get3A_332 = arith.index_cast %get3A_331 : i32 to index
      %get3A_333 = memref.load %arg18[%get3A_332] : memref<576xf32, #tpu.memory_space<smem>>
      %mul3A_334 = vector.broadcast %get3A_333 : f32 to vector<16xf32>
      %mul3A_335 = arith.mulf %max3A_330, %mul3A_334 : vector<16xf32>
      %add3A_336 = arith.addf %add3A_327, %mul3A_335 : vector<16xf32>
      %max3A_337 = arith.constant 0.000000e+00 : f32
      %max3A_338 = vector.broadcast %max3A_337 : f32 to vector<16xf32>
      %max3A_339 = arith.maximumf %scan3A_309#3, %max3A_338 : vector<16xf32>
      %get3A_340 = arith.constant 547 : i32
      %get3A_341 = arith.index_cast %get3A_340 : i32 to index
      %get3A_342 = memref.load %arg18[%get3A_341] : memref<576xf32, #tpu.memory_space<smem>>
      %mul3A_343 = vector.broadcast %get3A_342 : f32 to vector<16xf32>
      %mul3A_344 = arith.mulf %max3A_339, %mul3A_343 : vector<16xf32>
      %add3A_345 = arith.addf %add3A_336, %mul3A_344 : vector<16xf32>
      %max3A_346 = arith.constant 0.000000e+00 : f32
      %max3A_347 = vector.broadcast %max3A_346 : f32 to vector<16xf32>
      %max3A_348 = arith.maximumf %scan3A_309#4, %max3A_347 : vector<16xf32>
      %get3A_349 = arith.constant 548 : i32
      %get3A_350 = arith.index_cast %get3A_349 : i32 to index
      %get3A_351 = memref.load %arg18[%get3A_350] : memref<576xf32, #tpu.memory_space<smem>>
      %mul3A_352 = vector.broadcast %get3A_351 : f32 to vector<16xf32>
      %mul3A_353 = arith.mulf %max3A_348, %mul3A_352 : vector<16xf32>
      %add3A_354 = arith.addf %add3A_345, %mul3A_353 : vector<16xf32>
      %max3A_355 = arith.constant 0.000000e+00 : f32
      %max3A_356 = vector.broadcast %max3A_355 : f32 to vector<16xf32>
      %max3A_357 = arith.maximumf %scan3A_309#5, %max3A_356 : vector<16xf32>
      %get3A_358 = arith.constant 549 : i32
      %get3A_359 = arith.index_cast %get3A_358 : i32 to index
      %get3A_360 = memref.load %arg18[%get3A_359] : memref<576xf32, #tpu.memory_space<smem>>
      %mul3A_361 = vector.broadcast %get3A_360 : f32 to vector<16xf32>
      %mul3A_362 = arith.mulf %max3A_357, %mul3A_361 : vector<16xf32>
      %add3A_363 = arith.addf %add3A_354, %mul3A_362 : vector<16xf32>
      %max3A_364 = arith.constant 0.000000e+00 : f32
      %max3A_365 = vector.broadcast %max3A_364 : f32 to vector<16xf32>
      %max3A_366 = arith.maximumf %scan3A_309#6, %max3A_365 : vector<16xf32>
      %get3A_367 = arith.constant 550 : i32
      %get3A_368 = arith.index_cast %get3A_367 : i32 to index
      %get3A_369 = memref.load %arg18[%get3A_368] : memref<576xf32, #tpu.memory_space<smem>>
      %mul3A_370 = vector.broadcast %get3A_369 : f32 to vector<16xf32>
      %mul3A_371 = arith.mulf %max3A_366, %mul3A_370 : vector<16xf32>
      %add3A_372 = arith.addf %add3A_363, %mul3A_371 : vector<16xf32>
      %max3A_373 = arith.constant 0.000000e+00 : f32
      %max3A_374 = vector.broadcast %max3A_373 : f32 to vector<16xf32>
      %max3A_375 = arith.maximumf %scan3A_309#7, %max3A_374 : vector<16xf32>
      %get3A_376 = arith.constant 551 : i32
      %get3A_377 = arith.index_cast %get3A_376 : i32 to index
      %get3A_378 = memref.load %arg18[%get3A_377] : memref<576xf32, #tpu.memory_space<smem>>
      %mul3A_379 = vector.broadcast %get3A_378 : f32 to vector<16xf32>
      %mul3A_380 = arith.mulf %max3A_375, %mul3A_379 : vector<16xf32>
      %add3A_381 = arith.addf %add3A_372, %mul3A_380 : vector<16xf32>
      %max3A_382 = arith.constant 0.000000e+00 : f32
      %max3A_383 = vector.broadcast %max3A_382 : f32 to vector<16xf32>
      %max3A_384 = arith.maximumf %scan3A_309#8, %max3A_383 : vector<16xf32>
      %get3A_385 = arith.constant 552 : i32
      %get3A_386 = arith.index_cast %get3A_385 : i32 to index
      %get3A_387 = memref.load %arg18[%get3A_386] : memref<576xf32, #tpu.memory_space<smem>>
      %mul3A_388 = vector.broadcast %get3A_387 : f32 to vector<16xf32>
      %mul3A_389 = arith.mulf %max3A_384, %mul3A_388 : vector<16xf32>
      %add3A_390 = arith.addf %add3A_381, %mul3A_389 : vector<16xf32>
      %max3A_391 = arith.constant 0.000000e+00 : f32
      %max3A_392 = vector.broadcast %max3A_391 : f32 to vector<16xf32>
      %max3A_393 = arith.maximumf %scan3A_309#9, %max3A_392 : vector<16xf32>
      %get3A_394 = arith.constant 553 : i32
      %get3A_395 = arith.index_cast %get3A_394 : i32 to index
      %get3A_396 = memref.load %arg18[%get3A_395] : memref<576xf32, #tpu.memory_space<smem>>
      %mul3A_397 = vector.broadcast %get3A_396 : f32 to vector<16xf32>
      %mul3A_398 = arith.mulf %max3A_393, %mul3A_397 : vector<16xf32>
      %add3A_399 = arith.addf %add3A_390, %mul3A_398 : vector<16xf32>
      %max3A_400 = arith.constant 0.000000e+00 : f32
      %max3A_401 = vector.broadcast %max3A_400 : f32 to vector<16xf32>
      %max3A_402 = arith.maximumf %scan3A_309#10, %max3A_401 : vector<16xf32>
      %get3A_403 = arith.constant 554 : i32
      %get3A_404 = arith.index_cast %get3A_403 : i32 to index
      %get3A_405 = memref.load %arg18[%get3A_404] : memref<576xf32, #tpu.memory_space<smem>>
      %mul3A_406 = vector.broadcast %get3A_405 : f32 to vector<16xf32>
      %mul3A_407 = arith.mulf %max3A_402, %mul3A_406 : vector<16xf32>
      %add3A_408 = arith.addf %add3A_399, %mul3A_407 : vector<16xf32>
      %max3A_409 = arith.constant 0.000000e+00 : f32
      %max3A_410 = vector.broadcast %max3A_409 : f32 to vector<16xf32>
      %max3A_411 = arith.maximumf %scan3A_309#11, %max3A_410 : vector<16xf32>
      %get3A_412 = arith.constant 555 : i32
      %get3A_413 = arith.index_cast %get3A_412 : i32 to index
      %get3A_414 = memref.load %arg18[%get3A_413] : memref<576xf32, #tpu.memory_space<smem>>
      %mul3A_415 = vector.broadcast %get3A_414 : f32 to vector<16xf32>
      %mul3A_416 = arith.mulf %max3A_411, %mul3A_415 : vector<16xf32>
      %add3A_417 = arith.addf %add3A_408, %mul3A_416 : vector<16xf32>
      %max3A_418 = arith.constant 0.000000e+00 : f32
      %max3A_419 = vector.broadcast %max3A_418 : f32 to vector<16xf32>
      %max3A_420 = arith.maximumf %scan3A_309#12, %max3A_419 : vector<16xf32>
      %get3A_421 = arith.constant 556 : i32
      %get3A_422 = arith.index_cast %get3A_421 : i32 to index
      %get3A_423 = memref.load %arg18[%get3A_422] : memref<576xf32, #tpu.memory_space<smem>>
      %mul3A_424 = vector.broadcast %get3A_423 : f32 to vector<16xf32>
      %mul3A_425 = arith.mulf %max3A_420, %mul3A_424 : vector<16xf32>
      %add3A_426 = arith.addf %add3A_417, %mul3A_425 : vector<16xf32>
      %max3A_427 = arith.constant 0.000000e+00 : f32
      %max3A_428 = vector.broadcast %max3A_427 : f32 to vector<16xf32>
      %max3A_429 = arith.maximumf %scan3A_309#13, %max3A_428 : vector<16xf32>
      %get3A_430 = arith.constant 557 : i32
      %get3A_431 = arith.index_cast %get3A_430 : i32 to index
      %get3A_432 = memref.load %arg18[%get3A_431] : memref<576xf32, #tpu.memory_space<smem>>
      %mul3A_433 = vector.broadcast %get3A_432 : f32 to vector<16xf32>
      %mul3A_434 = arith.mulf %max3A_429, %mul3A_433 : vector<16xf32>
      %add3A_435 = arith.addf %add3A_426, %mul3A_434 : vector<16xf32>
      %max3A_436 = arith.constant 0.000000e+00 : f32
      %max3A_437 = vector.broadcast %max3A_436 : f32 to vector<16xf32>
      %max3A_438 = arith.maximumf %scan3A_309#14, %max3A_437 : vector<16xf32>
      %get3A_439 = arith.constant 558 : i32
      %get3A_440 = arith.index_cast %get3A_439 : i32 to index
      %get3A_441 = memref.load %arg18[%get3A_440] : memref<576xf32, #tpu.memory_space<smem>>
      %mul3A_442 = vector.broadcast %get3A_441 : f32 to vector<16xf32>
      %mul3A_443 = arith.mulf %max3A_438, %mul3A_442 : vector<16xf32>
      %add3A_444 = arith.addf %add3A_435, %mul3A_443 : vector<16xf32>
      %max3A_445 = arith.constant 0.000000e+00 : f32
      %max3A_446 = vector.broadcast %max3A_445 : f32 to vector<16xf32>
      %max3A_447 = arith.maximumf %scan3A_309#15, %max3A_446 : vector<16xf32>
      %get3A_448 = arith.constant 559 : i32
      %get3A_449 = arith.index_cast %get3A_448 : i32 to index
      %get3A_450 = memref.load %arg18[%get3A_449] : memref<576xf32, #tpu.memory_space<smem>>
      %mul3A_451 = vector.broadcast %get3A_450 : f32 to vector<16xf32>
      %mul3A_452 = arith.mulf %max3A_447, %mul3A_451 : vector<16xf32>
      %add3A_453 = arith.addf %add3A_444, %mul3A_452 : vector<16xf32>
      %mul3A_454 = arith.constant 16 : i32
      %mul3A_455 = arith.muli %scan3A_83, %mul3A_454 : i32
      %swap3A = arith.index_cast %mul3A_455 : i32 to index
      %swap3A_456 = tpu.vector_load %arg23[%swap3A] {strides = array<i32>} : memref<512xf32, #tpu.memory_space<vmem>>, vector<16xf32>,
      tpu.vector_store %arg23[%swap3A], %add3A_453 {strides = array<i32>} : memref<512xf32, #tpu.memory_space<vmem>>, vector<16xf32>,
      %scan3A_457 = arith.constant 0 : i32
      scf.yield %scan3A_457 : i32
    }
    %scan3A_82 = arith.constant 32 : i32
    "tpu.region"() ({
      %run_scoped3A = tpu.sem_alloc : memref<!tpu.dma_semaphore, #tpu.memory_space<semaphore_mem>>
      %dma_start3A = tpu.memref_slice %arg9[%mul3A_2] : memref<16384xf32, #tpu.memory_space<hbm>> -> memref<512xf32, #tpu.memory_space<hbm>>
      %dma_start3A_83 = tpu.memref_slice %arg9[%mul3A_2] : memref<16384xf32, #tpu.memory_space<hbm>> -> memref<512xf32, #tpu.memory_space<hbm>>
      tpu.enqueue_dma source(%arg23 : memref<512xf32, #tpu.memory_space<vmem>>) target(%dma_start3A_83 : memref<512xf32, #tpu.memory_space<hbm>>) target_semaphore(%run_scoped3A : memref<!tpu.dma_semaphore, #tpu.memory_space<semaphore_mem>>)
      %dma_wait3A = tpu.memref_slice %arg9[%mul3A_2] : memref<16384xf32, #tpu.memory_space<hbm>> -> memref<512xf32, #tpu.memory_space<hbm>>
      %dma_wait3A_84 = tpu.memref_slice %arg9[%mul3A_2] : memref<16384xf32, #tpu.memory_space<hbm>> -> memref<512xf32, #tpu.memory_space<hbm>>
      tpu.wait_dma2 semaphore(%run_scoped3A : memref<!tpu.dma_semaphore, #tpu.memory_space<semaphore_mem>>) src(%arg23 : memref<512xf32, #tpu.memory_space<vmem>>) dst(%dma_wait3A_84 : memref<512xf32, #tpu.memory_space<hbm>>)
      tpu.yield
    }) : () -> ()
    return
  }
}

</mosaic_0001>

<sc_bundles>
// kernel: kernel.3.cloned.1.call-start
scs
__scs_entry_jumppad:
0x0: {  	(pc) =	sbr.rel $0x88, $3  }
0x1: {  	(tag) =	ssettag $0x0;
	lr =	simm.s32 $0x1  }
0x2: {  	[smem:$0x3F97] =	sst lr;
	_ =	strace $0xD0000000  }
0x3: {  	_ = 	snop  }
0x4: {  	_ = 	snop  }
0x5: {  	_ = 	snop  }
0x6: {  	_ = 	snop  }
0x7: {  	_ = 	snop  }
__scs_overlays_trampoline_lowered:
0x8: {  	[smem:$0x3FA6] =	sst s0  }
0x9: {  	[smem:$0x3FA7] =	sst s1  }
0xa: {  	[smem:$0x3FA8] =	sst s2  }
0xb: {  	[smem:$0x3FA9] =	sst s3  }
0xc: {  	[smem:$0x3FAA] =	sst s4  }
0xd: {  	[smem:$0x3FAB] =	sst s5  }
0xe: {  	[smem:$0x3FAC] =	sst s6  }
0xf: {  	[smem:$0x3FAD] =	sst s7  }
0x10: {  	[smem:$0x3FAE] =	sst s8  }
0x11: {  	[smem:$0x3FAF] =	sst s9;
	s0 =	simm.s32 @!p0 $0x0  }
0x12: {  	s1 =	sld [smem:$0x3F95];
	s0 =	simm.s32 @p0 $0x1  }
0x13: {  	[smem:$0x3FB0] =	sst s0;
	s0 =	simm.s32 @!p1 $0x0  }
0x14: {  	s2 =	sld [smem:$0x3F94];
	s0 =	simm.s32 @p1 $0x1  }
0x15: {  	[smem:$0x3FB1] =	sst s0;
	s0 =	simm.s32 @!p2 $0x0  }
0x16: {  	s3 =	sld [smem:$0x3FDB];
	s0 =	simm.s32 @p2 $0x1  }
0x17: {  	s4 =	simm.s32 $0x1BF5;
	[smem:$0x3FB3] =	sst s0  }
0x18: {  	s0 =	sld [smem:$0x3F96];
	_ =	swait.ge [sflag:s4], $0x0  }
0x19: {  	s7 =	sld [smem:$0x3F97]  }
0x1a: {  	s8 =	sadd.s32 $0xFFFFE003, lr  }
0x1b: {  	s9 =	sadd.s32 $0xFFFFFEF7, lr;
	s5 =	simm.s32 $0xFFFFFFFF;
	p2 =	slt.u32 s8, $0xFFFFF086  }
0x1c: {  	p1 =	slt.u32 s9, $0xF7A;
	s5 =	simm.s32 @!p2 $0x0  }
0x1d: {  	s5 =	simm.s32 @p1 $0x1;
	p0 =	seq.s32 s7, s2  }
0x1e: {  	s7 =	smul.u32 @!p0 $0xF7A, s2;
	p2 =	seq.s32 @!p0 s5, $0x0  }
0x1f: {  	s9 =	smul.u32 $0xF7A, s1;
	s8 =	simm.s32 @!p0 $0x1BF5;
	p2 =	por !p2, p0  }
0x20: {  	[sflag:s8] =	ssyncset.s32 @!p0 $0xFFFFF086;
	s6 =	sadd.s32 @!p0 s3, s7;
	s7 =	simm.s32 @!p0 $0x108  }
0x21: {  	s3 =	sadd.s32 s3, s9;
	s6 =	sadd.s32 @!p0 $0x88, s6;
	s7 =	simm.s32 @p2 $0x1082  }
0x22: {  	[simem:s7], [sflag:s8] =	dma.local @!p0 [hbm:s6], $0xF7A  }
0x23: {  	s9 =	sor.u32 $0xD0000000, s2;
	s6 =	simm.s32 $0x108;
	_ =	swait.ge @!p0 [sflag:s8], $0x0  }
0x24: {  	s3 =	sadd.s32 $0x88, s3;
	s6 =	simm.s32 @!p1 $0x1082;
	[sflag:s4] =	ssyncset.s32 $0xFFFFF086  }
0x25: {  	[simem:s6], [sflag:s4] =	dma.local [hbm:s3], $0xF7A  }
0x26: {  	[smem:$0x3F97] =	sst s1;
	(tag) =	ssettag s2;
	_ =	strace s9  }
0x27: {  	s1 =	sld [smem:$0x3FA7]  }
0x28: {  	s2 =	sld [smem:$0x3FA8]  }
0x29: {  	s4 =	sld [smem:$0x3FAA]  }
0x2a: {  	p0 =	seq.s32 s5, $0x0;
	s5 =	sld [smem:$0x3FAB]  }
0x2b: {  	s6 =	sld [smem:$0x3FAC]  }
0x2c: {  	s7 =	sld [smem:$0x3FAD]  }
0x2d: {  	s3 =	simm.s32 $0x108;
	s8 =	sld [smem:$0x3FAE]  }
0x2e: {  	s3 =	simm.s32 @!p0 $0x1082;
	s9 =	sld [smem:$0x3FAF]  }
0x2f: {  	lr =	sadd.s32 s0, s3;
	s0 =	sld [smem:$0x3FA6]  }
0x30: {  	s3 =	sld [smem:$0x3FA9]  }
0x31: {  	[smem:$0x3FB2] =	sst s10  }
0x32: {  	s10 =	sld [smem:$0x3FB0];
	_ =	sdelay $0x3  }
0x33: {  	p0 =	seq.s32 s10, $0x1;
	s10 =	sld [smem:$0x3FB2];
	_ =	sdelay $0x3  }
0x34: {  	[smem:$0x3FB2] =	sst s10  }
0x35: {  	s10 =	sld [smem:$0x3FB1];
	_ =	sdelay $0x3  }
0x36: {  	p1 =	seq.s32 s10, $0x1;
	s10 =	sld [smem:$0x3FB2];
	_ =	sdelay $0x3  }
0x37: {  	[smem:$0x3FB2] =	sst s10  }
0x38: {  	s10 =	sld [smem:$0x3FB3]  }
0x39: {  	_ = 	snop;
	(pc) =	sbr.ind lr, $3  }
0x3a: {  	_ = 	snop  }
0x3b: {  	_ = 	snop  }
0x3c: {  	p2 =	seq.s32 s10, $0x1;
	s10 =	sld [smem:$0x3FB2]  }
0x3d: {  	_ =	shalt  }
0x3e: {  	_ =	shalt  }
0x3f: {  	_ =	shalt  }
0x40: {  	_ =	shalt  }
0x41: {  	_ =	shalt  }
0x42: {  	_ =	shalt  }
0x43: {  	_ =	shalt  }
0x44: {  	_ =	shalt  }
0x45: {  	_ =	shalt  }
0x46: {  	_ =	shalt  }
0x47: {  	_ =	shalt  }
0x48: {  	_ =	shalt  }
0x49: {  	_ =	shalt  }
0x4a: {  	_ =	shalt  }
0x4b: {  	_ =	shalt  }
0x4c: {  	_ =	shalt  }
0x4d: {  	_ =	shalt  }
0x4e: {  	_ =	shalt  }
0x4f: {  	_ =	shalt  }
0x50: {  	_ =	shalt  }
0x51: {  	_ =	shalt  }
0x52: {  	_ =	shalt  }
0x53: {  	_ =	shalt  }
0x54: {  	_ =	shalt  }
0x55: {  	_ =	shalt  }
0x56: {  	_ =	shalt  }
0x57: {  	_ =	shalt  }
0x58: {  	_ =	shalt  }
0x59: {  	_ =	shalt  }
0x5a: {  	_ =	shalt  }
0x5b: {  	_ =	shalt  }
0x5c: {  	_ =	shalt  }
0x5d: {  	_ =	shalt  }
0x5e: {  	_ =	shalt  }
0x5f: {  	_ =	shalt  }
0x60: {  	_ =	shalt  }
0x61: {  	_ =	shalt  }
0x62: {  	_ =	shalt  }
0x63: {  	_ =	shalt  }
0x64: {  	_ =	shalt  }
0x65: {  	_ =	shalt  }
0x66: {  	_ =	shalt  }
0x67: {  	_ =	shalt  }
0x68: {  	_ =	shalt  }
0x69: {  	_ =	shalt  }
0x6a: {  	_ =	shalt  }
0x6b: {  	_ =	shalt  }
0x6c: {  	_ =	shalt  }
0x6d: {  	_ =	shalt  }
0x6e: {  	_ =	shalt  }
0x6f: {  	_ =	shalt  }
0x70: {  	_ =	shalt  }
0x71: {  	_ =	shalt  }
0x72: {  	_ =	shalt  }
0x73: {  	_ =	shalt  }
0x74: {  	_ =	shalt  }
0x75: {  	_ =	shalt  }
0x76: {  	_ =	shalt  }
0x77: {  	_ =	shalt  }
0x78: {  	_ =	shalt  }
0x79: {  	_ =	shalt  }
0x7a: {  	_ =	shalt  }
0x7b: {  	_ =	shalt  }
0x7c: {  	_ =	shalt  }
0x7d: {  	_ =	shalt  }
0x7e: {  	_ =	shalt  }
0x7f: {  	_ =	shalt  }
0x80: {  	_ =	shalt  }
0x81: {  	_ =	shalt  }
0x82: {  	_ =	shalt  }
0x83: {  	_ =	shalt  }
0x84: {  	_ =	shalt  }
0x85: {  	_ =	shalt  }
0x86: {  	_ =	shalt  }
0x87: {  	_ =	shalt  }
.Lfunc_end0:
.L_simem_size_0:
called_computation_lowered:
.L_overlay_start_0:
0x88: {  	s2 =	sld [smem:$0x3FD9]  }
0x89: {  	s3 =	sld [smem:$0x3FFE];
	_ =	sdelay $0x1  }
0x8a: {  	s1 =	srdreg.scid  }
0x8b: {  	s0 =	sand.u32 $0x1, s1  }
0x8c: {  	s17 =	sshll.u32 s0, $0xA;
	s2 =	sadd.s32 s3, s2  }
0x8d: {  	s2 =	sadd.s32 s2, s17  }
0x8e: {  	[smem:$0x3FBE] =	sst s2  }
0x8f: {  	_ = 	snop  }
0x90: {  	s2 =	sld [smem:$0x3FC9]  }
0x91: {  	s18 =	sld [smem:$0x3FC8]  }
0x92: {  	s4 =	sld [smem:$0x3FC7]  }
0x93: {  	s5 =	sld [smem:$0x3FC6]  }
0x94: {  	s6 =	sld [smem:$0x3FC5]  }
0x95: {  	s7 =	sld [smem:$0x3FC4]  }
0x96: {  	s8 =	sld [smem:$0x3FD0];
	(tm) =	ssettm $0x1  }
0x97: {  	s9 =	sld [smem:$0x3FFB];
	_ =	sdelay $0x3  }
0x98: {  	_ =	strace s9  }
0x99: {  	s9 =	sld [smem:$0x3FFC];
	_ =	sdelay $0x3  }
0x9a: {  	_ =	strace s9  }
0x9b: {  	s9 =	sld [smem:$0x3FFD];
	_ =	sdelay $0x3  }
0x9c: {  	_ =	strace s9  }
0x9d: {  	_ =	strace $0x8FFFFFFF  }
0x9e: {  	s19 =	sld [smem:$0x3FDB];
	_ =	sdelay $0x1  }
0x9f: {  	s10 =	simm.s32 $_scs_section_size  }
0xa0: {  	s11 =	simm.s32 $_size__tile_overlayer_lowered;
	s12 =	simm.s32 $_tile_overlayer_lowered  }
0xa1: {  	s22 =	simm.s32 $0x1BFF;
	s21 =	sshll.u32 s12, $0x1;
	s9 =	sadd.s32 s10, s19  }
0xa2: {  	s13 =	simm.s32 $0x0;
	s20 =	sshll.u32 s11, $0x1;
	s11 =	sadd.s32 s21, s9  }
0xa3: {  	[timem:s13], [sflag:s22] =	dma.local [hbm:s11], s20  }
0xa4: {  	_ =	swait.ge [sflag:s22], s20  }
0xa5: {  	s10 =	ssub.s32 $0x0, s20;
	[sflag:s22] =	ssyncset.done $0x0  }
0xa6: {  	[sflag:s22] =	ssyncadd.s32 s10;
	_ =	sdelay $0x1  }
0xa7: {  	s23 =	simm.s32 $0x1B8B  }
0xa8: {  	_ =	swait.ge [sflag:s23], $0x1  }
0xa9: {  	[sflag:s23] =	ssyncset.done $0x0  }
0xaa: {  	s25 =	simm.s32 $0x1B8E;
	s24 =	sld [smem:$0x3FFE];
	[sflag:s23] =	ssyncadd.s32 $0xFFFFFFFF  }
0xab: {  	s26 =	simm.s32 $execute0_lowered;
	[smem:$0x3FD2] =	sst s25  }
0xac: {  	s11 =	sshll.u32 s26, $0x1;
	_ =	strace $0x80000046;
	[dreg:$0x1] =	wrdreg $0xFFFFFFFF  }
0xad: {  	s28 =	simm.s32 $_size_execute0_lowered;
	s9 =	sadd.s32 s9, s11;
	[dreg:$0x0] =	wrdreg $0x0  }
0xae: {  	s11 =	sshll.u32 s28, $0x1;
	[dreg:$0x2] =	wrdreg s9  }
0xaf: {  	[dreg:$0x3] =	wrdreg s11  }
0xb0: {  	[dreg:$0x4] =	wrdreg $0xC0  }
0xb1: {  	_ =	task [dreg:s13], $0x5FFFF  }
0xb2: {  	[dreg:$0x1] =	wrdreg $0xFFFFFFFF  }
0xb3: {  	[dreg:$0x0] =	wrdreg $0x60  }
0xb4: {  	[dreg:$0x2] =	wrdreg s2  }
0xb5: {  	[dreg:$0x3] =	wrdreg s18  }
0xb6: {  	[dreg:$0x4] =	wrdreg s4  }
0xb7: {  	[dreg:$0x5] =	wrdreg s5  }
0xb8: {  	[dreg:$0x6] =	wrdreg s6  }
0xb9: {  	[dreg:$0x7] =	wrdreg s7  }
0xba: {  	[dreg:$0x8] =	wrdreg s24  }
0xbb: {  	[dreg:$0x9] =	wrdreg s8  }
0xbc: {  	[dreg:$0xa] =	wrdreg $0x4000  }
0xbd: {  	[dreg:$0xb] =	wrdreg $0x6000  }
0xbe: {  	[dreg:$0xc] =	wrdreg $0xA800  }
0xbf: {  	[dreg:$0xd] =	wrdreg $0x9  }
0xc0: {  	_ =	task.clear_ibuf [dreg:s13], $0xEFFFF;
	_ =	strace $0x90000046  }
0xc1: {  	s29 =	simm.s32 $0x9;
	_ =	strace $0x80000048  }
0xc2: {  	_ =	swait.ge [sflag:s29], $0x1  }
0xc3: {  	[sflag:s29] =	ssyncadd.s32 $0xFFFFFFFF  }
0xc4: {  	_ =	strace $0x90000048  }
0xc5: {  	_ =	sfence  }
0xc6: {  	s30 =	sld [smem:$0x0];
	_ =	sdelay $0x2  }
0xc7: {  	s31 =	sshll.u32 s1, $0xD;
	s1 =	sshrl.u32 s1, $0x2  }
0xc8: {  	s3 =	sand.u32 $0x4000, s31;
	s1 =	sadd.s32 s1, s30  }
0xc9: {  	s0 =	sor.u32 s3, s0;
	s1 =	sshll.u32 s1, $0x11  }
0xca: {  	s0 =	sor.u32 s1, s0  }
0xcb: {  	s0 =	sadd.s32 $0x8F2B, s0  }
0xcc: {  	[sflag:s0] =	ssyncadd.remote.s32 $0x1  }
0xcd: {  	_ =	sfence.sel $0xFFFF  }
0xce: {  	[dreg:$0x0] =	wrdreg $0xFFFFFFFF;
	(pc) =	sbr.abs _section_cstart, $3  }
0xcf: {  	[dreg:$0x1] =	wrdreg $0xFFFFFFFF  }
0xd0: {  	_ =	task.clear_ibuf [dreg:s13], $0x2FFFF;
	_ =	strace $0x9FFFFFFF  }
0xd1: {  	(tm) =	ssettm $0x7FFFFFFF  }
tec
execute0_lowered:
.L_overlay_start_1:
0x0: {  	(tag) =	ssettag $0x1  }
0x1: {  	s4 =	rddreg [dreg:$0x0]  }
0x2: {  	s6 =	rddreg [dreg:$0x1]  }
0x3: {  	s0 =	rddreg [dreg:$0x2]  }
0x4: {  	s1 =	rddreg [dreg:$0x3]  }
0x5: {  	s2 =	rddreg [dreg:$0x4]  }
0x6: {  	s3 =	rddreg [dreg:$0x5]  }
0x7: {  	s7 =	rddreg [dreg:$0x6]  }
0x8: {  	s8 =	rddreg [dreg:$0x7]  }
0x9: {  	s9 =	rddreg [dreg:$0x8]  }
0xa: {  	s10 =	rddreg [dreg:$0x9]  }
0xb: {  	s11 =	rddreg [dreg:$0xa];
	s12 =	srdreg.scid;
	s5 =	simm.s32 $0x0  }
0xc: {  	s15 =	stileid.u32;
	s12 =	sand.u32 $0x1, s12;
	[smem:$0x7FF] =	sst s5  }
0xd: {  	s7 =	sadd.s32 $0x400, s7;
	s16 =	sshll.u32 s15, $0x7;
	s13 =	ssub.s32 $0x2, s12  }
0xe: {  	_ =	strace $0x80000047;
	s12 =	sshll.u32 s12, $0x6;
	s14 =	sshrl.u32 s13, $0x1  }
0xf: {  	[dreg:$0xd] =	wrdreg s7;
	s12 =	sor.u32 s12, s16;
	s31 =	ssub.s32 s13, s14  }
0x10: {  	s14 =	sshrl.u32 s15, $0x3;
	s4 =	sadd.s32 s4, s12;
	s6 =	sadd.s32 s6, s12  }
0x11: {  	s8 =	sadd.s32 s8, s12;
	s17 =	smul.u32 $0x5000, s14;
	[dreg:$0xe] =	wrdreg s4  }
0x12: {  	s13 =	sshll.u32 s14, $0xC;
	s14 =	sand.u32 $0x380, s16;
	[dreg:$0xf] =	wrdreg s6  }
0x13: {  	[dreg:$0x13] =	wrdreg s8;
	s7 =	smax.u32 s31, $0x1;
	s18 =	sor.u32 s14, s13  }
0x14: {  	[dreg:$0x14] =	wrdreg s7;
	s9 =	sadd.s32 s18, s9  }
0x15: {  	s4 =	sadd.s32 s18, s10;
	[dreg:$0x10] =	wrdreg s9  }
0x16: {  	s21 =	sadd.s32 $0x400, s9;
	[dreg:$0x11] =	wrdreg s4  }
0x17: {  	s22 =	sadd.s32 $0x800, s9;
	[dreg:$0x15] =	wrdreg s21  }
0x18: {  	s23 =	sadd.s32 $0xC00, s9;
	[dreg:$0x16] =	wrdreg s22  }
0x19: {  	s24 =	sadd.s32 $0x400, s4;
	[dreg:$0x17] =	wrdreg s23  }
0x1a: {  	s19 =	sshrl.u32 s17, $0x2;
	s25 =	sadd.s32 $0x800, s4;
	[dreg:$0x18] =	wrdreg s24  }
0x1b: {  	s20 =	sadd.s32 s19, s11;
	s4 =	sadd.s32 $0xC00, s4;
	[dreg:$0x19] =	wrdreg s25  }
0x1c: {  	v0 =	vlaneseq.u32;
	s6 =	sadd.s32 s14, s20;
	[dreg:$0x1a] =	wrdreg s4  }
0x1d: {  	v1 =	vand.u32 $0x7, v0;
	s26 =	sadd.s32 $0x400, s6;
	[dreg:$0x12] =	wrdreg s6  }
0x1e: {  	v0 =	vshrl.u32 v0, $0x3;
	v1 =	vmul.u32 $0x10, v1;
	s28 =	sadd.s32 $0x800, s6;
	[dreg:$0x1b] =	wrdreg s26  }
0x1f: {  	s30 =	simm.s32 $0x6CC0;
	v0 =	vmul.u32 $0x800, v0;
	s29 =	sadd.s32 $0xC00, s6;
	[dreg:$0x1c] =	wrdreg s28  }
0x20: {  	[tilespmem:$0x1FFE0] =	vst v1;
	s7 =	simm.s32 $0x0;
	s31 =	sadd.s32 $0x1000, s6;
	[dreg:$0x1d] =	wrdreg s29  }
0x21: {  	[tilespmem:$0x1FFF0] =	vst v0;
	s10 =	simm.s32 $0x3;
	s6 =	simm.s32 $0x4CC0;
	[dreg:$0x1e] =	wrdreg s31  }
.LBB2_1:
0x22: {  	[dreg:$0x1f] =	wrdreg s7  }
0x23: {  	s4 =	rddreg [dreg:$0xe]  }
0x24: {  	[tilespmem:s5], [sflag:$0x3] =	stream.linear.gather [hbm4b:s4+s5], $0x200, $0x38;
	[tilespmem:$0x8EC0] =	vst v63  }
0x25: {  	_ =	swait.ge [sflag:s10], $0x200  }
0x26: {  	[sflag:s10] =	ssyncset.done $0x0  }
0x27: {  	s29 =	simm.s32 $0x200;
	s14 =	rddreg [dreg:$0xf];
	[sflag:s10] =	ssyncadd.s32 $0xFFFFFE00  }
0x28: {  	[tilespmem:s29], [sflag:$0x3] =	stream.linear.gather [hbm4b:s14+s5], $0x200, $0x38;
	[tilespmem:$0x8EC0] =	vst v63  }
0x29: {  	_ =	swait.ge [sflag:s10], $0x200  }
0x2a: {  	[sflag:s10] =	ssyncset.done $0x0  }
0x2b: {  	s11 =	simm.s32 $0x800;
	s15 =	rddreg [dreg:$0xd];
	[sflag:s10] =	ssyncadd.s32 $0xFFFFFE00  }
0x2c: {  	[tilespmem:s11], [sflag:$0x3] =	stream.linear.gather [hbm4b:s15+s5], $0x280, $0x38;
	[tilespmem:$0x8EC0] =	vst v63  }
0x2d: {  	_ =	swait.ge [sflag:s10], $0x280  }
0x2e: {  	s12 =	simm.s32 $0x80;
	[sflag:s10] =	ssyncset.done $0x0  }
0x2f: {  	s13 =	simm.s32 $0x400;
	s16 =	rddreg [dreg:$0x10];
	[sflag:s10] =	ssyncadd.s32 $0xFFFFFD80  }
0x30: {  	[spmem:s16] =	stream.strided.scatter [tilespmem:s5], [sflag:$0x3], $0x200, s13, s12, $0x38;
	[tilespmem:$0x8EC0] =	vst v63  }
0x31: {  	_ =	swait.ge [sflag:s10], $0x200  }
0x32: {  	[sflag:s10] =	ssyncset.done $0x0  }
0x33: {  	s8 =	rddreg [dreg:$0x11];
	[sflag:s10] =	ssyncadd.s32 $0xFFFFFE00  }
0x34: {  	[spmem:s8] =	stream.strided.scatter [tilespmem:s29], [sflag:$0x3], $0x200, s13, s12, $0x38;
	[tilespmem:$0x8EC0] =	vst v63  }
0x35: {  	_ =	swait.ge [sflag:s10], $0x200  }
0x36: {  	[sflag:s10] =	ssyncset.done $0x0  }
0x37: {  	s9 =	rddreg [dreg:$0x12];
	[sflag:s10] =	ssyncadd.s32 $0xFFFFFE00  }
0x38: {  	[spmem:s9] =	stream.strided.scatter [tilespmem:s11], [sflag:$0x3], $0x280, s13, s12, $0x38;
	[tilespmem:$0x8EC0] =	vst v63  }
0x39: {  	_ =	swait.ge [sflag:s10], $0x280  }
0x3a: {  	[sflag:s10] =	ssyncset.done $0x0  }
0x3b: {  	[sflag:s10] =	ssyncadd.s32 $0xFFFFFD80  }
0x3c: {  	[smem:s5], [sflag:$0x3] =	stream.linear.gather [spmem:s16], $0x80, $0x38;
	[tilespmem:$0x8EC0] =	vst v63  }
0x3d: {  	s7 =	rddreg [dreg:$0x15]  }
0x3e: {  	[smem:s12], [sflag:$0x3] =	stream.linear.gather [spmem:s7], $0x80, $0x38;
	[tilespmem:$0x8EC0] =	vst v63  }
0x3f: {  	s17 =	simm.s32 $0x100;
	s7 =	rddreg [dreg:$0x16]  }
0x40: {  	[smem:s17], [sflag:$0x3] =	stream.linear.gather [spmem:s7], $0x80, $0x38;
	[tilespmem:$0x8EC0] =	vst v63  }
0x41: {  	s18 =	simm.s32 $0x180;
	s7 =	rddreg [dreg:$0x17]  }
0x42: {  	[smem:s18], [sflag:$0x3] =	stream.linear.gather [spmem:s7], $0x80, $0x38;
	[tilespmem:$0x8EC0] =	vst v63  }
0x43: {  	_ =	swait.ge [sflag:s10], $0x200  }
0x44: {  	[sflag:s10] =	ssyncset.done $0x0  }
0x45: {  	[sflag:s10] =	ssyncadd.s32 $0xFFFFFE00  }
0x46: {  	[smem:s29], [sflag:$0x3] =	stream.linear.gather [spmem:s8], $0x80, $0x38;
	[tilespmem:$0x8EC0] =	vst v63  }
0x47: {  	s19 =	simm.s32 $0x280;
	s4 =	rddreg [dreg:$0x18]  }
0x48: {  	[smem:s19], [sflag:$0x3] =	stream.linear.gather [spmem:s4], $0x80, $0x38;
	[tilespmem:$0x8EC0] =	vst v63  }
0x49: {  	s20 =	simm.s32 $0x300;
	s4 =	rddreg [dreg:$0x19]  }
0x4a: {  	[smem:s20], [sflag:$0x3] =	stream.linear.gather [spmem:s4], $0x80, $0x38;
	[tilespmem:$0x8EC0] =	vst v63  }
0x4b: {  	s21 =	simm.s32 $0x380;
	s4 =	rddreg [dreg:$0x1a]  }
0x4c: {  	[smem:s21], [sflag:$0x3] =	stream.linear.gather [spmem:s4], $0x80, $0x38;
	[tilespmem:$0x8EC0] =	vst v63  }
0x4d: {  	_ =	swait.ge [sflag:s10], $0x200  }
0x4e: {  	[sflag:s10] =	ssyncset.done $0x0  }
0x4f: {  	[sflag:s10] =	ssyncadd.s32 $0xFFFFFE00  }
0x50: {  	[smem:s13], [sflag:$0x3] =	stream.linear.gather [spmem:s9], $0x80, $0x38;
	[tilespmem:$0x8EC0] =	vst v63  }
0x51: {  	s23 =	simm.s32 $0x480;
	s22 =	rddreg [dreg:$0x1b]  }
0x52: {  	[smem:s23], [sflag:$0x3] =	stream.linear.gather [spmem:s22], $0x80, $0x38;
	[tilespmem:$0x8EC0] =	vst v63  }
0x53: {  	s24 =	simm.s32 $0x500;
	s4 =	rddreg [dreg:$0x1c]  }
0x54: {  	[smem:s24], [sflag:$0x3] =	stream.linear.gather [spmem:s4], $0x80, $0x38;
	[tilespmem:$0x8EC0] =	vst v63  }
0x55: {  	s25 =	simm.s32 $0x580;
	s4 =	rddreg [dreg:$0x1d]  }
0x56: {  	[smem:s25], [sflag:$0x3] =	stream.linear.gather [spmem:s4], $0x80, $0x38;
	[tilespmem:$0x8EC0] =	vst v63  }
0x57: {  	s26 =	simm.s32 $0x600;
	s4 =	rddreg [dreg:$0x1e]  }
0x58: {  	[smem:s26], [sflag:$0x3] =	stream.linear.gather [spmem:s4], $0x80, $0x38;
	[tilespmem:$0x8EC0] =	vst v63  }
0x59: {  	_ =	swait.ge [sflag:s10], $0x280  }
0x5a: {  	[sflag:s10] =	ssyncset.done $0x0  }
0x5b: {  	[sflag:s10] =	ssyncadd.s32 $0xFFFFFD80  }
0x5c: {  	s28 =	sld [smem:$0x600]  }
0x5d: {  	s29 =	sld [smem:$0x601]  }
0x5e: {  	s7 =	sld [smem:$0x602]  }
0x5f: {  	s8 =	sld [smem:$0x603]  }
0x60: {  	s9 =	sld [smem:$0x604]  }
0x61: {  	s10 =	sld [smem:$0x605]  }
0x62: {  	s11 =	sld [smem:$0x606]  }
0x63: {  	s12 =	sld [smem:$0x607]  }
0x64: {  	s13 =	sld [smem:$0x608]  }
0x65: {  	s14 =	sld [smem:$0x609]  }
0x66: {  	s15 =	sld [smem:$0x60A]  }
0x67: {  	s16 =	sld [smem:$0x60B]  }
0x68: {  	s17 =	sld [smem:$0x60C]  }
0x69: {  	s18 =	sld [smem:$0x60D]  }
0x6a: {  	s19 =	sld [smem:$0x60E]  }
0x6b: {  	s20 =	sld [smem:$0x60F]  }
0x6c: {  	s21 =	sld [smem:$0x630]  }
0x6d: {  	[smem:$0x7ED] =	sst s28  }
0x6e: {  	[smem:$0x7EE] =	sst s29  }
0x6f: {  	[smem:$0x7EF] =	sst s7  }
0x70: {  	[smem:$0x7F0] =	sst s8  }
0x71: {  	[smem:$0x7F1] =	sst s9  }
0x72: {  	[smem:$0x7F2] =	sst s10  }
0x73: {  	[smem:$0x7F3] =	sst s11  }
0x74: {  	[smem:$0x7F4] =	sst s12  }
0x75: {  	[smem:$0x7F5] =	sst s13  }
0x76: {  	[smem:$0x7F6] =	sst s14  }
0x77: {  	[smem:$0x7F7] =	sst s15  }
0x78: {  	[smem:$0x7F8] =	sst s16  }
0x79: {  	[smem:$0x7F9] =	sst s17  }
0x7a: {  	[smem:$0x7FA] =	sst s18  }
0x7b: {  	[smem:$0x7FB] =	sst s19  }
0x7c: {  	[smem:$0x7FC] =	sst s20  }
0x7d: {  	[smem:$0x7FD] =	sst s21  }
0x7e: {  	s4 =	sld [smem:$0x200]  }
0x7f: {  	s22 =	sld [smem:$0x0];
	_ =	sdelay $0x2  }
0x80: {  	s23 =	sshll.u32 s22, $0x3  }
0x81: {  	s7 =	sand.u32 $0x70, s22;
	s8 =	sand.u32 $0xFFFFFC00, s23  }
0x82: {  	s24 =	sand.u32 $0x70, s5;
	s25 =	sand.u32 $0x800, s5;
	s8 =	sor.u32 s7, s8  }
0x83: {  	s11 =	sor.u32 s24, s25;
	s7 =	sld [smem:$0x201];
	s9 =	sshrl.u32 s8, $0x3  }
0x84: {  	s26 =	sadd.s32 $0xCC0, s11;
	s10 =	sld [smem:$0x1];
	s28 =	sadd.s32 s0, s9  }
0x85: {  	[tilespmem:s26], [sflag:$0x1] =	stream.linear.gather [hbm4b:s28+s5], $0x10, $0x38;
	[tilespmem:$0x8EC0] =	vst v63  }
0x86: {  	s14 =	sadd.s32 $0xD40, s11;
	s29 =	sadd.s32 $0x10, s28  }
0x87: {  	[tilespmem:s14], [sflag:$0x1] =	stream.linear.gather [hbm4b:s29+s5], $0x10, $0x38;
	[tilespmem:$0x8EC0] =	vst v63  }
0x88: {  	s16 =	sadd.s32 $0xDC0, s11;
	s15 =	sadd.s32 $0x20, s28  }
0x89: {  	[tilespmem:s16], [sflag:$0x1] =	stream.linear.gather [hbm4b:s15+s5], $0x10, $0x38;
	[tilespmem:$0x8EC0] =	vst v63  }
0x8a: {  	s18 =	sadd.s32 $0xE40, s11;
	s20 =	sadd.s32 $0xEC0, s11;
	s17 =	sadd.s32 $0x30, s28  }
0x8b: {  	[tilespmem:s18], [sflag:$0x1] =	stream.linear.gather [hbm4b:s17+s5], $0x10, $0x38;
	[tilespmem:$0x8EC0] =	vst v63  }
0x8c: {  	s22 =	sadd.s32 $0xF40, s11;
	s23 =	sshll.u32 s4, $0x3;
	s19 =	sadd.s32 $0x40, s28  }
0x8d: {  	[tilespmem:s20], [sflag:$0x1] =	stream.linear.gather [hbm4b:s19+s5], $0x10, $0x38;
	[tilespmem:$0x8EC0] =	vst v63  }
0x8e: {  	s4 =	sand.u32 $0x70, s4;
	s12 =	sand.u32 $0xFFFFFC00, s23;
	s21 =	sadd.s32 $0x50, s28  }
0x8f: {  	[tilespmem:s22], [sflag:$0x1] =	stream.linear.gather [hbm4b:s21+s5], $0x10, $0x38;
	[tilespmem:$0x8EC0] =	vst v63  }
0x90: {  	s25 =	sadd.s32 $0xFC0, s11;
	s4 =	sor.u32 s4, s12;
	s24 =	sadd.s32 $0x60, s28  }
0x91: {  	[tilespmem:s25], [sflag:$0x1] =	stream.linear.gather [hbm4b:s24+s5], $0x10, $0x38;
	[tilespmem:$0x8EC0] =	vst v63  }
0x92: {  	s12 =	sshrl.u32 s4, $0x3;
	s13 =	sadd.s32 $0x70, s28;
	s26 =	sadd.s32 $0x1040, s11  }
0x93: {  	[tilespmem:s26], [sflag:$0x1] =	stream.linear.gather [hbm4b:s13+s5], $0x10, $0x38;
	[tilespmem:$0x8EC0] =	vst v63  }
0x94: {  	s28 =	sadd.s32 $0x2CC0, s11;
	s29 =	sadd.s32 s1, s12  }
0x95: {  	[tilespmem:s28], [sflag:$0x1] =	stream.linear.gather [hbm4b:s29+s5], $0x10, $0x38;
	[tilespmem:$0x8EC0] =	vst v63  }
0x96: {  	s16 =	sadd.s32 $0x10, s29;
	s15 =	sadd.s32 $0x2D40, s11  }
0x97: {  	[tilespmem:s15], [sflag:$0x1] =	stream.linear.gather [hbm4b:s16+s5], $0x10, $0x38;
	[tilespmem:$0x8EC0] =	vst v63  }
0x98: {  	s17 =	sadd.s32 $0x20, s29;
	s18 =	sadd.s32 $0x2DC0, s11  }
0x99: {  	[tilespmem:s18], [sflag:$0x1] =	stream.linear.gather [hbm4b:s17+s5], $0x10, $0x38;
	[tilespmem:$0x8EC0] =	vst v63  }
0x9a: {  	s19 =	sadd.s32 $0x30, s29;
	s20 =	sadd.s32 $0x2E40, s11  }
0x9b: {  	[tilespmem:s20], [sflag:$0x1] =	stream.linear.gather [hbm4b:s19+s5], $0x10, $0x38;
	[tilespmem:$0x8EC0] =	vst v63  }
0x9c: {  	s21 =	sadd.s32 $0x40, s29;
	s22 =	sadd.s32 $0x2EC0, s11  }
0x9d: {  	[tilespmem:s22], [sflag:$0x1] =	stream.linear.gather [hbm4b:s21+s5], $0x10, $0x38;
	[tilespmem:$0x8EC0] =	vst v63  }
0x9e: {  	s23 =	sadd.s32 $0x50, s29;
	s24 =	sadd.s32 $0x2F40, s11  }
0x9f: {  	[tilespmem:s24], [sflag:$0x1] =	stream.linear.gather [hbm4b:s23+s5], $0x10, $0x38;
	[tilespmem:$0x8EC0] =	vst v63  }
0xa0: {  	s25 =	sadd.s32 $0x60, s29;
	s26 =	sadd.s32 $0x2FC0, s11  }
0xa1: {  	[tilespmem:s26], [sflag:$0x1] =	stream.linear.gather [hbm4b:s25+s5], $0x10, $0x38;
	[tilespmem:$0x8EC0] =	vst v63  }
0xa2: {  	s28 =	sadd.s32 $0x70, s29;
	s29 =	sadd.s32 $0x3040, s11  }
0xa3: {  	[tilespmem:s29], [sflag:$0x1] =	stream.linear.gather [hbm4b:s28+s5], $0x10, $0x38;
	[tilespmem:$0x8EC0] =	vst v63  }
0xa4: {  	s9 =	sadd.s32 s2, s9;
	s15 =	sadd.s32 $0x4CC0, s11  }
0xa5: {  	[tilespmem:s15], [sflag:$0x1] =	stream.linear.gather [hbm4b:s9+s5], $0x10, $0x38;
	[tilespmem:$0x8EC0] =	vst v63  }
0xa6: {  	s16 =	sadd.s32 $0x10, s9;
	s17 =	sadd.s32 $0x4D40, s11  }
0xa7: {  	[tilespmem:s17], [sflag:$0x1] =	stream.linear.gather [hbm4b:s16+s5], $0x10, $0x38;
	[tilespmem:$0x8EC0] =	vst v63  }
0xa8: {  	s18 =	sadd.s32 $0x20, s9;
	s19 =	sadd.s32 $0x4DC0, s11  }
0xa9: {  	[tilespmem:s19], [sflag:$0x1] =	stream.linear.gather [hbm4b:s18+s5], $0x10, $0x38;
	[tilespmem:$0x8EC0] =	vst v63  }
0xaa: {  	s20 =	sadd.s32 $0x30, s9;
	s21 =	sadd.s32 $0x4E40, s11  }
0xab: {  	[tilespmem:s21], [sflag:$0x1] =	stream.linear.gather [hbm4b:s20+s5], $0x10, $0x38;
	[tilespmem:$0x8EC0] =	vst v63  }
0xac: {  	s22 =	sadd.s32 $0x40, s9;
	s23 =	sadd.s32 $0x4EC0, s11  }
0xad: {  	[tilespmem:s23], [sflag:$0x1] =	stream.linear.gather [hbm4b:s22+s5], $0x10, $0x38;
	[tilespmem:$0x8EC0] =	vst v63  }
0xae: {  	s24 =	sadd.s32 $0x50, s9;
	s25 =	sadd.s32 $0x4F40, s11  }
0xaf: {  	[tilespmem:s25], [sflag:$0x1] =	stream.linear.gather [hbm4b:s24+s5], $0x10, $0x38;
	[tilespmem:$0x8EC0] =	vst v63  }
0xb0: {  	s26 =	sadd.s32 $0x60, s9;
	s28 =	sadd.s32 $0x4FC0, s11  }
0xb1: {  	[tilespmem:s28], [sflag:$0x1] =	stream.linear.gather [hbm4b:s26+s5], $0x10, $0x38;
	[tilespmem:$0x8EC0] =	vst v63  }
0xb2: {  	s29 =	sadd.s32 $0x5040, s11;
	s9 =	sadd.s32 $0x70, s9  }
0xb3: {  	[tilespmem:s29], [sflag:$0x1] =	stream.linear.gather [hbm4b:s9+s5], $0x10, $0x38;
	[tilespmem:$0x8EC0] =	vst v63  }
0xb4: {  	s14 =	sadd.s32 $0x6CC0, s11;
	s12 =	sadd.s32 s3, s12  }
0xb5: {  	[tilespmem:s14], [sflag:$0x1] =	stream.linear.gather [hbm4b:s12+s5], $0x10, $0x38;
	[tilespmem:$0x8EC0] =	vst v63  }
0xb6: {  	s15 =	sadd.s32 $0x10, s12;
	s16 =	sadd.s32 $0x6D40, s11  }
0xb7: {  	[tilespmem:s16], [sflag:$0x1] =	stream.linear.gather [hbm4b:s15+s5], $0x10, $0x38;
	[tilespmem:$0x8EC0] =	vst v63  }
0xb8: {  	s17 =	sadd.s32 $0x20, s12;
	s18 =	sadd.s32 $0x6DC0, s11  }
0xb9: {  	[tilespmem:s18], [sflag:$0x1] =	stream.linear.gather [hbm4b:s17+s5], $0x10, $0x38;
	[tilespmem:$0x8EC0] =	vst v63  }
0xba: {  	s19 =	sadd.s32 $0x30, s12;
	s20 =	sadd.s32 $0x6E40, s11  }
0xbb: {  	[tilespmem:s20], [sflag:$0x1] =	stream.linear.gather [hbm4b:s19+s5], $0x10, $0x38;
	[tilespmem:$0x8EC0] =	vst v63  }
0xbc: {  	s21 =	sadd.s32 $0x40, s12;
	s22 =	sadd.s32 $0x6EC0, s11  }
0xbd: {  	[tilespmem:s22], [sflag:$0x1] =	stream.linear.gather [hbm4b:s21+s5], $0x10, $0x38;
	[tilespmem:$0x8EC0] =	vst v63  }
0xbe: {  	s23 =	sadd.s32 $0x50, s12;
	s24 =	sadd.s32 $0x6F40, s11  }
0xbf: {  	[tilespmem:s24], [sflag:$0x1] =	stream.linear.gather [hbm4b:s23+s5], $0x10, $0x38;
	[tilespmem:$0x8EC0] =	vst v63  }
0xc0: {  	s8 =	sadd.s32 $0x7A1400, s8;
	s25 =	sadd.s32 $0x60, s12;
	s26 =	sadd.s32 $0x6FC0, s11  }
0xc1: {  	[tilespmem:s26], [sflag:$0x1] =	stream.linear.gather [hbm4b:s25+s5], $0x10, $0x38;
	[tilespmem:$0x8EC0] =	vst v63  }
0xc2: {  	s8 =	sshrl.u32 s8, $0x3;
	s28 =	sadd.s32 $0x70, s12;
	s29 =	sadd.s32 $0x7040, s11  }
0xc3: {  	[tilespmem:s29], [sflag:$0x1] =	stream.linear.gather [hbm4b:s28+s5], $0x10, $0x38;
	[tilespmem:$0x8EC0] =	vst v63  }
0xc4: {  	s13 =	sadd.s32 $0x10C0, s11;
	s14 =	sadd.s32 s0, s8  }
0xc5: {  	[tilespmem:s13], [sflag:$0x1] =	stream.linear.gather [hbm4b:s14+s5], $0x10, $0x38;
	[tilespmem:$0x8EC0] =	vst v63  }
0xc6: {  	s15 =	sadd.s32 $0x10, s14;
	s16 =	sadd.s32 $0x1140, s11  }
0xc7: {  	[tilespmem:s16], [sflag:$0x1] =	stream.linear.gather [hbm4b:s15+s5], $0x10, $0x38;
	[tilespmem:$0x8EC0] =	vst v63  }
0xc8: {  	s17 =	sadd.s32 $0x20, s14;
	s18 =	sadd.s32 $0x11C0, s11  }
0xc9: {  	[tilespmem:s18], [sflag:$0x1] =	stream.linear.gather [hbm4b:s17+s5], $0x10, $0x38;
	[tilespmem:$0x8EC0] =	vst v63  }
0xca: {  	s19 =	sadd.s32 $0x30, s14;
	s20 =	sadd.s32 $0x1240, s11  }
0xcb: {  	[tilespmem:s20], [sflag:$0x1] =	stream.linear.gather [hbm4b:s19+s5], $0x10, $0x38;
	[tilespmem:$0x8EC0] =	vst v63  }
0xcc: {  	s21 =	sadd.s32 $0x40, s14;
	s22 =	sadd.s32 $0x12C0, s11  }
0xcd: {  	[tilespmem:s22], [sflag:$0x1] =	stream.linear.gather [hbm4b:s21+s5], $0x10, $0x38;
	[tilespmem:$0x8EC0] =	vst v63  }
0xce: {  	s4 =	sadd.s32 $0x7A1400, s4;
	s23 =	sadd.s32 $0x50, s14;
	s24 =	sadd.s32 $0x1340, s11  }
0xcf: {  	[tilespmem:s24], [sflag:$0x1] =	stream.linear.gather [hbm4b:s23+s5], $0x10, $0x38;
	[tilespmem:$0x8EC0] =	vst v63  }
0xd0: {  	s4 =	sshrl.u32 s4, $0x3;
	s25 =	sadd.s32 $0x60, s14;
	s26 =	sadd.s32 $0x13C0, s11  }
0xd1: {  	[tilespmem:s26], [sflag:$0x1] =	stream.linear.gather [hbm4b:s25+s5], $0x10, $0x38;
	[tilespmem:$0x8EC0] =	vst v63  }
0xd2: {  	s9 =	sadd.s32 $0x7140, s11;
	s28 =	sadd.s32 $0x70, s14;
	s29 =	sadd.s32 $0x1440, s11  }
0xd3: {  	[tilespmem:s29], [sflag:$0x1] =	stream.linear.gather [hbm4b:s28+s5], $0x10, $0x38;
	[tilespmem:$0x8EC0] =	vst v63  }
0xd4: {  	s8 =	sadd.s32 s2, s8;
	s13 =	sadd.s32 $0x30C0, s11;
	s14 =	sadd.s32 s1, s4  }
0xd5: {  	[tilespmem:s13], [sflag:$0x1] =	stream.linear.gather [hbm4b:s14+s5], $0x10, $0x38;
	[tilespmem:$0x8EC0] =	vst v63  }
0xd6: {  	s15 =	sadd.s32 $0x10, s14;
	s16 =	sadd.s32 $0x3140, s11;
	s17 =	sadd.s32 $0x20, s14  }
0xd7: {  	[tilespmem:s16], [sflag:$0x1] =	stream.linear.gather [hbm4b:s15+s5], $0x10, $0x38;
	[tilespmem:$0x8EC0] =	vst v63  }
0xd8: {  	s18 =	sadd.s32 $0x31C0, s11;
	s19 =	sadd.s32 $0x30, s14;
	s20 =	sadd.s32 $0x3240, s11  }
0xd9: {  	[tilespmem:s18], [sflag:$0x1] =	stream.linear.gather [hbm4b:s17+s5], $0x10, $0x38;
	[tilespmem:$0x8EC0] =	vst v63  }
0xda: {  	s21 =	sadd.s32 $0x40, s14;
	s22 =	sadd.s32 $0x32C0, s11;
	s23 =	sadd.s32 $0x50, s14  }
0xdb: {  	[tilespmem:s20], [sflag:$0x1] =	stream.linear.gather [hbm4b:s19+s5], $0x10, $0x38;
	[tilespmem:$0x8EC0] =	vst v63  }
0xdc: {  	s24 =	sadd.s32 $0x3340, s11;
	s25 =	sadd.s32 $0x60, s14;
	s26 =	sadd.s32 $0x33C0, s11  }
0xdd: {  	[tilespmem:s22], [sflag:$0x1] =	stream.linear.gather [hbm4b:s21+s5], $0x10, $0x38;
	[tilespmem:$0x8EC0] =	vst v63  }
0xde: {  	s28 =	sadd.s32 $0x70, s14;
	s29 =	sadd.s32 $0x3440, s11;
	s13 =	sadd.s32 $0x50C0, s11  }
0xdf: {  	[tilespmem:s24], [sflag:$0x1] =	stream.linear.gather [hbm4b:s23+s5], $0x10, $0x38;
	[tilespmem:$0x8EC0] =	vst v63  }
0xe0: {  	s14 =	sadd.s32 $0x10, s8;
	s15 =	sadd.s32 $0x5140, s11;
	s16 =	sadd.s32 $0x20, s8  }
0xe1: {  	[tilespmem:s26], [sflag:$0x1] =	stream.linear.gather [hbm4b:s25+s5], $0x10, $0x38;
	[tilespmem:$0x8EC0] =	vst v63  }
0xe2: {  	s17 =	sadd.s32 $0x51C0, s11;
	s18 =	sadd.s32 $0x30, s8;
	s19 =	sadd.s32 $0x5240, s11  }
0xe3: {  	[tilespmem:s29], [sflag:$0x1] =	stream.linear.gather [hbm4b:s28+s5], $0x10, $0x38;
	[tilespmem:$0x8EC0] =	vst v63  }
0xe4: {  	s20 =	sadd.s32 $0x40, s8;
	s21 =	sadd.s32 $0x52C0, s11;
	s22 =	sadd.s32 $0x50, s8  }
0xe5: {  	[tilespmem:s13], [sflag:$0x1] =	stream.linear.gather [hbm4b:s8+s5], $0x10, $0x38;
	[tilespmem:$0x8EC0] =	vst v63  }
0xe6: {  	s23 =	sadd.s32 $0x5340, s11;
	s24 =	sadd.s32 $0x60, s8;
	s25 =	sadd.s32 $0x53C0, s11  }
0xe7: {  	[tilespmem:s15], [sflag:$0x1] =	stream.linear.gather [hbm4b:s14+s5], $0x10, $0x38;
	[tilespmem:$0x8EC0] =	vst v63  }
0xe8: {  	s26 =	sadd.s32 $0x5440, s11;
	s28 =	sadd.s32 $0x70C0, s11;
	s29 =	sadd.s32 s3, s4  }
0xe9: {  	[tilespmem:s17], [sflag:$0x1] =	stream.linear.gather [hbm4b:s16+s5], $0x10, $0x38;
	[tilespmem:$0x8EC0] =	vst v63  }
0xea: {  	s12 =	sadd.s32 $0x10, s29;
	s31 =	sadd.s32 $0x70, s29;
	s8 =	sadd.s32 $0x70, s8  }
0xeb: {  	[tilespmem:s19], [sflag:$0x1] =	stream.linear.gather [hbm4b:s18+s5], $0x10, $0x38;
	[tilespmem:$0x8EC0] =	vst v63  }
0xec: {  	s13 =	simm.s32 $0x202;
	s14 =	sadd.s32 $0x71C0, s11;
	s15 =	sadd.s32 $0x20, s29  }
0xed: {  	[tilespmem:s21], [sflag:$0x1] =	stream.linear.gather [hbm4b:s20+s5], $0x10, $0x38;
	[tilespmem:$0x8EC0] =	vst v63  }
0xee: {  	s16 =	sadd.s32 $0x7240, s11;
	s17 =	sadd.s32 $0x30, s29;
	s18 =	sadd.s32 $0x72C0, s11  }
0xef: {  	[tilespmem:s23], [sflag:$0x1] =	stream.linear.gather [hbm4b:s22+s5], $0x10, $0x38;
	[tilespmem:$0x8EC0] =	vst v63  }
0xf0: {  	s19 =	sadd.s32 $0x40, s29;
	s20 =	simm.s32 $0x10;
	s21 =	sadd.s32 $0x7340, s11  }
0xf1: {  	[tilespmem:s25], [sflag:$0x1] =	stream.linear.gather [hbm4b:s24+s5], $0x10, $0x38;
	[tilespmem:$0x8EC0] =	vst v63  }
0xf2: {  	s4 =	sand.u32 $0x70, s20;
	s22 =	sadd.s32 $0x50, s29;
	s23 =	sshll.u32 s7, $0x3  }
0xf3: {  	[tilespmem:s26], [sflag:$0x1] =	stream.linear.gather [hbm4b:s8+s5], $0x10, $0x38;
	[tilespmem:$0x8EC0] =	vst v63  }
0xf4: {  	s7 =	sand.u32 $0x70, s7;
	s24 =	simm.s32 $0x100;
	s8 =	sand.u32 $0xFFFFFC00, s23  }
0xf5: {  	[tilespmem:s28], [sflag:$0x1] =	stream.linear.gather [hbm4b:s29+s5], $0x10, $0x38;
	[tilespmem:$0x8EC0] =	vst v63  }
0xf6: {  	s25 =	sshll.u32 s10, $0x3;
	s26 =	sand.u32 $0x800, s24;
	s7 =	sor.u32 s7, s8  }
0xf7: {  	[tilespmem:s9], [sflag:$0x1] =	stream.linear.gather [hbm4b:s12+s5], $0x10, $0x38;
	[tilespmem:$0x8EC0] =	vst v63  }
0xf8: {  	s23 =	sadd.s32 $0x60, s29;
	s28 =	sadd.s32 $0x7A1400, s7;
	s8 =	sshrl.u32 s7, $0x3  }
0xf9: {  	[tilespmem:s14], [sflag:$0x1] =	stream.linear.gather [hbm4b:s15+s5], $0x10, $0x38;
	[tilespmem:$0x8EC0] =	vst v63  }
0xfa: {  	s7 =	sshrl.u32 s28, $0x3;
	s9 =	sand.u32 $0xFFFFFC00, s25;
	s14 =	sld [smem:$0x202]  }
0xfb: {  	[tilespmem:s16], [sflag:$0x1] =	stream.linear.gather [hbm4b:s17+s5], $0x10, $0x38;
	[tilespmem:$0x8EC0] =	vst v63  }
0xfc: {  	s12 =	sor.u32 s4, s26;
	s4 =	sadd.s32 $0x7440, s11;
	s15 =	sld [smem:$0x2]  }
0xfd: {  	[tilespmem:s18], [sflag:$0x1] =	stream.linear.gather [hbm4b:s19+s5], $0x10, $0x38;
	[tilespmem:$0x8EC0] =	vst v63  }
0xfe: {  	s25 =	sand.u32 $0x70, s10;
	s10 =	sadd.s32 $0x73C0, s12;
	s17 =	simm.s32 $0x20  }
0xff: {  	[tilespmem:s21], [sflag:$0x1] =	stream.linear.gather [hbm4b:s22+s5], $0x10, $0x38;
	[tilespmem:$0x8EC0] =	vst v63  }
0x100: {  	s16 =	sadd.s32 $0x73C0, s11;
	s11 =	simm.s32 $0x200;
	s21 =	sand.u32 $0x70, s17  }
0x101: {  	s29 =	sshll.u32 s14, $0x3;
	s17 =	sand.u32 $0x70, s14;
	s22 =	simm.s32 $0x30  }
0x102: {  	s14 =	simm.s32 $0x2;
	s18 =	sand.u32 $0xFFFFFC00, s29;
	s19 =	sshll.u32 s15, $0x3  }
.LBB2_2:
0x103: {  	s20 =	sor.u32 s17, s18;
	s24 =	sor.u32 s25, s9;
	s9 =	sand.u32 $0xFFFFFC00, s19  }
0x104: {  	s18 =	smov.u32 s7;
	s19 =	smov.u32 s12;
	s17 =	smov.u32 s22  }
0x105: {  	[tilespmem:s16], [sflag:$0x1] =	stream.linear.gather [hbm4b:s23+s5], $0x10, $0x38;
	[tilespmem:$0x8EC0] =	vst v63  }
0x106: {  	s25 =	sshrl.u32 s20, $0x3;
	s26 =	sshrl.u32 s24, $0x3;
	s7 =	sadd.s32 $0x7A1400, s24  }
0x107: {  	[tilespmem:s4], [sflag:$0x1] =	stream.linear.gather [hbm4b:s31+s5], $0x10, $0x38;
	[tilespmem:$0x8EC0] =	vst v63  }
0x108: {  	s16 =	sadd.s32 s0, s26;
	s23 =	sshrl.u32 s7, $0x3;
	s4 =	sadd.s32 $0xCC0, s19  }
0x109: {  	[tilespmem:s4], [sflag:$0x1] =	stream.linear.gather [hbm4b:s16+s5], $0x10, $0x38;
	[tilespmem:$0x8EC0] =	vst v63  }
0x10a: {  	s12 =	sadd.s32 $0xD40, s19;
	s7 =	sadd.s32 $0x10, s16;
	s4 =	sadd.s32 $0x7A1400, s20  }
0x10b: {  	[tilespmem:s12], [sflag:$0x1] =	stream.linear.gather [hbm4b:s7+s5], $0x10, $0x38;
	[tilespmem:$0x8EC0] =	vst v63  }
0x10c: {  	s7 =	sshrl.u32 s4, $0x3;
	s4 =	sadd.s32 $0x20, s16;
	s12 =	sadd.s32 $0xDC0, s19  }
0x10d: {  	[tilespmem:s12], [sflag:$0x1] =	stream.linear.gather [hbm4b:s4+s5], $0x10, $0x38;
	[tilespmem:$0x8EC0] =	vst v63  }
0x10e: {  	s20 =	sadd.s32 $0xE40, s19;
	s4 =	sand.u32 $0x800, s11;
	s12 =	sadd.s32 $0x30, s16  }
0x10f: {  	[tilespmem:s20], [sflag:$0x1] =	stream.linear.gather [hbm4b:s12+s5], $0x10, $0x38;
	[tilespmem:$0x8EC0] =	vst v63  }
0x110: {  	s12 =	sor.u32 s21, s4;
	s4 =	sadd.s32 $0x40, s16;
	s20 =	sadd.s32 $0xEC0, s19  }
0x111: {  	[tilespmem:s20], [sflag:$0x1] =	stream.linear.gather [hbm4b:s4+s5], $0x10, $0x38;
	[tilespmem:$0x8EC0] =	vst v63  }
0x112: {  	s21 =	sadd.s32 $0xF40, s19;
	s4 =	sadd.s32 $0x73C0, s12;
	s20 =	sadd.s32 $0x50, s16  }
0x113: {  	[tilespmem:s21], [sflag:$0x1] =	stream.linear.gather [hbm4b:s20+s5], $0x10, $0x38;
	[tilespmem:$0x8EC0] =	vst v63  }
0x114: {  	s24 =	sadd.s32 $0xFC0, s19;
	s20 =	sadd.s32 $0x10, s22;
	s21 =	sadd.s32 $0x60, s16  }
0x115: {  	[tilespmem:s24], [sflag:$0x1] =	stream.linear.gather [hbm4b:s21+s5], $0x10, $0x38;
	[tilespmem:$0x8EC0] =	vst v63  }
0x116: {  	p0 =	sne.s32 s22, $0xF0;
	s16 =	sadd.s32 $0x70, s16;
	s21 =	sadd.s32 $0x1040, s19  }
0x117: {  	[tilespmem:s21], [sflag:$0x1] =	stream.linear.gather [hbm4b:s16+s5], $0x10, $0x38;
	[tilespmem:$0x8EC0] =	vst v63  }
0x118: {  	s24 =	sadd.s32 s1, s8;
	s21 =	sadd.s32 $0x2CC0, s19;
	s16 =	smov.u32 s10  }
0x119: {  	[tilespmem:s21], [sflag:$0x1] =	stream.linear.gather [hbm4b:s24+s5], $0x10, $0x38;
	[tilespmem:$0x8EC0] =	vst v63  }
0x11a: {  	s22 =	sadd.s32 $0x2D40, s19;
	s10 =	smov.u32 s4;
	s21 =	sadd.s32 $0x10, s24  }
0x11b: {  	[tilespmem:s22], [sflag:$0x1] =	stream.linear.gather [hbm4b:s21+s5], $0x10, $0x38;
	[tilespmem:$0x8EC0] =	vst v63  }
0x11c: {  	s4 =	sadd.s32 $0x20, s24;
	s21 =	sadd.s32 $0x2DC0, s19;
	s22 =	smov.u32 s15  }
0x11d: {  	[tilespmem:s21], [sflag:$0x1] =	stream.linear.gather [hbm4b:s4+s5], $0x10, $0x38;
	[tilespmem:$0x8EC0] =	vst v63  }
0x11e: {  	s15 =	sadd.s32 $0x2E40, s19;
	s4 =	sadd.s32 $0x30, s24  }
0x11f: {  	[tilespmem:s15], [sflag:$0x1] =	stream.linear.gather [hbm4b:s4+s5], $0x10, $0x38;
	[tilespmem:$0x8EC0] =	vst v63  }
0x120: {  	s4 =	sadd.s32 $0x40, s24;
	s15 =	sadd.s32 $0x2EC0, s19  }
0x121: {  	[tilespmem:s15], [sflag:$0x1] =	stream.linear.gather [hbm4b:s4+s5], $0x10, $0x38;
	[tilespmem:$0x8EC0] =	vst v63  }
0x122: {  	s4 =	sadd.s32 $0x50, s24;
	s15 =	sadd.s32 $0x2F40, s19  }
0x123: {  	[tilespmem:s15], [sflag:$0x1] =	stream.linear.gather [hbm4b:s4+s5], $0x10, $0x38;
	[tilespmem:$0x8EC0] =	vst v63  }
0x124: {  	s4 =	sadd.s32 $0x60, s24;
	s15 =	sadd.s32 $0x2FC0, s19  }
0x125: {  	[tilespmem:s15], [sflag:$0x1] =	stream.linear.gather [hbm4b:s4+s5], $0x10, $0x38;
	[tilespmem:$0x8EC0] =	vst v63  }
0x126: {  	s4 =	sadd.s32 $0x70, s24;
	s15 =	sadd.s32 $0x3040, s19  }
0x127: {  	[tilespmem:s15], [sflag:$0x1] =	stream.linear.gather [hbm4b:s4+s5], $0x10, $0x38;
	[tilespmem:$0x8EC0] =	vst v63  }
0x128: {  	s4 =	sadd.s32 $0x4CC0, s19;
	s15 =	sadd.s32 s2, s26  }
0x129: {  	[tilespmem:s4], [sflag:$0x1] =	stream.linear.gather [hbm4b:s15+s5], $0x10, $0x38;
	[tilespmem:$0x8EC0] =	vst v63  }
0x12a: {  	s21 =	sadd.s32 $0x4D40, s19;
	s4 =	sadd.s32 $0x10, s15  }
0x12b: {  	[tilespmem:s21], [sflag:$0x1] =	stream.linear.gather [hbm4b:s4+s5], $0x10, $0x38;
	[tilespmem:$0x8EC0] =	vst v63  }
0x12c: {  	s4 =	sadd.s32 $0x20, s15;
	s21 =	sadd.s32 $0x4DC0, s19  }
0x12d: {  	[tilespmem:s21], [sflag:$0x1] =	stream.linear.gather [hbm4b:s4+s5], $0x10, $0x38;
	[tilespmem:$0x8EC0] =	vst v63  }
0x12e: {  	s4 =	sadd.s32 $0x30, s15;
	s21 =	sadd.s32 $0x4E40, s19  }
0x12f: {  	[tilespmem:s21], [sflag:$0x1] =	stream.linear.gather [hbm4b:s4+s5], $0x10, $0x38;
	[tilespmem:$0x8EC0] =	vst v63  }
0x130: {  	s4 =	sadd.s32 $0x40, s15;
	s21 =	sadd.s32 $0x4EC0, s19  }
0x131: {  	[tilespmem:s21], [sflag:$0x1] =	stream.linear.gather [hbm4b:s4+s5], $0x10, $0x38;
	[tilespmem:$0x8EC0] =	vst v63  }
0x132: {  	s4 =	sadd.s32 $0x50, s15;
	s21 =	sadd.s32 $0x4F40, s19  }
0x133: {  	[tilespmem:s21], [sflag:$0x1] =	stream.linear.gather [hbm4b:s4+s5], $0x10, $0x38;
	[tilespmem:$0x8EC0] =	vst v63  }
0x134: {  	s4 =	sadd.s32 $0x60, s15;
	s21 =	sadd.s32 $0x4FC0, s19  }
0x135: {  	[tilespmem:s21], [sflag:$0x1] =	stream.linear.gather [hbm4b:s4+s5], $0x10, $0x38;
	[tilespmem:$0x8EC0] =	vst v63  }
0x136: {  	s4 =	sadd.s32 $0x70, s15;
	s15 =	sadd.s32 $0x5040, s19  }
0x137: {  	[tilespmem:s15], [sflag:$0x1] =	stream.linear.gather [hbm4b:s4+s5], $0x10, $0x38;
	[tilespmem:$0x8EC0] =	vst v63  }
0x138: {  	s4 =	sadd.s32 $0x6CC0, s19;
	s15 =	sadd.s32 s3, s8;
	s8 =	smov.u32 s25  }
0x139: {  	[tilespmem:s4], [sflag:$0x1] =	stream.linear.gather [hbm4b:s15+s5], $0x10, $0x38;
	[tilespmem:$0x8EC0] =	vst v63  }
0x13a: {  	s21 =	sadd.s32 $0x6D40, s19;
	s4 =	sadd.s32 $0x10, s15  }
0x13b: {  	[tilespmem:s21], [sflag:$0x1] =	stream.linear.gather [hbm4b:s4+s5], $0x10, $0x38;
	[tilespmem:$0x8EC0] =	vst v63  }
0x13c: {  	s4 =	sadd.s32 $0x20, s15;
	s21 =	sadd.s32 $0x6DC0, s19  }
0x13d: {  	[tilespmem:s21], [sflag:$0x1] =	stream.linear.gather [hbm4b:s4+s5], $0x10, $0x38;
	[tilespmem:$0x8EC0] =	vst v63  }
0x13e: {  	s4 =	sadd.s32 $0x30, s15;
	s21 =	sadd.s32 $0x6E40, s19  }
0x13f: {  	[tilespmem:s21], [sflag:$0x1] =	stream.linear.gather [hbm4b:s4+s5], $0x10, $0x38;
	[tilespmem:$0x8EC0] =	vst v63  }
0x140: {  	s4 =	sadd.s32 $0x40, s15;
	s21 =	sadd.s32 $0x6EC0, s19  }
0x141: {  	[tilespmem:s21], [sflag:$0x1] =	stream.linear.gather [hbm4b:s4+s5], $0x10, $0x38;
	[tilespmem:$0x8EC0] =	vst v63  }
0x142: {  	s4 =	sadd.s32 $0x50, s15;
	s21 =	sadd.s32 $0x6F40, s19  }
0x143: {  	[tilespmem:s21], [sflag:$0x1] =	stream.linear.gather [hbm4b:s4+s5], $0x10, $0x38;
	[tilespmem:$0x8EC0] =	vst v63  }
0x144: {  	s4 =	sadd.s32 $0x60, s15;
	s21 =	sadd.s32 $0x6FC0, s19  }
0x145: {  	[tilespmem:s21], [sflag:$0x1] =	stream.linear.gather [hbm4b:s4+s5], $0x10, $0x38;
	[tilespmem:$0x8EC0] =	vst v63  }
0x146: {  	s4 =	sadd.s32 $0x70, s15;
	s15 =	sadd.s32 $0x7040, s19  }
0x147: {  	[tilespmem:s15], [sflag:$0x1] =	stream.linear.gather [hbm4b:s4+s5], $0x10, $0x38;
	[tilespmem:$0x8EC0] =	vst v63  }
0x148: {  	s4 =	sadd.s32 $0x10C0, s19;
	s15 =	sadd.s32 s0, s23  }
0x149: {  	[tilespmem:s4], [sflag:$0x1] =	stream.linear.gather [hbm4b:s15+s5], $0x10, $0x38;
	[tilespmem:$0x8EC0] =	vst v63  }
0x14a: {  	s21 =	sadd.s32 $0x1140, s19;
	s4 =	sadd.s32 $0x10, s15  }
0x14b: {  	[tilespmem:s21], [sflag:$0x1] =	stream.linear.gather [hbm4b:s4+s5], $0x10, $0x38;
	[tilespmem:$0x8EC0] =	vst v63  }
0x14c: {  	s4 =	sadd.s32 $0x20, s15;
	s21 =	sadd.s32 $0x11C0, s19  }
0x14d: {  	[tilespmem:s21], [sflag:$0x1] =	stream.linear.gather [hbm4b:s4+s5], $0x10, $0x38;
	[tilespmem:$0x8EC0] =	vst v63  }
0x14e: {  	s4 =	sadd.s32 $0x30, s15;
	s21 =	sadd.s32 $0x1240, s19  }
0x14f: {  	[tilespmem:s21], [sflag:$0x1] =	stream.linear.gather [hbm4b:s4+s5], $0x10, $0x38;
	[tilespmem:$0x8EC0] =	vst v63  }
0x150: {  	s4 =	sadd.s32 $0x40, s15;
	s21 =	sadd.s32 $0x12C0, s19  }
0x151: {  	[tilespmem:s21], [sflag:$0x1] =	stream.linear.gather [hbm4b:s4+s5], $0x10, $0x38;
	[tilespmem:$0x8EC0] =	vst v63  }
0x152: {  	s4 =	sadd.s32 $0x50, s15;
	s21 =	sadd.s32 $0x1340, s19  }
0x153: {  	[tilespmem:s21], [sflag:$0x1] =	stream.linear.gather [hbm4b:s4+s5], $0x10, $0x38;
	[tilespmem:$0x8EC0] =	vst v63  }
0x154: {  	s4 =	sadd.s32 $0x60, s15;
	s21 =	sadd.s32 $0x13C0, s19  }
0x155: {  	[tilespmem:s21], [sflag:$0x1] =	stream.linear.gather [hbm4b:s4+s5], $0x10, $0x38;
	[tilespmem:$0x8EC0] =	vst v63  }
0x156: {  	s4 =	sadd.s32 $0x70, s15;
	s15 =	sadd.s32 $0x1440, s19  }
0x157: {  	[tilespmem:s15], [sflag:$0x1] =	stream.linear.gather [hbm4b:s4+s5], $0x10, $0x38;
	[tilespmem:$0x8EC0] =	vst v63  }
0x158: {  	s4 =	sadd.s32 $0x30C0, s19;
	s15 =	sadd.s32 s1, s18  }
0x159: {  	[tilespmem:s4], [sflag:$0x1] =	stream.linear.gather [hbm4b:s15+s5], $0x10, $0x38;
	[tilespmem:$0x8EC0] =	vst v63  }
0x15a: {  	s21 =	sadd.s32 $0x3140, s19;
	s4 =	sadd.s32 $0x10, s15  }
0x15b: {  	[tilespmem:s21], [sflag:$0x1] =	stream.linear.gather [hbm4b:s4+s5], $0x10, $0x38;
	[tilespmem:$0x8EC0] =	vst v63  }
0x15c: {  	s4 =	sadd.s32 $0x20, s15;
	s21 =	sadd.s32 $0x31C0, s19  }
0x15d: {  	[tilespmem:s21], [sflag:$0x1] =	stream.linear.gather [hbm4b:s4+s5], $0x10, $0x38;
	[tilespmem:$0x8EC0] =	vst v63  }
0x15e: {  	s4 =	sadd.s32 $0x30, s15;
	s21 =	sadd.s32 $0x3240, s19  }
0x15f: {  	[tilespmem:s21], [sflag:$0x1] =	stream.linear.gather [hbm4b:s4+s5], $0x10, $0x38;
	[tilespmem:$0x8EC0] =	vst v63  }
0x160: {  	s4 =	sadd.s32 $0x40, s15;
	s21 =	sadd.s32 $0x32C0, s19  }
0x161: {  	[tilespmem:s21], [sflag:$0x1] =	stream.linear.gather [hbm4b:s4+s5], $0x10, $0x38;
	[tilespmem:$0x8EC0] =	vst v63  }
0x162: {  	s4 =	sadd.s32 $0x50, s15;
	s21 =	sadd.s32 $0x3340, s19  }
0x163: {  	[tilespmem:s21], [sflag:$0x1] =	stream.linear.gather [hbm4b:s4+s5], $0x10, $0x38;
	[tilespmem:$0x8EC0] =	vst v63  }
0x164: {  	s4 =	sadd.s32 $0x60, s15;
	s21 =	sadd.s32 $0x33C0, s19  }
0x165: {  	[tilespmem:s21], [sflag:$0x1] =	stream.linear.gather [hbm4b:s4+s5], $0x10, $0x38;
	[tilespmem:$0x8EC0] =	vst v63  }
0x166: {  	s4 =	sadd.s32 $0x70, s15;
	s15 =	sadd.s32 $0x3440, s19  }
0x167: {  	[tilespmem:s15], [sflag:$0x1] =	stream.linear.gather [hbm4b:s4+s5], $0x10, $0x38;
	[tilespmem:$0x8EC0] =	vst v63  }
0x168: {  	s4 =	sadd.s32 $0x50C0, s19;
	s15 =	sadd.s32 s2, s23  }
0x169: {  	[tilespmem:s4], [sflag:$0x1] =	stream.linear.gather [hbm4b:s15+s5], $0x10, $0x38;
	[tilespmem:$0x8EC0] =	vst v63  }
0x16a: {  	s13 =	sadd.s32 $0x1, s13;
	s21 =	sadd.s32 $0x5140, s19;
	s4 =	sadd.s32 $0x10, s15  }
0x16b: {  	[tilespmem:s21], [sflag:$0x1] =	stream.linear.gather [hbm4b:s4+s5], $0x10, $0x38;
	[tilespmem:$0x8EC0] =	vst v63  }
0x16c: {  	s14 =	sadd.s32 $0x1, s14;
	s4 =	sadd.s32 $0x20, s15;
	s21 =	sadd.s32 $0x51C0, s19  }
0x16d: {  	[tilespmem:s21], [sflag:$0x1] =	stream.linear.gather [hbm4b:s4+s5], $0x10, $0x38;
	[tilespmem:$0x8EC0] =	vst v63  }
0x16e: {  	s23 =	sadd.s32 $0x5240, s19;
	s21 =	sadd.s32 $0x30, s15;
	s4 =	sadd.s32 $0x7440, s19  }
0x16f: {  	[tilespmem:s23], [sflag:$0x1] =	stream.linear.gather [hbm4b:s21+s5], $0x10, $0x38;
	[tilespmem:$0x8EC0] =	vst v63  }
0x170: {  	s24 =	sadd.s32 $0x7340, s19;
	s21 =	sadd.s32 $0x40, s15;
	s23 =	sadd.s32 $0x52C0, s19  }
0x171: {  	[tilespmem:s23], [sflag:$0x1] =	stream.linear.gather [hbm4b:s21+s5], $0x10, $0x38;
	[tilespmem:$0x8EC0] =	vst v63  }
0x172: {  	s26 =	sadd.s32 $0x72C0, s19;
	s21 =	sadd.s32 $0x50, s15;
	s23 =	sadd.s32 $0x5340, s19  }
0x173: {  	[tilespmem:s23], [sflag:$0x1] =	stream.linear.gather [hbm4b:s21+s5], $0x10, $0x38;
	[tilespmem:$0x8EC0] =	vst v63  }
0x174: {  	s25 =	sadd.s32 $0x7240, s19;
	s21 =	sadd.s32 $0x60, s15;
	s23 =	sadd.s32 $0x53C0, s19  }
0x175: {  	[tilespmem:s23], [sflag:$0x1] =	stream.linear.gather [hbm4b:s21+s5], $0x10, $0x38;
	[tilespmem:$0x8EC0] =	vst v63  }
0x176: {  	s31 =	sadd.s32 $0x71C0, s19;
	s15 =	sadd.s32 $0x70, s15;
	s21 =	sadd.s32 $0x5440, s19  }
0x177: {  	[tilespmem:s21], [sflag:$0x1] =	stream.linear.gather [hbm4b:s15+s5], $0x10, $0x38;
	[tilespmem:$0x8EC0] =	vst v63  }
0x178: {  	s18 =	sadd.s32 s3, s18;
	s15 =	sadd.s32 $0x70C0, s19;
	s19 =	sadd.s32 $0x7140, s19  }
0x179: {  	[tilespmem:s15], [sflag:$0x1] =	stream.linear.gather [hbm4b:s18+s5], $0x10, $0x38;
	[tilespmem:$0x8EC0] =	vst v63  }
0x17a: {  	s23 =	sadd.s32 $0x60, s18;
	s21 =	sand.u32 $0x70, s17;
	s15 =	sadd.s32 $0x10, s18  }
0x17b: {  	[tilespmem:s19], [sflag:$0x1] =	stream.linear.gather [hbm4b:s15+s5], $0x10, $0x38;
	[tilespmem:$0x8EC0] =	vst v63  }
0x17c: {  	s11 =	sadd.s32 $0x100, s11;
	s28 =	sadd.s32 $0x50, s18;
	s15 =	sadd.s32 $0x20, s18  }
0x17d: {  	[tilespmem:s31], [sflag:$0x1] =	stream.linear.gather [hbm4b:s15+s5], $0x10, $0x38;
	[tilespmem:$0x8EC0] =	vst v63  }
0x17e: {  	s15 =	sadd.s32 $0x30, s18;
	s31 =	sadd.s32 $0x70, s18;
	s17 =	sld [smem:s13+$0x0]  }
0x17f: {  	[tilespmem:s25], [sflag:$0x1] =	stream.linear.gather [hbm4b:s15+s5], $0x10, $0x38;
	[tilespmem:$0x8EC0] =	vst v63  }
.Ltmp0:
0x180: {  	s18 =	sadd.s32 $0x40, s18;
	s15 =	sld [smem:s14+$0x0];
	(pc) =	sbr.rel @p0 .LBB2_2-.Ltmp0, $4  }
0x181: {  	s25 =	sand.u32 $0x70, s22;
	s22 =	smov.u32 s20;
	s29 =	sshll.u32 s17, $0x3  }
0x182: {  	[tilespmem:s26], [sflag:$0x1] =	stream.linear.gather [hbm4b:s18+s5], $0x10, $0x38;
	[tilespmem:$0x8EC0] =	vst v63  }
0x183: {  	s17 =	sand.u32 $0x70, s17;
	s18 =	sand.u32 $0xFFFFFC00, s29;
	s19 =	sshll.u32 s15, $0x3  }
0x184: {  	[tilespmem:s24], [sflag:$0x1] =	stream.linear.gather [hbm4b:s28+s5], $0x10, $0x38;
	[tilespmem:$0x8EC0] =	vst v63  }
0x185: {  	[tilespmem:s16], [sflag:$0x1] =	stream.linear.gather [hbm4b:s23+s5], $0x10, $0x38;
	[tilespmem:$0x8EC0] =	vst v63  }
0x186: {  	_ = 	snop  }
0x187: {  	[tilespmem:s4], [sflag:$0x1] =	stream.linear.gather [hbm4b:s31+s5], $0x10, $0x38;
	[tilespmem:$0x8EC0] =	vst v63  }
0x188: {  	s4 =	sor.u32 s25, s9  }
0x189: {  	s9 =	sshrl.u32 s4, $0x3  }
0x18a: {  	s13 =	sadd.s32 $0xCC0, s12;
	s14 =	sadd.s32 s0, s9  }
0x18b: {  	[tilespmem:s13], [sflag:$0x1] =	stream.linear.gather [hbm4b:s14+s5], $0x10, $0x38;
	[tilespmem:$0x8EC0] =	vst v63  }
0x18c: {  	s20 =	sadd.s32 $0xD40, s12;
	s16 =	sadd.s32 $0x10, s14  }
0x18d: {  	[tilespmem:s20], [sflag:$0x1] =	stream.linear.gather [hbm4b:s16+s5], $0x10, $0x38;
	[tilespmem:$0x8EC0] =	vst v63  }
0x18e: {  	s23 =	sadd.s32 $0xDC0, s12;
	s22 =	sadd.s32 $0x20, s14  }
0x18f: {  	[tilespmem:s23], [sflag:$0x1] =	stream.linear.gather [hbm4b:s22+s5], $0x10, $0x38;
	[tilespmem:$0x8EC0] =	vst v63  }
0x190: {  	s25 =	sadd.s32 $0xE40, s12;
	s24 =	sadd.s32 $0x30, s14  }
0x191: {  	[tilespmem:s25], [sflag:$0x1] =	stream.linear.gather [hbm4b:s24+s5], $0x10, $0x38;
	[tilespmem:$0x8EC0] =	vst v63  }
0x192: {  	s28 =	sadd.s32 $0xEC0, s12;
	s26 =	sadd.s32 $0x40, s14  }
0x193: {  	[tilespmem:s28], [sflag:$0x1] =	stream.linear.gather [hbm4b:s26+s5], $0x10, $0x38;
	[tilespmem:$0x8EC0] =	vst v63  }
0x194: {  	s31 =	sadd.s32 $0xF40, s12;
	s29 =	sadd.s32 $0x50, s14  }
0x195: {  	[tilespmem:s31], [sflag:$0x1] =	stream.linear.gather [hbm4b:s29+s5], $0x10, $0x38;
	[tilespmem:$0x8EC0] =	vst v63  }
0x196: {  	s20 =	sadd.s32 $0x60, s14;
	s22 =	sadd.s32 $0xFC0, s12  }
0x197: {  	[tilespmem:s22], [sflag:$0x1] =	stream.linear.gather [hbm4b:s20+s5], $0x10, $0x38;
	[tilespmem:$0x8EC0] =	vst v63  }
0x198: {  	s23 =	sadd.s32 $0x70, s14;
	s24 =	sadd.s32 $0x1040, s12  }
0x199: {  	[tilespmem:s24], [sflag:$0x1] =	stream.linear.gather [hbm4b:s23+s5], $0x10, $0x38;
	[tilespmem:$0x8EC0] =	vst v63  }
0x19a: {  	s14 =	sadd.s32 s1, s8;
	s25 =	sadd.s32 $0x2CC0, s12  }
0x19b: {  	[tilespmem:s25], [sflag:$0x1] =	stream.linear.gather [hbm4b:s14+s5], $0x10, $0x38;
	[tilespmem:$0x8EC0] =	vst v63  }
0x19c: {  	s26 =	sadd.s32 $0x10, s14;
	s28 =	sadd.s32 $0x2D40, s12  }
0x19d: {  	[tilespmem:s28], [sflag:$0x1] =	stream.linear.gather [hbm4b:s26+s5], $0x10, $0x38;
	[tilespmem:$0x8EC0] =	vst v63  }
0x19e: {  	s29 =	sadd.s32 $0x20, s14;
	s31 =	sadd.s32 $0x2DC0, s12  }
0x19f: {  	[tilespmem:s31], [sflag:$0x1] =	stream.linear.gather [hbm4b:s29+s5], $0x10, $0x38;
	[tilespmem:$0x8EC0] =	vst v63  }
0x1a0: {  	s16 =	sadd.s32 $0x30, s14;
	s20 =	sadd.s32 $0x2E40, s12  }
0x1a1: {  	[tilespmem:s20], [sflag:$0x1] =	stream.linear.gather [hbm4b:s16+s5], $0x10, $0x38;
	[tilespmem:$0x8EC0] =	vst v63  }
0x1a2: {  	s22 =	sadd.s32 $0x40, s14;
	s23 =	sadd.s32 $0x2EC0, s12  }
0x1a3: {  	[tilespmem:s23], [sflag:$0x1] =	stream.linear.gather [hbm4b:s22+s5], $0x10, $0x38;
	[tilespmem:$0x8EC0] =	vst v63  }
0x1a4: {  	s24 =	sadd.s32 $0x50, s14;
	s25 =	sadd.s32 $0x2F40, s12  }
0x1a5: {  	[tilespmem:s25], [sflag:$0x1] =	stream.linear.gather [hbm4b:s24+s5], $0x10, $0x38;
	[tilespmem:$0x8EC0] =	vst v63  }
0x1a6: {  	s26 =	sadd.s32 $0x60, s14;
	s28 =	sadd.s32 $0x2FC0, s12  }
0x1a7: {  	[tilespmem:s28], [sflag:$0x1] =	stream.linear.gather [hbm4b:s26+s5], $0x10, $0x38;
	[tilespmem:$0x8EC0] =	vst v63  }
0x1a8: {  	s29 =	sadd.s32 $0x70, s14;
	s31 =	sadd.s32 $0x3040, s12  }
0x1a9: {  	[tilespmem:s31], [sflag:$0x1] =	stream.linear.gather [hbm4b:s29+s5], $0x10, $0x38;
	[tilespmem:$0x8EC0] =	vst v63  }
0x1aa: {  	s9 =	sadd.s32 s2, s9;
	s14 =	sadd.s32 $0x4CC0, s12  }
0x1ab: {  	[tilespmem:s14], [sflag:$0x1] =	stream.linear.gather [hbm4b:s9+s5], $0x10, $0x38;
	[tilespmem:$0x8EC0] =	vst v63  }
0x1ac: {  	s16 =	sadd.s32 $0x10, s9;
	s20 =	sadd.s32 $0x4D40, s12  }
0x1ad: {  	[tilespmem:s20], [sflag:$0x1] =	stream.linear.gather [hbm4b:s16+s5], $0x10, $0x38;
	[tilespmem:$0x8EC0] =	vst v63  }
0x1ae: {  	s22 =	sadd.s32 $0x20, s9;
	s23 =	sadd.s32 $0x4DC0, s12  }
0x1af: {  	[tilespmem:s23], [sflag:$0x1] =	stream.linear.gather [hbm4b:s22+s5], $0x10, $0x38;
	[tilespmem:$0x8EC0] =	vst v63  }
0x1b0: {  	s24 =	sadd.s32 $0x30, s9;
	s25 =	sadd.s32 $0x4E40, s12  }
0x1b1: {  	[tilespmem:s25], [sflag:$0x1] =	stream.linear.gather [hbm4b:s24+s5], $0x10, $0x38;
	[tilespmem:$0x8EC0] =	vst v63  }
0x1b2: {  	s26 =	sadd.s32 $0x40, s9;
	s28 =	sadd.s32 $0x4EC0, s12  }
0x1b3: {  	[tilespmem:s28], [sflag:$0x1] =	stream.linear.gather [hbm4b:s26+s5], $0x10, $0x38;
	[tilespmem:$0x8EC0] =	vst v63  }
0x1b4: {  	s29 =	sadd.s32 $0x50, s9;
	s31 =	sadd.s32 $0x4F40, s12  }
0x1b5: {  	[tilespmem:s31], [sflag:$0x1] =	stream.linear.gather [hbm4b:s29+s5], $0x10, $0x38;
	[tilespmem:$0x8EC0] =	vst v63  }
0x1b6: {  	s16 =	sadd.s32 $0x60, s9;
	s20 =	sadd.s32 $0x4FC0, s12  }
0x1b7: {  	[tilespmem:s20], [sflag:$0x1] =	stream.linear.gather [hbm4b:s16+s5], $0x10, $0x38;
	[tilespmem:$0x8EC0] =	vst v63  }
0x1b8: {  	s9 =	sadd.s32 $0x70, s9;
	s22 =	sadd.s32 $0x5040, s12  }
0x1b9: {  	[tilespmem:s22], [sflag:$0x1] =	stream.linear.gather [hbm4b:s9+s5], $0x10, $0x38;
	[tilespmem:$0x8EC0] =	vst v63  }
0x1ba: {  	s8 =	sadd.s32 s3, s8;
	s23 =	sadd.s32 $0x6CC0, s12  }
0x1bb: {  	[tilespmem:s23], [sflag:$0x1] =	stream.linear.gather [hbm4b:s8+s5], $0x10, $0x38;
	[tilespmem:$0x8EC0] =	vst v63  }
0x1bc: {  	s24 =	sadd.s32 $0x10, s8;
	s25 =	sadd.s32 $0x6D40, s12  }
0x1bd: {  	[tilespmem:s25], [sflag:$0x1] =	stream.linear.gather [hbm4b:s24+s5], $0x10, $0x38;
	[tilespmem:$0x8EC0] =	vst v63  }
0x1be: {  	s26 =	sadd.s32 $0x20, s8;
	s28 =	sadd.s32 $0x6DC0, s12  }
0x1bf: {  	[tilespmem:s28], [sflag:$0x1] =	stream.linear.gather [hbm4b:s26+s5], $0x10, $0x38;
	[tilespmem:$0x8EC0] =	vst v63  }
0x1c0: {  	s29 =	sadd.s32 $0x30, s8;
	s31 =	sadd.s32 $0x6E40, s12  }
0x1c1: {  	[tilespmem:s31], [sflag:$0x1] =	stream.linear.gather [hbm4b:s29+s5], $0x10, $0x38;
	[tilespmem:$0x8EC0] =	vst v63  }
0x1c2: {  	s13 =	sadd.s32 $0x40, s8;
	s14 =	sadd.s32 $0x6EC0, s12  }
0x1c3: {  	[tilespmem:s14], [sflag:$0x1] =	stream.linear.gather [hbm4b:s13+s5], $0x10, $0x38;
	[tilespmem:$0x8EC0] =	vst v63  }
0x1c4: {  	s16 =	sadd.s32 $0x50, s8;
	s20 =	sadd.s32 $0x6F40, s12  }
0x1c5: {  	[tilespmem:s20], [sflag:$0x1] =	stream.linear.gather [hbm4b:s16+s5], $0x10, $0x38;
	[tilespmem:$0x8EC0] =	vst v63  }
0x1c6: {  	s4 =	sadd.s32 $0x7A1400, s4;
	s22 =	sadd.s32 $0x60, s8;
	s23 =	sadd.s32 $0x6FC0, s12  }
0x1c7: {  	[tilespmem:s23], [sflag:$0x1] =	stream.linear.gather [hbm4b:s22+s5], $0x10, $0x38;
	[tilespmem:$0x8EC0] =	vst v63  }
0x1c8: {  	s4 =	sshrl.u32 s4, $0x3;
	s8 =	sadd.s32 $0x70, s8;
	s24 =	sadd.s32 $0x7040, s12  }
0x1c9: {  	[tilespmem:s24], [sflag:$0x1] =	stream.linear.gather [hbm4b:s8+s5], $0x10, $0x38;
	[tilespmem:$0x8EC0] =	vst v63  }
0x1ca: {  	s9 =	sadd.s32 s0, s4;
	s25 =	sadd.s32 $0x10C0, s12  }
0x1cb: {  	[tilespmem:s25], [sflag:$0x1] =	stream.linear.gather [hbm4b:s9+s5], $0x10, $0x38;
	[tilespmem:$0x8EC0] =	vst v63  }
0x1cc: {  	s26 =	sadd.s32 $0x10, s9;
	s28 =	sadd.s32 $0x1140, s12  }
0x1cd: {  	[tilespmem:s28], [sflag:$0x1] =	stream.linear.gather [hbm4b:s26+s5], $0x10, $0x38;
	[tilespmem:$0x8EC0] =	vst v63  }
0x1ce: {  	s29 =	sadd.s32 $0x20, s9;
	s31 =	sadd.s32 $0x11C0, s12  }
0x1cf: {  	[tilespmem:s31], [sflag:$0x1] =	stream.linear.gather [hbm4b:s29+s5], $0x10, $0x38;
	[tilespmem:$0x8EC0] =	vst v63  }
0x1d0: {  	s14 =	sadd.s32 $0x30, s9;
	s16 =	sadd.s32 $0x1240, s12  }
0x1d1: {  	[tilespmem:s16], [sflag:$0x1] =	stream.linear.gather [hbm4b:s14+s5], $0x10, $0x38;
	[tilespmem:$0x8EC0] =	vst v63  }
0x1d2: {  	s20 =	sadd.s32 $0x40, s9;
	s22 =	sadd.s32 $0x12C0, s12  }
0x1d3: {  	[tilespmem:s22], [sflag:$0x1] =	stream.linear.gather [hbm4b:s20+s5], $0x10, $0x38;
	[tilespmem:$0x8EC0] =	vst v63  }
0x1d4: {  	s23 =	sadd.s32 $0x50, s9;
	s24 =	sadd.s32 $0x1340, s12  }
0x1d5: {  	[tilespmem:s24], [sflag:$0x1] =	stream.linear.gather [hbm4b:s23+s5], $0x10, $0x38;
	[tilespmem:$0x8EC0] =	vst v63  }
0x1d6: {  	s25 =	sadd.s32 $0x60, s9;
	s26 =	sadd.s32 $0x13C0, s12  }
0x1d7: {  	[tilespmem:s26], [sflag:$0x1] =	stream.linear.gather [hbm4b:s25+s5], $0x10, $0x38;
	[tilespmem:$0x8EC0] =	vst v63  }
0x1d8: {  	s28 =	sadd.s32 $0x70, s9;
	s29 =	sadd.s32 $0x1440, s12  }
0x1d9: {  	[tilespmem:s29], [sflag:$0x1] =	stream.linear.gather [hbm4b:s28+s5], $0x10, $0x38;
	[tilespmem:$0x8EC0] =	vst v63  }
0x1da: {  	s9 =	sadd.s32 s1, s7;
	s31 =	sadd.s32 $0x30C0, s12  }
0x1db: {  	[tilespmem:s31], [sflag:$0x1] =	stream.linear.gather [hbm4b:s9+s5], $0x10, $0x38;
	[tilespmem:$0x8EC0] =	vst v63  }
0x1dc: {  	s13 =	sadd.s32 $0x10, s9;
	s14 =	sadd.s32 $0x3140, s12  }
0x1dd: {  	[tilespmem:s14], [sflag:$0x1] =	stream.linear.gather [hbm4b:s13+s5], $0x10, $0x38;
	[tilespmem:$0x8EC0] =	vst v63  }
0x1de: {  	s16 =	sadd.s32 $0x20, s9;
	s20 =	sadd.s32 $0x31C0, s12  }
0x1df: {  	[tilespmem:s20], [sflag:$0x1] =	stream.linear.gather [hbm4b:s16+s5], $0x10, $0x38;
	[tilespmem:$0x8EC0] =	vst v63  }
0x1e0: {  	s22 =	sadd.s32 $0x30, s9;
	s23 =	sadd.s32 $0x3240, s12  }
0x1e1: {  	[tilespmem:s23], [sflag:$0x1] =	stream.linear.gather [hbm4b:s22+s5], $0x10, $0x38;
	[tilespmem:$0x8EC0] =	vst v63  }
0x1e2: {  	s24 =	sadd.s32 $0x40, s9;
	s25 =	sadd.s32 $0x32C0, s12  }
0x1e3: {  	[tilespmem:s25], [sflag:$0x1] =	stream.linear.gather [hbm4b:s24+s5], $0x10, $0x38;
	[tilespmem:$0x8EC0] =	vst v63  }
0x1e4: {  	s26 =	sadd.s32 $0x50, s9;
	s28 =	sadd.s32 $0x3340, s12  }
0x1e5: {  	[tilespmem:s28], [sflag:$0x1] =	stream.linear.gather [hbm4b:s26+s5], $0x10, $0x38;
	[tilespmem:$0x8EC0] =	vst v63  }
0x1e6: {  	s29 =	sadd.s32 $0x60, s9;
	s31 =	sadd.s32 $0x33C0, s12  }
0x1e7: {  	[tilespmem:s31], [sflag:$0x1] =	stream.linear.gather [hbm4b:s29+s5], $0x10, $0x38;
	[tilespmem:$0x8EC0] =	vst v63  }
0x1e8: {  	s14 =	sadd.s32 $0x70, s9;
	s16 =	sadd.s32 $0x3440, s12  }
0x1e9: {  	[tilespmem:s16], [sflag:$0x1] =	stream.linear.gather [hbm4b:s14+s5], $0x10, $0x38;
	[tilespmem:$0x8EC0] =	vst v63  }
0x1ea: {  	s4 =	sadd.s32 s2, s4;
	s20 =	sadd.s32 $0x50C0, s12  }
0x1eb: {  	[tilespmem:s20], [sflag:$0x1] =	stream.linear.gather [hbm4b:s4+s5], $0x10, $0x38;
	[tilespmem:$0x8EC0] =	vst v63  }
0x1ec: {  	s22 =	sadd.s32 $0x10, s4;
	s23 =	sadd.s32 $0x5140, s12  }
0x1ed: {  	[tilespmem:s23], [sflag:$0x1] =	stream.linear.gather [hbm4b:s22+s5], $0x10, $0x38;
	[tilespmem:$0x8EC0] =	vst v63  }
0x1ee: {  	s24 =	sadd.s32 $0x20, s4;
	s25 =	sadd.s32 $0x51C0, s12  }
0x1ef: {  	[tilespmem:s25], [sflag:$0x1] =	stream.linear.gather [hbm4b:s24+s5], $0x10, $0x38;
	[tilespmem:$0x8EC0] =	vst v63  }
0x1f0: {  	s26 =	sadd.s32 $0x30, s4;
	s28 =	sadd.s32 $0x5240, s12  }
0x1f1: {  	[tilespmem:s28], [sflag:$0x1] =	stream.linear.gather [hbm4b:s26+s5], $0x10, $0x38;
	[tilespmem:$0x8EC0] =	vst v63  }
0x1f2: {  	s29 =	sadd.s32 $0x40, s4;
	s31 =	sadd.s32 $0x52C0, s12  }
0x1f3: {  	[tilespmem:s31], [sflag:$0x1] =	stream.linear.gather [hbm4b:s29+s5], $0x10, $0x38;
	[tilespmem:$0x8EC0] =	vst v63  }
0x1f4: {  	s13 =	sadd.s32 $0x50, s4;
	s14 =	sadd.s32 $0x5340, s12  }
0x1f5: {  	[tilespmem:s14], [sflag:$0x1] =	stream.linear.gather [hbm4b:s13+s5], $0x10, $0x38;
	[tilespmem:$0x8EC0] =	vst v63  }
0x1f6: {  	s16 =	sadd.s32 $0x60, s4;
	s20 =	sadd.s32 $0x53C0, s12  }
0x1f7: {  	[tilespmem:s20], [sflag:$0x1] =	stream.linear.gather [hbm4b:s16+s5], $0x10, $0x38;
	[tilespmem:$0x8EC0] =	vst v63  }
0x1f8: {  	s4 =	sadd.s32 $0x70, s4;
	s22 =	sadd.s32 $0x5440, s12  }
0x1f9: {  	[tilespmem:s22], [sflag:$0x1] =	stream.linear.gather [hbm4b:s4+s5], $0x10, $0x38;
	[tilespmem:$0x8EC0] =	vst v63  }
0x1fa: {  	s23 =	sadd.s32 $0x70C0, s12;
	s4 =	sadd.s32 s3, s7  }
0x1fb: {  	[tilespmem:s23], [sflag:$0x1] =	stream.linear.gather [hbm4b:s4+s5], $0x10, $0x38;
	[tilespmem:$0x8EC0] =	vst v63  }
0x1fc: {  	s24 =	sadd.s32 $0x7140, s12;
	s25 =	sadd.s32 $0x10, s4  }
0x1fd: {  	[tilespmem:s24], [sflag:$0x1] =	stream.linear.gather [hbm4b:s25+s5], $0x10, $0x38;
	[tilespmem:$0x8EC0] =	vst v63  }
0x1fe: {  	s26 =	sadd.s32 $0x71C0, s12;
	s28 =	sadd.s32 $0x20, s4  }
0x1ff: {  	[tilespmem:s26], [sflag:$0x1] =	stream.linear.gather [hbm4b:s28+s5], $0x10, $0x38;
	[tilespmem:$0x8EC0] =	vst v63  }
0x200: {  	s8 =	sadd.s32 $0x72C0, s12;
	s29 =	sadd.s32 $0x7240, s12;
	s31 =	sadd.s32 $0x30, s4  }
0x201: {  	[tilespmem:s29], [sflag:$0x1] =	stream.linear.gather [hbm4b:s31+s5], $0x10, $0x38;
	[tilespmem:$0x8EC0] =	vst v63  }
0x202: {  	s13 =	sadd.s32 $0x7340, s12;
	s16 =	sand.u32 $0xFFFFFC00, s19;
	s9 =	sadd.s32 $0x40, s4  }
0x203: {  	[tilespmem:s8], [sflag:$0x1] =	stream.linear.gather [hbm4b:s9+s5], $0x10, $0x38;
	[tilespmem:$0x8EC0] =	vst v63  }
0x204: {  	s19 =	sand.u32 $0x800, s11;
	s20 =	sand.u32 $0x70, s15;
	s14 =	sadd.s32 $0x50, s4  }
0x205: {  	[tilespmem:s13], [sflag:$0x1] =	stream.linear.gather [hbm4b:s14+s5], $0x10, $0x38;
	[tilespmem:$0x8EC0] =	vst v63  }
0x206: {  	s7 =	sor.u32 s21, s19;
	s22 =	sadd.s32 $0x60, s4;
	s8 =	sor.u32 s20, s16  }
0x207: {  	[tilespmem:s10], [sflag:$0x1] =	stream.linear.gather [hbm4b:s22+s5], $0x10, $0x38;
	[tilespmem:$0x8EC0] =	vst v63  }
0x208: {  	s23 =	sadd.s32 $0x7440, s12;
	s4 =	sadd.s32 $0x70, s4;
	s10 =	sshrl.u32 s8, $0x3  }
0x209: {  	[tilespmem:s23], [sflag:$0x1] =	stream.linear.gather [hbm4b:s4+s5], $0x10, $0x38;
	[tilespmem:$0x8EC0] =	vst v63  }
0x20a: {  	s24 =	sadd.s32 $0xCC0, s7;
	s25 =	sadd.s32 s0, s10  }
0x20b: {  	[tilespmem:s24], [sflag:$0x1] =	stream.linear.gather [hbm4b:s25+s5], $0x10, $0x38;
	[tilespmem:$0x8EC0] =	vst v63  }
0x20c: {  	s28 =	sadd.s32 $0xD40, s7;
	s26 =	sadd.s32 $0x10, s25  }
0x20d: {  	[tilespmem:s28], [sflag:$0x1] =	stream.linear.gather [hbm4b:s26+s5], $0x10, $0x38;
	[tilespmem:$0x8EC0] =	vst v63  }
0x20e: {  	s31 =	sadd.s32 $0xDC0, s7;
	s29 =	sadd.s32 $0x20, s25  }
0x20f: {  	[tilespmem:s31], [sflag:$0x1] =	stream.linear.gather [hbm4b:s29+s5], $0x10, $0x38;
	[tilespmem:$0x8EC0] =	vst v63  }
0x210: {  	s12 =	sadd.s32 $0xE40, s7;
	s11 =	sadd.s32 $0x30, s25  }
0x211: {  	[tilespmem:s12], [sflag:$0x1] =	stream.linear.gather [hbm4b:s11+s5], $0x10, $0x38;
	[tilespmem:$0x8EC0] =	vst v63  }
0x212: {  	s14 =	sadd.s32 $0xEC0, s7;
	s13 =	sadd.s32 $0x40, s25  }
0x213: {  	[tilespmem:s14], [sflag:$0x1] =	stream.linear.gather [hbm4b:s13+s5], $0x10, $0x38;
	[tilespmem:$0x8EC0] =	vst v63  }
0x214: {  	s16 =	sadd.s32 $0xF40, s7;
	s15 =	sadd.s32 $0x50, s25  }
0x215: {  	[tilespmem:s16], [sflag:$0x1] =	stream.linear.gather [hbm4b:s15+s5], $0x10, $0x38;
	[tilespmem:$0x8EC0] =	vst v63  }
0x216: {  	s4 =	sor.u32 s17, s18;
	s17 =	sadd.s32 $0x60, s25;
	s18 =	sadd.s32 $0xFC0, s7  }
0x217: {  	[tilespmem:s18], [sflag:$0x1] =	stream.linear.gather [hbm4b:s17+s5], $0x10, $0x38;
	[tilespmem:$0x8EC0] =	vst v63  }
0x218: {  	s19 =	sadd.s32 $0x1040, s7;
	s9 =	sadd.s32 $0x70, s25;
	s11 =	sshrl.u32 s4, $0x3  }
0x219: {  	[tilespmem:s19], [sflag:$0x1] =	stream.linear.gather [hbm4b:s9+s5], $0x10, $0x38;
	[tilespmem:$0x8EC0] =	vst v63  }
0x21a: {  	s20 =	sadd.s32 $0x2CC0, s7;
	s21 =	sadd.s32 s1, s11  }
0x21b: {  	[tilespmem:s20], [sflag:$0x1] =	stream.linear.gather [hbm4b:s21+s5], $0x10, $0x38;
	[tilespmem:$0x8EC0] =	vst v63  }
0x21c: {  	s23 =	sadd.s32 $0x2D40, s7;
	s22 =	sadd.s32 $0x10, s21  }
0x21d: {  	[tilespmem:s23], [sflag:$0x1] =	stream.linear.gather [hbm4b:s22+s5], $0x10, $0x38;
	[tilespmem:$0x8EC0] =	vst v63  }
0x21e: {  	s25 =	sadd.s32 $0x2DC0, s7;
	s24 =	sadd.s32 $0x20, s21  }
0x21f: {  	[tilespmem:s25], [sflag:$0x1] =	stream.linear.gather [hbm4b:s24+s5], $0x10, $0x38;
	[tilespmem:$0x8EC0] =	vst v63  }
0x220: {  	s28 =	sadd.s32 $0x2E40, s7;
	s26 =	sadd.s32 $0x30, s21  }
0x221: {  	[tilespmem:s28], [sflag:$0x1] =	stream.linear.gather [hbm4b:s26+s5], $0x10, $0x38;
	[tilespmem:$0x8EC0] =	vst v63  }
0x222: {  	s31 =	sadd.s32 $0x2EC0, s7;
	s29 =	sadd.s32 $0x40, s21  }
0x223: {  	[tilespmem:s31], [sflag:$0x1] =	stream.linear.gather [hbm4b:s29+s5], $0x10, $0x38;
	[tilespmem:$0x8EC0] =	vst v63  }
0x224: {  	s13 =	sadd.s32 $0x50, s21;
	s14 =	sadd.s32 $0x2F40, s7  }
0x225: {  	[tilespmem:s14], [sflag:$0x1] =	stream.linear.gather [hbm4b:s13+s5], $0x10, $0x38;
	[tilespmem:$0x8EC0] =	vst v63  }
0x226: {  	s15 =	sadd.s32 $0x60, s21;
	s16 =	sadd.s32 $0x2FC0, s7  }
0x227: {  	[tilespmem:s16], [sflag:$0x1] =	stream.linear.gather [hbm4b:s15+s5], $0x10, $0x38;
	[tilespmem:$0x8EC0] =	vst v63  }
0x228: {  	s17 =	sadd.s32 $0x70, s21;
	s18 =	sadd.s32 $0x3040, s7  }
0x229: {  	[tilespmem:s18], [sflag:$0x1] =	stream.linear.gather [hbm4b:s17+s5], $0x10, $0x38;
	[tilespmem:$0x8EC0] =	vst v63  }
0x22a: {  	s10 =	sadd.s32 s2, s10;
	s19 =	sadd.s32 $0x4CC0, s7  }
0x22b: {  	[tilespmem:s19], [sflag:$0x1] =	stream.linear.gather [hbm4b:s10+s5], $0x10, $0x38;
	[tilespmem:$0x8EC0] =	vst v63  }
0x22c: {  	s20 =	sadd.s32 $0x10, s10;
	s21 =	sadd.s32 $0x4D40, s7  }
0x22d: {  	[tilespmem:s21], [sflag:$0x1] =	stream.linear.gather [hbm4b:s20+s5], $0x10, $0x38;
	[tilespmem:$0x8EC0] =	vst v63  }
0x22e: {  	s22 =	sadd.s32 $0x20, s10;
	s23 =	sadd.s32 $0x4DC0, s7  }
0x22f: {  	[tilespmem:s23], [sflag:$0x1] =	stream.linear.gather [hbm4b:s22+s5], $0x10, $0x38;
	[tilespmem:$0x8EC0] =	vst v63  }
0x230: {  	s24 =	sadd.s32 $0x30, s10;
	s25 =	sadd.s32 $0x4E40, s7  }
0x231: {  	[tilespmem:s25], [sflag:$0x1] =	stream.linear.gather [hbm4b:s24+s5], $0x10, $0x38;
	[tilespmem:$0x8EC0] =	vst v63  }
0x232: {  	s26 =	sadd.s32 $0x40, s10;
	s28 =	sadd.s32 $0x4EC0, s7  }
0x233: {  	[tilespmem:s28], [sflag:$0x1] =	stream.linear.gather [hbm4b:s26+s5], $0x10, $0x38;
	[tilespmem:$0x8EC0] =	vst v63  }
0x234: {  	s29 =	sadd.s32 $0x50, s10;
	s31 =	sadd.s32 $0x4F40, s7  }
0x235: {  	[tilespmem:s31], [sflag:$0x1] =	stream.linear.gather [hbm4b:s29+s5], $0x10, $0x38;
	[tilespmem:$0x8EC0] =	vst v63  }
0x236: {  	s12 =	sadd.s32 $0x60, s10;
	s13 =	sadd.s32 $0x4FC0, s7  }
0x237: {  	[tilespmem:s13], [sflag:$0x1] =	stream.linear.gather [hbm4b:s12+s5], $0x10, $0x38;
	[tilespmem:$0x8EC0] =	vst v63  }
0x238: {  	s14 =	sadd.s32 $0x70, s10;
	s15 =	sadd.s32 $0x5040, s7  }
0x239: {  	[tilespmem:s15], [sflag:$0x1] =	stream.linear.gather [hbm4b:s14+s5], $0x10, $0x38;
	[tilespmem:$0x8EC0] =	vst v63  }
0x23a: {  	s16 =	sadd.s32 $0x6CC0, s7;
	s17 =	sadd.s32 s3, s11  }
0x23b: {  	[tilespmem:s16], [sflag:$0x1] =	stream.linear.gather [hbm4b:s17+s5], $0x10, $0x38;
	[tilespmem:$0x8EC0] =	vst v63  }
0x23c: {  	s18 =	sadd.s32 $0x10, s17;
	s19 =	sadd.s32 $0x6D40, s7  }
0x23d: {  	[tilespmem:s19], [sflag:$0x1] =	stream.linear.gather [hbm4b:s18+s5], $0x10, $0x38;
	[tilespmem:$0x8EC0] =	vst v63  }
0x23e: {  	s20 =	sadd.s32 $0x20, s17;
	s21 =	sadd.s32 $0x6DC0, s7  }
0x23f: {  	[tilespmem:s21], [sflag:$0x1] =	stream.linear.gather [hbm4b:s20+s5], $0x10, $0x38;
	[tilespmem:$0x8EC0] =	vst v63  }
0x240: {  	s22 =	sadd.s32 $0x30, s17;
	s23 =	sadd.s32 $0x6E40, s7  }
0x241: {  	[tilespmem:s23], [sflag:$0x1] =	stream.linear.gather [hbm4b:s22+s5], $0x10, $0x38;
	[tilespmem:$0x8EC0] =	vst v63  }
0x242: {  	s24 =	sadd.s32 $0x40, s17;
	s25 =	sadd.s32 $0x6EC0, s7  }
0x243: {  	[tilespmem:s25], [sflag:$0x1] =	stream.linear.gather [hbm4b:s24+s5], $0x10, $0x38;
	[tilespmem:$0x8EC0] =	vst v63  }
0x244: {  	s26 =	sadd.s32 $0x50, s17;
	s28 =	sadd.s32 $0x6F40, s7  }
0x245: {  	[tilespmem:s28], [sflag:$0x1] =	stream.linear.gather [hbm4b:s26+s5], $0x10, $0x38;
	[tilespmem:$0x8EC0] =	vst v63  }
0x246: {  	s8 =	sadd.s32 $0x7A1400, s8;
	s29 =	sadd.s32 $0x60, s17;
	s31 =	sadd.s32 $0x6FC0, s7  }
0x247: {  	[tilespmem:s31], [sflag:$0x1] =	stream.linear.gather [hbm4b:s29+s5], $0x10, $0x38;
	[tilespmem:$0x8EC0] =	vst v63  }
0x248: {  	s8 =	sshrl.u32 s8, $0x3;
	s12 =	sadd.s32 $0x70, s17;
	s13 =	sadd.s32 $0x7040, s7  }
0x249: {  	[tilespmem:s13], [sflag:$0x1] =	stream.linear.gather [hbm4b:s12+s5], $0x10, $0x38;
	[tilespmem:$0x8EC0] =	vst v63  }
0x24a: {  	s14 =	sadd.s32 $0x10C0, s7;
	s15 =	sadd.s32 s0, s8  }
0x24b: {  	[tilespmem:s14], [sflag:$0x1] =	stream.linear.gather [hbm4b:s15+s5], $0x10, $0x38;
	[tilespmem:$0x8EC0] =	vst v63  }
0x24c: {  	s16 =	sadd.s32 $0x10, s15;
	s17 =	sadd.s32 $0x1140, s7  }
0x24d: {  	[tilespmem:s17], [sflag:$0x1] =	stream.linear.gather [hbm4b:s16+s5], $0x10, $0x38;
	[tilespmem:$0x8EC0] =	vst v63  }
0x24e: {  	s18 =	sadd.s32 $0x20, s15;
	s19 =	sadd.s32 $0x11C0, s7  }
0x24f: {  	[tilespmem:s19], [sflag:$0x1] =	stream.linear.gather [hbm4b:s18+s5], $0x10, $0x38;
	[tilespmem:$0x8EC0] =	vst v63  }
0x250: {  	s20 =	sadd.s32 $0x30, s15;
	s21 =	sadd.s32 $0x1240, s7  }
0x251: {  	[tilespmem:s21], [sflag:$0x1] =	stream.linear.gather [hbm4b:s20+s5], $0x10, $0x38;
	[tilespmem:$0x8EC0] =	vst v63  }
0x252: {  	s22 =	sadd.s32 $0x40, s15;
	s23 =	sadd.s32 $0x12C0, s7  }
0x253: {  	[tilespmem:s23], [sflag:$0x1] =	stream.linear.gather [hbm4b:s22+s5], $0x10, $0x38;
	[tilespmem:$0x8EC0] =	vst v63  }
0x254: {  	s24 =	sadd.s32 $0x50, s15;
	s25 =	sadd.s32 $0x1340, s7  }
0x255: {  	[tilespmem:s25], [sflag:$0x1] =	stream.linear.gather [hbm4b:s24+s5], $0x10, $0x38;
	[tilespmem:$0x8EC0] =	vst v63  }
0x256: {  	s4 =	sadd.s32 $0x7A1400, s4;
	s26 =	sadd.s32 $0x60, s15;
	s28 =	sadd.s32 $0x13C0, s7  }
0x257: {  	[tilespmem:s28], [sflag:$0x1] =	stream.linear.gather [hbm4b:s26+s5], $0x10, $0x38;
	[tilespmem:$0x8EC0] =	vst v63  }
0x258: {  	s4 =	sshrl.u32 s4, $0x3;
	s29 =	sadd.s32 $0x70, s15;
	s31 =	sadd.s32 $0x1440, s7  }
0x259: {  	[tilespmem:s31], [sflag:$0x1] =	stream.linear.gather [hbm4b:s29+s5], $0x10, $0x38;
	[tilespmem:$0x8EC0] =	vst v63  }
0x25a: {  	s11 =	sadd.s32 $0x30C0, s7;
	s12 =	sadd.s32 s1, s4  }
0x25b: {  	[tilespmem:s11], [sflag:$0x1] =	stream.linear.gather [hbm4b:s12+s5], $0x10, $0x38;
	[tilespmem:$0x8EC0] =	vst v63  }
0x25c: {  	s13 =	sadd.s32 $0x10, s12;
	s14 =	sadd.s32 $0x3140, s7  }
0x25d: {  	[tilespmem:s14], [sflag:$0x1] =	stream.linear.gather [hbm4b:s13+s5], $0x10, $0x38;
	[tilespmem:$0x8EC0] =	vst v63  }
0x25e: {  	s15 =	sadd.s32 $0x20, s12;
	s16 =	sadd.s32 $0x31C0, s7  }
0x25f: {  	[tilespmem:s16], [sflag:$0x1] =	stream.linear.gather [hbm4b:s15+s5], $0x10, $0x38;
	[tilespmem:$0x8EC0] =	vst v63  }
0x260: {  	s17 =	sadd.s32 $0x30, s12;
	s18 =	sadd.s32 $0x3240, s7  }
0x261: {  	[tilespmem:s18], [sflag:$0x1] =	stream.linear.gather [hbm4b:s17+s5], $0x10, $0x38;
	[tilespmem:$0x8EC0] =	vst v63  }
0x262: {  	s19 =	sadd.s32 $0x40, s12;
	s20 =	sadd.s32 $0x32C0, s7  }
0x263: {  	[tilespmem:s20], [sflag:$0x1] =	stream.linear.gather [hbm4b:s19+s5], $0x10, $0x38;
	[tilespmem:$0x8EC0] =	vst v63  }
0x264: {  	s21 =	sadd.s32 $0x50, s12;
	s22 =	sadd.s32 $0x3340, s7  }
0x265: {  	[tilespmem:s22], [sflag:$0x1] =	stream.linear.gather [hbm4b:s21+s5], $0x10, $0x38;
	[tilespmem:$0x8EC0] =	vst v63  }
0x266: {  	s23 =	sadd.s32 $0x60, s12;
	s24 =	sadd.s32 $0x33C0, s7  }
0x267: {  	[tilespmem:s24], [sflag:$0x1] =	stream.linear.gather [hbm4b:s23+s5], $0x10, $0x38;
	[tilespmem:$0x8EC0] =	vst v63  }
0x268: {  	s25 =	sadd.s32 $0x70, s12;
	s26 =	sadd.s32 $0x3440, s7  }
0x269: {  	[tilespmem:s26], [sflag:$0x1] =	stream.linear.gather [hbm4b:s25+s5], $0x10, $0x38;
	[tilespmem:$0x8EC0] =	vst v63  }
0x26a: {  	s8 =	sadd.s32 s2, s8;
	s28 =	sadd.s32 $0x50C0, s7  }
0x26b: {  	[tilespmem:s28], [sflag:$0x1] =	stream.linear.gather [hbm4b:s8+s5], $0x10, $0x38;
	[tilespmem:$0x8EC0] =	vst v63  }
0x26c: {  	s29 =	sadd.s32 $0x10, s8;
	s31 =	sadd.s32 $0x5140, s7  }
0x26d: {  	[tilespmem:s31], [sflag:$0x1] =	stream.linear.gather [hbm4b:s29+s5], $0x10, $0x38;
	[tilespmem:$0x8EC0] =	vst v63  }
0x26e: {  	s10 =	sadd.s32 $0x20, s8;
	s11 =	sadd.s32 $0x51C0, s7  }
0x26f: {  	[tilespmem:s11], [sflag:$0x1] =	stream.linear.gather [hbm4b:s10+s5], $0x10, $0x38;
	[tilespmem:$0x8EC0] =	vst v63  }
0x270: {  	s12 =	sadd.s32 $0x30, s8;
	s13 =	sadd.s32 $0x5240, s7;
	s11 =	sld [smem:$0x7ED]  }
0x271: {  	[tilespmem:s13], [sflag:$0x1] =	stream.linear.gather [hbm4b:s12+s5], $0x10, $0x38;
	[tilespmem:$0x8EC0] =	vst v63  }
0x272: {  	s14 =	sadd.s32 $0x40, s8;
	s15 =	sadd.s32 $0x52C0, s7;
	s13 =	sld [smem:$0x7EE]  }
0x273: {  	[tilespmem:s15], [sflag:$0x1] =	stream.linear.gather [hbm4b:s14+s5], $0x10, $0x38;
	[tilespmem:$0x8EC0] =	vst v63  }
0x274: {  	s16 =	sadd.s32 $0x50, s8;
	s17 =	sadd.s32 $0x5340, s7;
	s15 =	sld [smem:$0x7EF]  }
0x275: {  	v0 =	vmov s11;
	[tilespmem:s17], [sflag:$0x1] =	stream.linear.gather [hbm4b:s16+s5], $0x10, $0x38;
	[tilespmem:$0x8EC0] =	vst v63  }
0x276: {  	[tilespmem:$0x1FED0] =	vst v0;
	v48 =	vmov s13;
	s16 =	sld [smem:$0x7F0]  }
0x277: {  	s18 =	sadd.s32 $0x60, s8;
	s19 =	sadd.s32 $0x53C0, s7;
	[tilespmem:$0x1FEE0] =	vst v48;
	s17 =	sld [smem:$0x7F1]  }
0x278: {  	v49 =	vmov s15;
	[tilespmem:s19], [sflag:$0x1] =	stream.linear.gather [hbm4b:s18+s5], $0x10, $0x38;
	[tilespmem:$0x8EC0] =	vst v63  }
0x279: {  	s20 =	sadd.s32 $0x5440, s7;
	s8 =	sadd.s32 $0x70, s8;
	[tilespmem:$0x1FEF0] =	vst v49;
	s18 =	sld [smem:$0x7F2]  }
0x27a: {  	v50 =	vmov s16;
	[tilespmem:s20], [sflag:$0x1] =	stream.linear.gather [hbm4b:s8+s5], $0x10, $0x38;
	[tilespmem:$0x8EC0] =	vst v63  }
0x27b: {  	s19 =	sld [smem:$0x7F3];
	v51 =	vmov s17;
	[tilespmem:$0x1FF00] =	vst v50  }
0x27c: {  	s4 =	sadd.s32 s3, s4;
	s21 =	sadd.s32 $0x70C0, s7;
	[tilespmem:$0x1FF10] =	vst v51;
	s20 =	sld [smem:$0x7F4]  }
0x27d: {  	v52 =	vmov s18;
	[tilespmem:s21], [sflag:$0x1] =	stream.linear.gather [hbm4b:s4+s5], $0x10, $0x38;
	[tilespmem:$0x8EC0] =	vst v63  }
0x27e: {  	s22 =	sadd.s32 $0x7140, s7;
	s23 =	sadd.s32 $0x10, s4;
	[tilespmem:$0x1FF20] =	vst v52;
	s21 =	sld [smem:$0x7F5]  }
0x27f: {  	v53 =	vmov s19;
	[tilespmem:s22], [sflag:$0x1] =	stream.linear.gather [hbm4b:s23+s5], $0x10, $0x38;
	[tilespmem:$0x8EC0] =	vst v63  }
0x280: {  	[tilespmem:$0x1FF30] =	vst v53;
	v54 =	vmov s20;
	s22 =	sld [smem:$0x7F6]  }
0x281: {  	s24 =	sadd.s32 $0x71C0, s7;
	s25 =	sadd.s32 $0x20, s4;
	[tilespmem:$0x1FF40] =	vst v54;
	s23 =	sld [smem:$0x7F7]  }
0x282: {  	v55 =	vmov s21;
	[tilespmem:s24], [sflag:$0x1] =	stream.linear.gather [hbm4b:s25+s5], $0x10, $0x38;
	[tilespmem:$0x8EC0] =	vst v63  }
0x283: {  	s26 =	sadd.s32 $0x7240, s7;
	s28 =	sadd.s32 $0x30, s4;
	[tilespmem:$0x1FF50] =	vst v55;
	s24 =	sld [smem:$0x7F8]  }
0x284: {  	v56 =	vmov s22;
	[tilespmem:s26], [sflag:$0x1] =	stream.linear.gather [hbm4b:s28+s5], $0x10, $0x38;
	[tilespmem:$0x8EC0] =	vst v63  }
0x285: {  	s25 =	sld [smem:$0x7F9];
	v57 =	vmov s23;
	[tilespmem:$0x1FF60] =	vst v56  }
0x286: {  	s29 =	sadd.s32 $0x72C0, s7;
	s31 =	sadd.s32 $0x40, s4;
	[tilespmem:$0x1FF70] =	vst v57;
	s26 =	sld [smem:$0x7FA]  }
0x287: {  	v58 =	vmov s24;
	[tilespmem:s29], [sflag:$0x1] =	stream.linear.gather [hbm4b:s31+s5], $0x10, $0x38;
	[tilespmem:$0x8EC0] =	vst v63  }
0x288: {  	s28 =	sld [smem:$0x7FB];
	v59 =	vmov s25;
	[tilespmem:$0x1FF80] =	vst v58  }
0x289: {  	s9 =	sadd.s32 $0x7340, s7;
	s10 =	sadd.s32 $0x50, s4;
	[tilespmem:$0x1FF90] =	vst v59;
	s29 =	sld [smem:$0x7FC]  }
0x28a: {  	v60 =	vmov s26;
	[tilespmem:s9], [sflag:$0x1] =	stream.linear.gather [hbm4b:s10+s5], $0x10, $0x38;
	[tilespmem:$0x8EC0] =	vst v63  }
0x28b: {  	v61 =	vmov s28;
	[tilespmem:$0x1FFA0] =	vst v60  }
0x28c: {  	s12 =	sadd.s32 $0x73C0, s7;
	s14 =	sadd.s32 $0x60, s4;
	s31 =	sld [smem:$0x7FD];
	[tilespmem:$0x1FFB0] =	vst v61  }
0x28d: {  	v62 =	vmov s29;
	[tilespmem:s12], [sflag:$0x1] =	stream.linear.gather [hbm4b:s14+s5], $0x10, $0x38;
	[tilespmem:$0x8EC0] =	vst v63  }
0x28e: {  	s7 =	sadd.s32 $0x7440, s7;
	s4 =	sadd.s32 $0x70, s4;
	[tilespmem:$0x1FFC0] =	vst v62  }
0x28f: {  	v63 =	vmov s31;
	[tilespmem:s7], [sflag:$0x1] =	stream.linear.gather [hbm4b:s4+s5], $0x10, $0x38;
	[tilespmem:$0x8EC0] =	vst v63  }
0x290: {  	s8 =	simm.s32 $0x210;
	s9 =	simm.s32 $0x0;
	[tilespmem:$0x1FFD0] =	vst v63;
	s7 =	simm.s32 $0x10  }
.LBB2_4:
0x291: {  	p0 =	seq.s32 s9, $0x1F  }
.Ltmp1:
0x292: {  	_ = 	snop;
	(pc) =	sbr.rel @p0 .LBB2_8-.Ltmp1, $2  }
0x293: {  	_ =	sdelay $0x2  }
0x294: {  	s13 =	sand.u32 $0x1, s9  }
0x295: {  	s11 =	sld [smem:s7+$0x0]  }
0x296: {  	s10 =	sxor.u32 $0x1, s13  }
0x297: {  	s14 =	simm.s32 $0x0;
	s4 =	sshll.u32 s10, $0xC  }
0x298: {  	s15 =	sand.u32 $0x800, s14;
	[dreg:$0xc] =	wrdreg s4;
	s25 =	sshll.u32 s11, $0x3  }
0x299: {  	s12 =	rddreg [dreg:$0xc];
	s11 =	sand.u32 $0x70, s11;
	s4 =	sand.u32 $0xFFFFFC00, s25  }
0x29a: {  	s26 =	sand.u32 $0x70, s14;
	s12 =	sor.u32 s12, s15;
	s4 =	sor.u32 s11, s4  }
0x29b: {  	s15 =	sor.u32 s26, s12;
	s16 =	sshrl.u32 s4, $0x3  }
0x29c: {  	s14 =	sadd.s32 $0x1, s10;
	s28 =	sadd.s32 $0xCC0, s15;
	s11 =	sadd.s32 s0, s16  }
0x29d: {  	[tilespmem:s28], [sflag:s14] =	stream.linear.gather [hbm4b:s11+s5], $0x10, $0x38;
	[tilespmem:$0x8EC0] =	vst v63  }
0x29e: {  	s31 =	sld [smem:s8+$0x0];
	s12 =	sadd.s32 $0xD40, s15;
	s29 =	sadd.s32 $0x10, s11  }
0x29f: {  	[tilespmem:s12], [sflag:s14] =	stream.linear.gather [hbm4b:s29+s5], $0x10, $0x38;
	[tilespmem:$0x8EC0] =	vst v63  }
0x2a0: {  	s19 =	sadd.s32 $0xDC0, s15;
	s17 =	sadd.s32 $0x20, s11  }
0x2a1: {  	[tilespmem:s19], [sflag:s14] =	stream.linear.gather [hbm4b:s17+s5], $0x10, $0x38;
	[tilespmem:$0x8EC0] =	vst v63  }
0x2a2: {  	s23 =	sshll.u32 s31, $0x3;
	s21 =	sadd.s32 $0xE40, s15;
	s18 =	sadd.s32 $0x30, s11  }
0x2a3: {  	[tilespmem:s21], [sflag:s14] =	stream.linear.gather [hbm4b:s18+s5], $0x10, $0x38;
	[tilespmem:$0x8EC0] =	vst v63  }
0x2a4: {  	s10 =	sand.u32 $0x70, s31;
	s22 =	sadd.s32 $0xEC0, s15;
	s19 =	sadd.s32 $0x40, s11  }
0x2a5: {  	[tilespmem:s22], [sflag:s14] =	stream.linear.gather [hbm4b:s19+s5], $0x10, $0x38;
	[tilespmem:$0x8EC0] =	vst v63  }
0x2a6: {  	s24 =	sand.u32 $0xFFFFFC00, s23;
	s20 =	sadd.s32 $0xF40, s15;
	s25 =	sadd.s32 $0x50, s11  }
0x2a7: {  	[tilespmem:s20], [sflag:s14] =	stream.linear.gather [hbm4b:s25+s5], $0x10, $0x38;
	[tilespmem:$0x8EC0] =	vst v63  }
0x2a8: {  	s10 =	sor.u32 s10, s24;
	s26 =	sadd.s32 $0xFC0, s15;
	s28 =	sadd.s32 $0x60, s11  }
0x2a9: {  	[tilespmem:s26], [sflag:s14] =	stream.linear.gather [hbm4b:s28+s5], $0x10, $0x38;
	[tilespmem:$0x8EC0] =	vst v63  }
0x2aa: {  	s29 =	sadd.s32 $0x1040, s15;
	s11 =	sadd.s32 $0x70, s11;
	s17 =	sshrl.u32 s10, $0x3  }
0x2ab: {  	[tilespmem:s29], [sflag:s14] =	stream.linear.gather [hbm4b:s11+s5], $0x10, $0x38;
	[tilespmem:$0x8EC0] =	vst v63  }
0x2ac: {  	s31 =	sadd.s32 $0x2CC0, s15;
	s12 =	sadd.s32 s1, s17  }
0x2ad: {  	[tilespmem:s31], [sflag:s14] =	stream.linear.gather [hbm4b:s12+s5], $0x10, $0x38;
	[tilespmem:$0x8EC0] =	vst v63  }
0x2ae: {  	s18 =	sadd.s32 $0x10, s12;
	s19 =	sadd.s32 $0x2D40, s15  }
0x2af: {  	[tilespmem:s19], [sflag:s14] =	stream.linear.gather [hbm4b:s18+s5], $0x10, $0x38;
	[tilespmem:$0x8EC0] =	vst v63  }
0x2b0: {  	s21 =	sadd.s32 $0x2DC0, s15;
	s20 =	sadd.s32 $0x20, s12  }
0x2b1: {  	[tilespmem:s21], [sflag:s14] =	stream.linear.gather [hbm4b:s20+s5], $0x10, $0x38;
	[tilespmem:$0x8EC0] =	vst v63  }
0x2b2: {  	s23 =	sadd.s32 $0x2E40, s15;
	s22 =	sadd.s32 $0x30, s12  }
0x2b3: {  	[tilespmem:s23], [sflag:s14] =	stream.linear.gather [hbm4b:s22+s5], $0x10, $0x38;
	[tilespmem:$0x8EC0] =	vst v63  }
0x2b4: {  	s24 =	sadd.s32 $0x40, s12;
	s25 =	sadd.s32 $0x2EC0, s15  }
0x2b5: {  	[tilespmem:s25], [sflag:s14] =	stream.linear.gather [hbm4b:s24+s5], $0x10, $0x38;
	[tilespmem:$0x8EC0] =	vst v63  }
0x2b6: {  	s26 =	sadd.s32 $0x50, s12;
	s28 =	sadd.s32 $0x2F40, s15  }
0x2b7: {  	[tilespmem:s28], [sflag:s14] =	stream.linear.gather [hbm4b:s26+s5], $0x10, $0x38;
	[tilespmem:$0x8EC0] =	vst v63  }
0x2b8: {  	s29 =	sadd.s32 $0x60, s12;
	s31 =	sadd.s32 $0x2FC0, s15  }
0x2b9: {  	[tilespmem:s31], [sflag:s14] =	stream.linear.gather [hbm4b:s29+s5], $0x10, $0x38;
	[tilespmem:$0x8EC0] =	vst v63  }
0x2ba: {  	s19 =	sadd.s32 $0x70, s12;
	s20 =	sadd.s32 $0x3040, s15  }
0x2bb: {  	[tilespmem:s20], [sflag:s14] =	stream.linear.gather [hbm4b:s19+s5], $0x10, $0x38;
	[tilespmem:$0x8EC0] =	vst v63  }
0x2bc: {  	s12 =	sadd.s32 s2, s16;
	s21 =	sadd.s32 $0x4CC0, s15  }
0x2bd: {  	[tilespmem:s21], [sflag:s14] =	stream.linear.gather [hbm4b:s12+s5], $0x10, $0x38;
	[tilespmem:$0x8EC0] =	vst v63  }
0x2be: {  	s22 =	sadd.s32 $0x10, s12;
	s23 =	sadd.s32 $0x4D40, s15  }
0x2bf: {  	[tilespmem:s23], [sflag:s14] =	stream.linear.gather [hbm4b:s22+s5], $0x10, $0x38;
	[tilespmem:$0x8EC0] =	vst v63  }
0x2c0: {  	s24 =	sadd.s32 $0x20, s12;
	s25 =	sadd.s32 $0x4DC0, s15  }
0x2c1: {  	[tilespmem:s25], [sflag:s14] =	stream.linear.gather [hbm4b:s24+s5], $0x10, $0x38;
	[tilespmem:$0x8EC0] =	vst v63  }
0x2c2: {  	s26 =	sadd.s32 $0x30, s12;
	s28 =	sadd.s32 $0x4E40, s15  }
0x2c3: {  	[tilespmem:s28], [sflag:s14] =	stream.linear.gather [hbm4b:s26+s5], $0x10, $0x38;
	[tilespmem:$0x8EC0] =	vst v63  }
0x2c4: {  	s29 =	sadd.s32 $0x40, s12;
	s31 =	sadd.s32 $0x4EC0, s15  }
0x2c5: {  	[tilespmem:s31], [sflag:s14] =	stream.linear.gather [hbm4b:s29+s5], $0x10, $0x38;
	[tilespmem:$0x8EC0] =	vst v63  }
0x2c6: {  	s18 =	sadd.s32 $0x50, s12;
	s19 =	sadd.s32 $0x4F40, s15  }
0x2c7: {  	[tilespmem:s19], [sflag:s14] =	stream.linear.gather [hbm4b:s18+s5], $0x10, $0x38;
	[tilespmem:$0x8EC0] =	vst v63  }
0x2c8: {  	s20 =	sadd.s32 $0x60, s12;
	s21 =	sadd.s32 $0x4FC0, s15  }
0x2c9: {  	[tilespmem:s21], [sflag:s14] =	stream.linear.gather [hbm4b:s20+s5], $0x10, $0x38;
	[tilespmem:$0x8EC0] =	vst v63  }
0x2ca: {  	s22 =	sadd.s32 $0x70, s12;
	s23 =	sadd.s32 $0x5040, s15  }
0x2cb: {  	[tilespmem:s23], [sflag:s14] =	stream.linear.gather [hbm4b:s22+s5], $0x10, $0x38;
	[tilespmem:$0x8EC0] =	vst v63  }
0x2cc: {  	s24 =	sadd.s32 $0x6CC0, s15;
	s25 =	sadd.s32 s3, s17  }
0x2cd: {  	[tilespmem:s24], [sflag:s14] =	stream.linear.gather [hbm4b:s25+s5], $0x10, $0x38;
	[tilespmem:$0x8EC0] =	vst v63  }
0x2ce: {  	s26 =	sadd.s32 $0x10, s25;
	s28 =	sadd.s32 $0x6D40, s15  }
0x2cf: {  	[tilespmem:s28], [sflag:s14] =	stream.linear.gather [hbm4b:s26+s5], $0x10, $0x38;
	[tilespmem:$0x8EC0] =	vst v63  }
0x2d0: {  	s29 =	sadd.s32 $0x20, s25;
	s31 =	sadd.s32 $0x6DC0, s15  }
0x2d1: {  	[tilespmem:s31], [sflag:s14] =	stream.linear.gather [hbm4b:s29+s5], $0x10, $0x38;
	[tilespmem:$0x8EC0] =	vst v63  }
0x2d2: {  	s17 =	sadd.s32 $0x6E40, s15;
	s16 =	sadd.s32 $0x30, s25  }
0x2d3: {  	[tilespmem:s17], [sflag:s14] =	stream.linear.gather [hbm4b:s16+s5], $0x10, $0x38;
	[tilespmem:$0x8EC0] =	vst v63  }
0x2d4: {  	s18 =	sadd.s32 $0x40, s25;
	s19 =	sadd.s32 $0x6EC0, s15  }
0x2d5: {  	[tilespmem:s19], [sflag:s14] =	stream.linear.gather [hbm4b:s18+s5], $0x10, $0x38;
	[tilespmem:$0x8EC0] =	vst v63  }
0x2d6: {  	s20 =	sadd.s32 $0x50, s25;
	s21 =	sadd.s32 $0x6F40, s15  }
0x2d7: {  	[tilespmem:s21], [sflag:s14] =	stream.linear.gather [hbm4b:s20+s5], $0x10, $0x38;
	[tilespmem:$0x8EC0] =	vst v63  }
0x2d8: {  	s4 =	sadd.s32 $0x7A1400, s4;
	s22 =	sadd.s32 $0x60, s25;
	s23 =	sadd.s32 $0x6FC0, s15  }
0x2d9: {  	[tilespmem:s23], [sflag:s14] =	stream.linear.gather [hbm4b:s22+s5], $0x10, $0x38;
	[tilespmem:$0x8EC0] =	vst v63  }
0x2da: {  	s4 =	sshrl.u32 s4, $0x3;
	s24 =	sadd.s32 $0x70, s25;
	s25 =	sadd.s32 $0x7040, s15  }
0x2db: {  	[tilespmem:s25], [sflag:s14] =	stream.linear.gather [hbm4b:s24+s5], $0x10, $0x38;
	[tilespmem:$0x8EC0] =	vst v63  }
0x2dc: {  	s26 =	sadd.s32 $0x10C0, s15;
	s28 =	sadd.s32 s0, s4  }
0x2dd: {  	[tilespmem:s26], [sflag:s14] =	stream.linear.gather [hbm4b:s28+s5], $0x10, $0x38;
	[tilespmem:$0x8EC0] =	vst v63  }
0x2de: {  	s29 =	sadd.s32 $0x10, s28;
	s31 =	sadd.s32 $0x1140, s15  }
0x2df: {  	[tilespmem:s31], [sflag:s14] =	stream.linear.gather [hbm4b:s29+s5], $0x10, $0x38;
	[tilespmem:$0x8EC0] =	vst v63  }
0x2e0: {  	s16 =	sadd.s32 $0x20, s28;
	s17 =	sadd.s32 $0x11C0, s15  }
0x2e1: {  	[tilespmem:s17], [sflag:s14] =	stream.linear.gather [hbm4b:s16+s5], $0x10, $0x38;
	[tilespmem:$0x8EC0] =	vst v63  }
0x2e2: {  	s18 =	sadd.s32 $0x30, s28;
	s19 =	sadd.s32 $0x1240, s15  }
0x2e3: {  	[tilespmem:s19], [sflag:s14] =	stream.linear.gather [hbm4b:s18+s5], $0x10, $0x38;
	[tilespmem:$0x8EC0] =	vst v63  }
0x2e4: {  	s20 =	sadd.s32 $0x40, s28;
	s21 =	sadd.s32 $0x12C0, s15  }
0x2e5: {  	[tilespmem:s21], [sflag:s14] =	stream.linear.gather [hbm4b:s20+s5], $0x10, $0x38;
	[tilespmem:$0x8EC0] =	vst v63  }
0x2e6: {  	s22 =	sadd.s32 $0x50, s28;
	s23 =	sadd.s32 $0x1340, s15  }
0x2e7: {  	[tilespmem:s23], [sflag:s14] =	stream.linear.gather [hbm4b:s22+s5], $0x10, $0x38;
	[tilespmem:$0x8EC0] =	vst v63  }
0x2e8: {  	s10 =	sadd.s32 $0x7A1400, s10;
	s24 =	sadd.s32 $0x60, s28;
	s25 =	sadd.s32 $0x13C0, s15  }
0x2e9: {  	[tilespmem:s25], [sflag:s14] =	stream.linear.gather [hbm4b:s24+s5], $0x10, $0x38;
	[tilespmem:$0x8EC0] =	vst v63  }
0x2ea: {  	s10 =	sshrl.u32 s10, $0x3;
	s26 =	sadd.s32 $0x70, s28;
	s28 =	sadd.s32 $0x1440, s15  }
0x2eb: {  	[tilespmem:s28], [sflag:s14] =	stream.linear.gather [hbm4b:s26+s5], $0x10, $0x38;
	[tilespmem:$0x8EC0] =	vst v63  }
0x2ec: {  	s29 =	sadd.s32 $0x30C0, s15;
	s31 =	sadd.s32 s1, s10  }
0x2ed: {  	[tilespmem:s29], [sflag:s14] =	stream.linear.gather [hbm4b:s31+s5], $0x10, $0x38;
	[tilespmem:$0x8EC0] =	vst v63  }
0x2ee: {  	s16 =	sadd.s32 $0x10, s31;
	s17 =	sadd.s32 $0x3140, s15  }
0x2ef: {  	[tilespmem:s17], [sflag:s14] =	stream.linear.gather [hbm4b:s16+s5], $0x10, $0x38;
	[tilespmem:$0x8EC0] =	vst v63  }
0x2f0: {  	s18 =	sadd.s32 $0x20, s31;
	s19 =	sadd.s32 $0x31C0, s15  }
0x2f1: {  	[tilespmem:s19], [sflag:s14] =	stream.linear.gather [hbm4b:s18+s5], $0x10, $0x38;
	[tilespmem:$0x8EC0] =	vst v63  }
0x2f2: {  	s20 =	sadd.s32 $0x30, s31;
	s21 =	sadd.s32 $0x3240, s15  }
0x2f3: {  	[tilespmem:s21], [sflag:s14] =	stream.linear.gather [hbm4b:s20+s5], $0x10, $0x38;
	[tilespmem:$0x8EC0] =	vst v63  }
0x2f4: {  	s22 =	sadd.s32 $0x40, s31;
	s23 =	sadd.s32 $0x32C0, s15  }
0x2f5: {  	[tilespmem:s23], [sflag:s14] =	stream.linear.gather [hbm4b:s22+s5], $0x10, $0x38;
	[tilespmem:$0x8EC0] =	vst v63  }
0x2f6: {  	s24 =	sadd.s32 $0x50, s31;
	s25 =	sadd.s32 $0x3340, s15  }
0x2f7: {  	[tilespmem:s25], [sflag:s14] =	stream.linear.gather [hbm4b:s24+s5], $0x10, $0x38;
	[tilespmem:$0x8EC0] =	vst v63  }
0x2f8: {  	s26 =	sadd.s32 $0x60, s31;
	s28 =	sadd.s32 $0x33C0, s15  }
0x2f9: {  	[tilespmem:s28], [sflag:s14] =	stream.linear.gather [hbm4b:s26+s5], $0x10, $0x38;
	[tilespmem:$0x8EC0] =	vst v63  }
0x2fa: {  	s29 =	sadd.s32 $0x70, s31;
	s31 =	sadd.s32 $0x3440, s15  }
0x2fb: {  	[tilespmem:s31], [sflag:s14] =	stream.linear.gather [hbm4b:s29+s5], $0x10, $0x38;
	[tilespmem:$0x8EC0] =	vst v63  }
0x2fc: {  	s12 =	sadd.s32 $0x50C0, s15;
	s4 =	sadd.s32 s2, s4  }
0x2fd: {  	[tilespmem:s12], [sflag:s14] =	stream.linear.gather [hbm4b:s4+s5], $0x10, $0x38;
	[tilespmem:$0x8EC0] =	vst v63  }
0x2fe: {  	s11 =	simm.s32 $0x100;
	s16 =	sadd.s32 $0x10, s4;
	s17 =	sadd.s32 $0x5140, s15  }
0x2ff: {  	[tilespmem:s17], [sflag:s14] =	stream.linear.gather [hbm4b:s16+s5], $0x10, $0x38;
	[tilespmem:$0x8EC0] =	vst v63  }
0x300: {  	s18 =	sadd.s32 $0x20, s4;
	s19 =	sadd.s32 $0x51C0, s15;
	s20 =	sadd.s32 $0x30, s4  }
0x301: {  	[tilespmem:s19], [sflag:s14] =	stream.linear.gather [hbm4b:s18+s5], $0x10, $0x38;
	[tilespmem:$0x8EC0] =	vst v63  }
0x302: {  	s21 =	sadd.s32 $0x5240, s15;
	s22 =	sadd.s32 $0x40, s4;
	s23 =	sadd.s32 $0x52C0, s15  }
0x303: {  	[tilespmem:s21], [sflag:s14] =	stream.linear.gather [hbm4b:s20+s5], $0x10, $0x38;
	[tilespmem:$0x8EC0] =	vst v63  }
0x304: {  	s24 =	sadd.s32 $0x50, s4;
	s25 =	sadd.s32 $0x5340, s15;
	s26 =	sadd.s32 $0x60, s4  }
0x305: {  	[tilespmem:s23], [sflag:s14] =	stream.linear.gather [hbm4b:s22+s5], $0x10, $0x38;
	[tilespmem:$0x8EC0] =	vst v63  }
0x306: {  	s28 =	sadd.s32 $0x53C0, s15;
	s29 =	sadd.s32 $0x5440, s15;
	s31 =	sadd.s32 $0x70C0, s15  }
0x307: {  	[tilespmem:s25], [sflag:s14] =	stream.linear.gather [hbm4b:s24+s5], $0x10, $0x38;
	[tilespmem:$0x8EC0] =	vst v63  }
0x308: {  	s4 =	sadd.s32 $0x70, s4;
	s12 =	sadd.s32 $0x1, s7;
	s17 =	simm.s32 $0x10  }
0x309: {  	[tilespmem:s28], [sflag:s14] =	stream.linear.gather [hbm4b:s26+s5], $0x10, $0x38;
	[tilespmem:$0x8EC0] =	vst v63  }
0x30a: {  	s18 =	sadd.s32 s3, s10;
	s19 =	sld [smem:s12+$0x0];
	s10 =	smov.u32 s8  }
0x30b: {  	[tilespmem:s29], [sflag:s14] =	stream.linear.gather [hbm4b:s4+s5], $0x10, $0x38;
	[tilespmem:$0x8EC0] =	vst v63  }
0x30c: {  	s21 =	simm.s32 $0x20;
	s20 =	sadd.s32 $0x7140, s15;
	s22 =	sadd.s32 $0x10, s18  }
0x30d: {  	[tilespmem:s31], [sflag:s14] =	stream.linear.gather [hbm4b:s18+s5], $0x10, $0x38;
	[tilespmem:$0x8EC0] =	vst v63  }
.LBB2_6:
0x30e: {  	s10 =	sadd.s32 $0x1, s10  }
0x30f: {  	[tilespmem:s20], [sflag:s14] =	stream.linear.gather [hbm4b:s22+s5], $0x10, $0x38;
	[tilespmem:$0x8EC0] =	vst v63  }
0x310: {  	s4 =	smov.u32 s21;
	s16 =	sadd.s32 $0x10, s21;
	s20 =	sand.u32 $0x800, s11  }
0x311: {  	s28 =	sadd.s32 $0x20, s18;
	s24 =	sadd.s32 $0x71C0, s15;
	s29 =	sadd.s32 $0x30, s18  }
0x312: {  	[tilespmem:s24], [sflag:s14] =	stream.linear.gather [hbm4b:s28+s5], $0x10, $0x38;
	[tilespmem:$0x8EC0] =	vst v63  }
0x313: {  	s31 =	sadd.s32 $0x7240, s15;
	s25 =	sadd.s32 $0x73C0, s15;
	s26 =	sadd.s32 $0x7340, s15  }
0x314: {  	[tilespmem:s31], [sflag:s14] =	stream.linear.gather [hbm4b:s29+s5], $0x10, $0x38;
	[tilespmem:$0x8EC0] =	vst v63  }
0x315: {  	s23 =	sshll.u32 s19, $0x3;
	s24 =	sadd.s32 $0x40, s18;
	s28 =	sadd.s32 $0x72C0, s15  }
0x316: {  	[tilespmem:s28], [sflag:s14] =	stream.linear.gather [hbm4b:s24+s5], $0x10, $0x38;
	[tilespmem:$0x8EC0] =	vst v63  }
0x317: {  	s29 =	sand.u32 $0x70, s19;
	s31 =	sand.u32 $0xFFFFFC00, s23;
	s24 =	sadd.s32 $0x50, s18  }
0x318: {  	[tilespmem:s26], [sflag:s14] =	stream.linear.gather [hbm4b:s24+s5], $0x10, $0x38;
	[tilespmem:$0x8EC0] =	vst v63  }
0x319: {  	s22 =	sor.u32 s29, s31;
	s28 =	sadd.s32 $0x60, s18;
	s26 =	rddreg [dreg:$0xc]  }
0x31a: {  	[tilespmem:s25], [sflag:s14] =	stream.linear.gather [hbm4b:s28+s5], $0x10, $0x38;
	[tilespmem:$0x8EC0] =	vst v63  }
0x31b: {  	s29 =	sadd.s32 $0x70, s18;
	s24 =	sand.u32 $0x70, s17;
	s25 =	sor.u32 s26, s20  }
0x31c: {  	s31 =	sadd.s32 $0x7440, s15;
	s20 =	sshrl.u32 s22, $0x3;
	s15 =	sor.u32 s24, s25  }
0x31d: {  	[tilespmem:s31], [sflag:s14] =	stream.linear.gather [hbm4b:s29+s5], $0x10, $0x38;
	[tilespmem:$0x8EC0] =	vst v63  }
0x31e: {  	p0 =	sne.s32 s21, $0xF0;
	s21 =	sadd.s32 s0, s20;
	s17 =	sadd.s32 $0xCC0, s15  }
0x31f: {  	[tilespmem:s17], [sflag:s14] =	stream.linear.gather [hbm4b:s21+s5], $0x10, $0x38;
	[tilespmem:$0x8EC0] =	vst v63  }
0x320: {  	s19 =	sadd.s32 $0x7A1400, s22;
	s26 =	sadd.s32 $0x10, s21;
	s28 =	sadd.s32 $0xD40, s15  }
0x321: {  	[tilespmem:s28], [sflag:s14] =	stream.linear.gather [hbm4b:s26+s5], $0x10, $0x38;
	[tilespmem:$0x8EC0] =	vst v63  }
0x322: {  	s18 =	sld [smem:s10+$0x0];
	s22 =	sadd.s32 $0xDC0, s15;
	s29 =	sadd.s32 $0x20, s21  }
0x323: {  	[tilespmem:s22], [sflag:s14] =	stream.linear.gather [hbm4b:s29+s5], $0x10, $0x38;
	[tilespmem:$0x8EC0] =	vst v63  }
0x324: {  	s24 =	sadd.s32 $0xF40, s15;
	s31 =	sadd.s32 $0xE40, s15;
	s26 =	sadd.s32 $0x30, s21  }
0x325: {  	[tilespmem:s31], [sflag:s14] =	stream.linear.gather [hbm4b:s26+s5], $0x10, $0x38;
	[tilespmem:$0x8EC0] =	vst v63  }
0x326: {  	s25 =	sadd.s32 $0xEC0, s15;
	s28 =	sshll.u32 s18, $0x3;
	s29 =	sadd.s32 $0x40, s21  }
0x327: {  	[tilespmem:s25], [sflag:s14] =	stream.linear.gather [hbm4b:s29+s5], $0x10, $0x38;
	[tilespmem:$0x8EC0] =	vst v63  }
0x328: {  	s18 =	sand.u32 $0x70, s18;
	s31 =	sand.u32 $0xFFFFFC00, s28;
	s26 =	sadd.s32 $0x50, s21  }
0x329: {  	[tilespmem:s24], [sflag:s14] =	stream.linear.gather [hbm4b:s26+s5], $0x10, $0x38;
	[tilespmem:$0x8EC0] =	vst v63  }
0x32a: {  	s28 =	sadd.s32 $0xFC0, s15;
	s18 =	sor.u32 s18, s31;
	s29 =	sadd.s32 $0x60, s21  }
0x32b: {  	[tilespmem:s28], [sflag:s14] =	stream.linear.gather [hbm4b:s29+s5], $0x10, $0x38;
	[tilespmem:$0x8EC0] =	vst v63  }
0x32c: {  	s22 =	sadd.s32 $0x70, s21;
	s31 =	sadd.s32 $0x1040, s15;
	s21 =	sshrl.u32 s18, $0x3  }
0x32d: {  	[tilespmem:s31], [sflag:s14] =	stream.linear.gather [hbm4b:s22+s5], $0x10, $0x38;
	[tilespmem:$0x8EC0] =	vst v63  }
0x32e: {  	s25 =	sadd.s32 $0x2CC0, s15;
	s24 =	sadd.s32 s1, s21  }
0x32f: {  	[tilespmem:s25], [sflag:s14] =	stream.linear.gather [hbm4b:s24+s5], $0x10, $0x38;
	[tilespmem:$0x8EC0] =	vst v63  }
0x330: {  	s26 =	sadd.s32 $0x10, s24;
	s28 =	sadd.s32 $0x2D40, s15  }
0x331: {  	[tilespmem:s28], [sflag:s14] =	stream.linear.gather [hbm4b:s26+s5], $0x10, $0x38;
	[tilespmem:$0x8EC0] =	vst v63  }
0x332: {  	s29 =	sadd.s32 $0x20, s24;
	s31 =	sadd.s32 $0x2DC0, s15  }
0x333: {  	[tilespmem:s31], [sflag:s14] =	stream.linear.gather [hbm4b:s29+s5], $0x10, $0x38;
	[tilespmem:$0x8EC0] =	vst v63  }
0x334: {  	s23 =	sadd.s32 $0x30, s24;
	s28 =	sadd.s32 $0x2E40, s15  }
0x335: {  	[tilespmem:s28], [sflag:s14] =	stream.linear.gather [hbm4b:s23+s5], $0x10, $0x38;
	[tilespmem:$0x8EC0] =	vst v63  }
0x336: {  	s29 =	sadd.s32 $0x40, s24;
	s31 =	sadd.s32 $0x2EC0, s15  }
0x337: {  	[tilespmem:s31], [sflag:s14] =	stream.linear.gather [hbm4b:s29+s5], $0x10, $0x38;
	[tilespmem:$0x8EC0] =	vst v63  }
0x338: {  	s26 =	sadd.s32 $0x50, s24;
	s28 =	sadd.s32 $0x2F40, s15  }
0x339: {  	[tilespmem:s28], [sflag:s14] =	stream.linear.gather [hbm4b:s26+s5], $0x10, $0x38;
	[tilespmem:$0x8EC0] =	vst v63  }
0x33a: {  	s29 =	sadd.s32 $0x60, s24;
	s31 =	sadd.s32 $0x2FC0, s15  }
0x33b: {  	[tilespmem:s31], [sflag:s14] =	stream.linear.gather [hbm4b:s29+s5], $0x10, $0x38;
	[tilespmem:$0x8EC0] =	vst v63  }
0x33c: {  	s22 =	sadd.s32 $0x70, s24;
	s24 =	sadd.s32 $0x3040, s15  }
0x33d: {  	[tilespmem:s24], [sflag:s14] =	stream.linear.gather [hbm4b:s22+s5], $0x10, $0x38;
	[tilespmem:$0x8EC0] =	vst v63  }
0x33e: {  	s20 =	sadd.s32 s2, s20;
	s25 =	sadd.s32 $0x4CC0, s15  }
0x33f: {  	[tilespmem:s25], [sflag:s14] =	stream.linear.gather [hbm4b:s20+s5], $0x10, $0x38;
	[tilespmem:$0x8EC0] =	vst v63  }
0x340: {  	s26 =	sadd.s32 $0x10, s20;
	s28 =	sadd.s32 $0x4D40, s15  }
0x341: {  	[tilespmem:s28], [sflag:s14] =	stream.linear.gather [hbm4b:s26+s5], $0x10, $0x38;
	[tilespmem:$0x8EC0] =	vst v63  }
0x342: {  	s29 =	sadd.s32 $0x20, s20;
	s31 =	sadd.s32 $0x4DC0, s15  }
0x343: {  	[tilespmem:s31], [sflag:s14] =	stream.linear.gather [hbm4b:s29+s5], $0x10, $0x38;
	[tilespmem:$0x8EC0] =	vst v63  }
0x344: {  	s22 =	sadd.s32 $0x30, s20;
	s25 =	sadd.s32 $0x4E40, s15  }
0x345: {  	[tilespmem:s25], [sflag:s14] =	stream.linear.gather [hbm4b:s22+s5], $0x10, $0x38;
	[tilespmem:$0x8EC0] =	vst v63  }
0x346: {  	s26 =	sadd.s32 $0x40, s20;
	s28 =	sadd.s32 $0x4EC0, s15  }
0x347: {  	[tilespmem:s28], [sflag:s14] =	stream.linear.gather [hbm4b:s26+s5], $0x10, $0x38;
	[tilespmem:$0x8EC0] =	vst v63  }
0x348: {  	s29 =	sadd.s32 $0x50, s20;
	s31 =	sadd.s32 $0x4F40, s15  }
0x349: {  	[tilespmem:s31], [sflag:s14] =	stream.linear.gather [hbm4b:s29+s5], $0x10, $0x38;
	[tilespmem:$0x8EC0] =	vst v63  }
0x34a: {  	s25 =	sadd.s32 $0x60, s20;
	s26 =	sadd.s32 $0x4FC0, s15  }
0x34b: {  	[tilespmem:s26], [sflag:s14] =	stream.linear.gather [hbm4b:s25+s5], $0x10, $0x38;
	[tilespmem:$0x8EC0] =	vst v63  }
0x34c: {  	s28 =	sadd.s32 $0x70, s20;
	s29 =	sadd.s32 $0x5040, s15  }
0x34d: {  	[tilespmem:s29], [sflag:s14] =	stream.linear.gather [hbm4b:s28+s5], $0x10, $0x38;
	[tilespmem:$0x8EC0] =	vst v63  }
0x34e: {  	s21 =	sadd.s32 s3, s21;
	s31 =	sadd.s32 $0x6CC0, s15  }
0x34f: {  	[tilespmem:s31], [sflag:s14] =	stream.linear.gather [hbm4b:s21+s5], $0x10, $0x38;
	[tilespmem:$0x8EC0] =	vst v63  }
0x350: {  	s23 =	sadd.s32 $0x6D40, s15;
	s20 =	sadd.s32 $0x10, s21  }
0x351: {  	[tilespmem:s23], [sflag:s14] =	stream.linear.gather [hbm4b:s20+s5], $0x10, $0x38;
	[tilespmem:$0x8EC0] =	vst v63  }
0x352: {  	s24 =	sadd.s32 $0x20, s21;
	s25 =	sadd.s32 $0x6DC0, s15  }
0x353: {  	[tilespmem:s25], [sflag:s14] =	stream.linear.gather [hbm4b:s24+s5], $0x10, $0x38;
	[tilespmem:$0x8EC0] =	vst v63  }
0x354: {  	s26 =	sadd.s32 $0x30, s21;
	s28 =	sadd.s32 $0x6E40, s15  }
0x355: {  	[tilespmem:s28], [sflag:s14] =	stream.linear.gather [hbm4b:s26+s5], $0x10, $0x38;
	[tilespmem:$0x8EC0] =	vst v63  }
0x356: {  	s29 =	sadd.s32 $0x40, s21;
	s31 =	sadd.s32 $0x6EC0, s15  }
0x357: {  	[tilespmem:s31], [sflag:s14] =	stream.linear.gather [hbm4b:s29+s5], $0x10, $0x38;
	[tilespmem:$0x8EC0] =	vst v63  }
0x358: {  	s24 =	sadd.s32 $0x50, s21;
	s25 =	sadd.s32 $0x6F40, s15  }
0x359: {  	[tilespmem:s25], [sflag:s14] =	stream.linear.gather [hbm4b:s24+s5], $0x10, $0x38;
	[tilespmem:$0x8EC0] =	vst v63  }
0x35a: {  	s17 =	smov.u32 s4;
	s26 =	sadd.s32 $0x60, s21;
	s28 =	sadd.s32 $0x6FC0, s15  }
0x35b: {  	[tilespmem:s28], [sflag:s14] =	stream.linear.gather [hbm4b:s26+s5], $0x10, $0x38;
	[tilespmem:$0x8EC0] =	vst v63  }
0x35c: {  	s4 =	sshrl.u32 s19, $0x3;
	s29 =	sadd.s32 $0x70, s21;
	s31 =	sadd.s32 $0x7040, s15  }
0x35d: {  	[tilespmem:s31], [sflag:s14] =	stream.linear.gather [hbm4b:s29+s5], $0x10, $0x38;
	[tilespmem:$0x8EC0] =	vst v63  }
0x35e: {  	s22 =	sadd.s32 s0, s4;
	s23 =	sadd.s32 $0x10C0, s15  }
0x35f: {  	[tilespmem:s23], [sflag:s14] =	stream.linear.gather [hbm4b:s22+s5], $0x10, $0x38;
	[tilespmem:$0x8EC0] =	vst v63  }
0x360: {  	s24 =	sadd.s32 $0x10, s22;
	s25 =	sadd.s32 $0x1140, s15  }
0x361: {  	[tilespmem:s25], [sflag:s14] =	stream.linear.gather [hbm4b:s24+s5], $0x10, $0x38;
	[tilespmem:$0x8EC0] =	vst v63  }
0x362: {  	s26 =	sadd.s32 $0x20, s22;
	s28 =	sadd.s32 $0x11C0, s15  }
0x363: {  	[tilespmem:s28], [sflag:s14] =	stream.linear.gather [hbm4b:s26+s5], $0x10, $0x38;
	[tilespmem:$0x8EC0] =	vst v63  }
0x364: {  	s29 =	sadd.s32 $0x30, s22;
	s31 =	sadd.s32 $0x1240, s15  }
0x365: {  	[tilespmem:s31], [sflag:s14] =	stream.linear.gather [hbm4b:s29+s5], $0x10, $0x38;
	[tilespmem:$0x8EC0] =	vst v63  }
0x366: {  	s24 =	sadd.s32 $0x40, s22;
	s25 =	sadd.s32 $0x12C0, s15  }
0x367: {  	[tilespmem:s25], [sflag:s14] =	stream.linear.gather [hbm4b:s24+s5], $0x10, $0x38;
	[tilespmem:$0x8EC0] =	vst v63  }
0x368: {  	s26 =	sadd.s32 $0x50, s22;
	s28 =	sadd.s32 $0x1340, s15  }
0x369: {  	[tilespmem:s28], [sflag:s14] =	stream.linear.gather [hbm4b:s26+s5], $0x10, $0x38;
	[tilespmem:$0x8EC0] =	vst v63  }
0x36a: {  	s18 =	sadd.s32 $0x7A1400, s18;
	s29 =	sadd.s32 $0x60, s22;
	s31 =	sadd.s32 $0x13C0, s15  }
0x36b: {  	[tilespmem:s31], [sflag:s14] =	stream.linear.gather [hbm4b:s29+s5], $0x10, $0x38;
	[tilespmem:$0x8EC0] =	vst v63  }
0x36c: {  	s18 =	sshrl.u32 s18, $0x3;
	s21 =	sadd.s32 $0x70, s22;
	s24 =	sadd.s32 $0x1440, s15  }
0x36d: {  	[tilespmem:s24], [sflag:s14] =	stream.linear.gather [hbm4b:s21+s5], $0x10, $0x38;
	[tilespmem:$0x8EC0] =	vst v63  }
0x36e: {  	s22 =	sadd.s32 s1, s18;
	s25 =	sadd.s32 $0x30C0, s15  }
0x36f: {  	[tilespmem:s25], [sflag:s14] =	stream.linear.gather [hbm4b:s22+s5], $0x10, $0x38;
	[tilespmem:$0x8EC0] =	vst v63  }
0x370: {  	s26 =	sadd.s32 $0x10, s22;
	s28 =	sadd.s32 $0x3140, s15  }
0x371: {  	[tilespmem:s28], [sflag:s14] =	stream.linear.gather [hbm4b:s26+s5], $0x10, $0x38;
	[tilespmem:$0x8EC0] =	vst v63  }
0x372: {  	s29 =	sadd.s32 $0x20, s22;
	s31 =	sadd.s32 $0x31C0, s15  }
0x373: {  	[tilespmem:s31], [sflag:s14] =	stream.linear.gather [hbm4b:s29+s5], $0x10, $0x38;
	[tilespmem:$0x8EC0] =	vst v63  }
0x374: {  	s21 =	sadd.s32 $0x30, s22;
	s24 =	sadd.s32 $0x3240, s15  }
0x375: {  	[tilespmem:s24], [sflag:s14] =	stream.linear.gather [hbm4b:s21+s5], $0x10, $0x38;
	[tilespmem:$0x8EC0] =	vst v63  }
0x376: {  	s25 =	sadd.s32 $0x40, s22;
	s26 =	sadd.s32 $0x32C0, s15  }
0x377: {  	[tilespmem:s26], [sflag:s14] =	stream.linear.gather [hbm4b:s25+s5], $0x10, $0x38;
	[tilespmem:$0x8EC0] =	vst v63  }
0x378: {  	s28 =	sadd.s32 $0x50, s22;
	s29 =	sadd.s32 $0x3340, s15  }
0x379: {  	[tilespmem:s29], [sflag:s14] =	stream.linear.gather [hbm4b:s28+s5], $0x10, $0x38;
	[tilespmem:$0x8EC0] =	vst v63  }
0x37a: {  	s31 =	sadd.s32 $0x60, s22;
	s21 =	sadd.s32 $0x33C0, s15  }
0x37b: {  	[tilespmem:s21], [sflag:s14] =	stream.linear.gather [hbm4b:s31+s5], $0x10, $0x38;
	[tilespmem:$0x8EC0] =	vst v63  }
0x37c: {  	s23 =	sadd.s32 $0x70, s22;
	s24 =	sadd.s32 $0x3440, s15  }
0x37d: {  	[tilespmem:s24], [sflag:s14] =	stream.linear.gather [hbm4b:s23+s5], $0x10, $0x38;
	[tilespmem:$0x8EC0] =	vst v63  }
0x37e: {  	s4 =	sadd.s32 s2, s4;
	s25 =	sadd.s32 $0x50C0, s15  }
0x37f: {  	[tilespmem:s25], [sflag:s14] =	stream.linear.gather [hbm4b:s4+s5], $0x10, $0x38;
	[tilespmem:$0x8EC0] =	vst v63  }
0x380: {  	s26 =	sadd.s32 $0x10, s4;
	s28 =	sadd.s32 $0x5140, s15  }
0x381: {  	[tilespmem:s28], [sflag:s14] =	stream.linear.gather [hbm4b:s26+s5], $0x10, $0x38;
	[tilespmem:$0x8EC0] =	vst v63  }
0x382: {  	s29 =	sadd.s32 $0x20, s4;
	s31 =	sadd.s32 $0x51C0, s15  }
0x383: {  	[tilespmem:s31], [sflag:s14] =	stream.linear.gather [hbm4b:s29+s5], $0x10, $0x38;
	[tilespmem:$0x8EC0] =	vst v63  }
0x384: {  	s20 =	sadd.s32 $0x30, s4;
	s21 =	sadd.s32 $0x5240, s15  }
0x385: {  	[tilespmem:s21], [sflag:s14] =	stream.linear.gather [hbm4b:s20+s5], $0x10, $0x38;
	[tilespmem:$0x8EC0] =	vst v63  }
0x386: {  	s22 =	sadd.s32 $0x40, s4;
	s23 =	sadd.s32 $0x52C0, s15  }
0x387: {  	[tilespmem:s23], [sflag:s14] =	stream.linear.gather [hbm4b:s22+s5], $0x10, $0x38;
	[tilespmem:$0x8EC0] =	vst v63  }
0x388: {  	s12 =	sadd.s32 $0x1, s12;
	s24 =	sadd.s32 $0x50, s4;
	s25 =	sadd.s32 $0x5340, s15  }
0x389: {  	[tilespmem:s25], [sflag:s14] =	stream.linear.gather [hbm4b:s24+s5], $0x10, $0x38;
	[tilespmem:$0x8EC0] =	vst v63  }
0x38a: {  	s11 =	sadd.s32 $0x100, s11;
	s28 =	sadd.s32 $0x60, s4;
	s29 =	sadd.s32 $0x53C0, s15  }
0x38b: {  	[tilespmem:s29], [sflag:s14] =	stream.linear.gather [hbm4b:s28+s5], $0x10, $0x38;
	[tilespmem:$0x8EC0] =	vst v63  }
.Ltmp2:
0x38c: {  	s19 =	sld [smem:s12+$0x0];
	s18 =	sadd.s32 s3, s18;
	(pc) =	sbr.rel @p0 .LBB2_6-.Ltmp2, $4  }
0x38d: {  	s26 =	sadd.s32 $0x5440, s15;
	s4 =	sadd.s32 $0x70, s4;
	s31 =	sadd.s32 $0x70C0, s15  }
0x38e: {  	[tilespmem:s26], [sflag:s14] =	stream.linear.gather [hbm4b:s4+s5], $0x10, $0x38;
	[tilespmem:$0x8EC0] =	vst v63  }
0x38f: {  	s20 =	sadd.s32 $0x7140, s15;
	s21 =	smov.u32 s16;
	s22 =	sadd.s32 $0x10, s18  }
0x390: {  	[tilespmem:s31], [sflag:s14] =	stream.linear.gather [hbm4b:s18+s5], $0x10, $0x38;
	[tilespmem:$0x8EC0] =	vst v63  }
0x391: {  	[tilespmem:s20], [sflag:s14] =	stream.linear.gather [hbm4b:s22+s5], $0x10, $0x38;
	[tilespmem:$0x8EC0] =	vst v63  }
0x392: {  	s4 =	sadd.s32 $0x20, s18  }
0x393: {  	s12 =	sadd.s32 $0x71C0, s15;
	s22 =	sadd.s32 $0x30, s18;
	s16 =	sadd.s32 $0x7240, s15  }
0x394: {  	s11 =	sand.u32 $0x800, s11;
	s23 =	sadd.s32 $0x40, s18;
	s24 =	sadd.s32 $0x72C0, s15  }
0x395: {  	[tilespmem:s12], [sflag:s14] =	stream.linear.gather [hbm4b:s4+s5], $0x10, $0x38;
	[tilespmem:$0x8EC0] =	vst v63  }
0x396: {  	s25 =	sadd.s32 $0x73C0, s15;
	s26 =	sadd.s32 $0x7340, s15;
	s28 =	sadd.s32 $0x50, s18  }
0x397: {  	[tilespmem:s16], [sflag:s14] =	stream.linear.gather [hbm4b:s22+s5], $0x10, $0x38;
	[tilespmem:$0x8EC0] =	vst v63  }
0x398: {  	s29 =	sand.u32 $0x70, s19;
	s31 =	rddreg [dreg:$0xc];
	s4 =	sshll.u32 s19, $0x3  }
0x399: {  	[tilespmem:s24], [sflag:s14] =	stream.linear.gather [hbm4b:s23+s5], $0x10, $0x38;
	[tilespmem:$0x8EC0] =	vst v63  }
0x39a: {  	s21 =	sadd.s32 $0x60, s18;
	s11 =	sor.u32 s31, s11;
	s4 =	sand.u32 $0xFFFFFC00, s4  }
0x39b: {  	[tilespmem:s26], [sflag:s14] =	stream.linear.gather [hbm4b:s28+s5], $0x10, $0x38;
	[tilespmem:$0x8EC0] =	vst v63  }
0x39c: {  	s22 =	sadd.s32 $0x70, s18;
	s4 =	sor.u32 s29, s4;
	s24 =	sand.u32 $0x70, s17  }
0x39d: {  	[tilespmem:s25], [sflag:s14] =	stream.linear.gather [hbm4b:s21+s5], $0x10, $0x38;
	[tilespmem:$0x8EC0] =	vst v63  }
0x39e: {  	s23 =	sadd.s32 $0x7440, s15;
	s15 =	sshrl.u32 s4, $0x3;
	s11 =	sor.u32 s24, s11  }
0x39f: {  	[tilespmem:s23], [sflag:s14] =	stream.linear.gather [hbm4b:s22+s5], $0x10, $0x38;
	[tilespmem:$0x8EC0] =	vst v63  }
0x3a0: {  	s16 =	sadd.s32 s0, s15;
	s12 =	sadd.s32 $0xCC0, s11  }
0x3a1: {  	[tilespmem:s12], [sflag:s14] =	stream.linear.gather [hbm4b:s16+s5], $0x10, $0x38;
	[tilespmem:$0x8EC0] =	vst v63  }
0x3a2: {  	s10 =	sadd.s32 $0x1, s10;
	s26 =	sadd.s32 $0xD40, s11;
	s25 =	sadd.s32 $0x10, s16  }
0x3a3: {  	[tilespmem:s26], [sflag:s14] =	stream.linear.gather [hbm4b:s25+s5], $0x10, $0x38;
	[tilespmem:$0x8EC0] =	vst v63  }
0x3a4: {  	s10 =	sld [smem:s10+$0x0];
	s28 =	sadd.s32 $0xDC0, s11;
	s29 =	sadd.s32 $0x20, s16  }
0x3a5: {  	[tilespmem:s28], [sflag:s14] =	stream.linear.gather [hbm4b:s29+s5], $0x10, $0x38;
	[tilespmem:$0x8EC0] =	vst v63  }
0x3a6: {  	s31 =	sadd.s32 $0xF40, s11;
	s18 =	sadd.s32 $0xE40, s11;
	s19 =	sadd.s32 $0x30, s16  }
0x3a7: {  	[tilespmem:s18], [sflag:s14] =	stream.linear.gather [hbm4b:s19+s5], $0x10, $0x38;
	[tilespmem:$0x8EC0] =	vst v63  }
0x3a8: {  	s20 =	sadd.s32 $0xEC0, s11;
	s21 =	sshll.u32 s10, $0x3;
	s22 =	sadd.s32 $0x40, s16  }
0x3a9: {  	[tilespmem:s20], [sflag:s14] =	stream.linear.gather [hbm4b:s22+s5], $0x10, $0x38;
	[tilespmem:$0x8EC0] =	vst v63  }
0x3aa: {  	s24 =	sadd.s32 $0x50, s16;
	s10 =	sand.u32 $0x70, s10;
	s23 =	sand.u32 $0xFFFFFC00, s21  }
0x3ab: {  	[tilespmem:s31], [sflag:s14] =	stream.linear.gather [hbm4b:s24+s5], $0x10, $0x38;
	[tilespmem:$0x8EC0] =	vst v63  }
0x3ac: {  	s10 =	sor.u32 s10, s23;
	s25 =	sadd.s32 $0xFC0, s11;
	s26 =	sadd.s32 $0x60, s16  }
0x3ad: {  	[tilespmem:s25], [sflag:s14] =	stream.linear.gather [hbm4b:s26+s5], $0x10, $0x38;
	[tilespmem:$0x8EC0] =	vst v63  }
0x3ae: {  	s17 =	sshrl.u32 s10, $0x3;
	s28 =	sadd.s32 $0x70, s16;
	s29 =	sadd.s32 $0x1040, s11  }
0x3af: {  	[tilespmem:s29], [sflag:s14] =	stream.linear.gather [hbm4b:s28+s5], $0x10, $0x38;
	[tilespmem:$0x8EC0] =	vst v63  }
0x3b0: {  	s16 =	sadd.s32 s1, s17;
	s31 =	sadd.s32 $0x2CC0, s11  }
0x3b1: {  	[tilespmem:s31], [sflag:s14] =	stream.linear.gather [hbm4b:s16+s5], $0x10, $0x38;
	[tilespmem:$0x8EC0] =	vst v63  }
0x3b2: {  	s18 =	sadd.s32 $0x10, s16;
	s19 =	sadd.s32 $0x2D40, s11  }
0x3b3: {  	[tilespmem:s19], [sflag:s14] =	stream.linear.gather [hbm4b:s18+s5], $0x10, $0x38;
	[tilespmem:$0x8EC0] =	vst v63  }
0x3b4: {  	s21 =	sadd.s32 $0x2DC0, s11;
	s20 =	sadd.s32 $0x20, s16  }
0x3b5: {  	[tilespmem:s21], [sflag:s14] =	stream.linear.gather [hbm4b:s20+s5], $0x10, $0x38;
	[tilespmem:$0x8EC0] =	vst v63  }
0x3b6: {  	s23 =	sadd.s32 $0x2E40, s11;
	s22 =	sadd.s32 $0x30, s16  }
0x3b7: {  	[tilespmem:s23], [sflag:s14] =	stream.linear.gather [hbm4b:s22+s5], $0x10, $0x38;
	[tilespmem:$0x8EC0] =	vst v63  }
0x3b8: {  	s24 =	sadd.s32 $0x40, s16;
	s25 =	sadd.s32 $0x2EC0, s11  }
0x3b9: {  	[tilespmem:s25], [sflag:s14] =	stream.linear.gather [hbm4b:s24+s5], $0x10, $0x38;
	[tilespmem:$0x8EC0] =	vst v63  }
0x3ba: {  	s26 =	sadd.s32 $0x50, s16;
	s28 =	sadd.s32 $0x2F40, s11  }
0x3bb: {  	[tilespmem:s28], [sflag:s14] =	stream.linear.gather [hbm4b:s26+s5], $0x10, $0x38;
	[tilespmem:$0x8EC0] =	vst v63  }
0x3bc: {  	s29 =	sadd.s32 $0x60, s16;
	s31 =	sadd.s32 $0x2FC0, s11  }
0x3bd: {  	[tilespmem:s31], [sflag:s14] =	stream.linear.gather [hbm4b:s29+s5], $0x10, $0x38;
	[tilespmem:$0x8EC0] =	vst v63  }
0x3be: {  	s19 =	sadd.s32 $0x70, s16;
	s20 =	sadd.s32 $0x3040, s11  }
0x3bf: {  	[tilespmem:s20], [sflag:s14] =	stream.linear.gather [hbm4b:s19+s5], $0x10, $0x38;
	[tilespmem:$0x8EC0] =	vst v63  }
0x3c0: {  	s15 =	sadd.s32 s2, s15;
	s21 =	sadd.s32 $0x4CC0, s11  }
0x3c1: {  	[tilespmem:s21], [sflag:s14] =	stream.linear.gather [hbm4b:s15+s5], $0x10, $0x38;
	[tilespmem:$0x8EC0] =	vst v63  }
0x3c2: {  	s22 =	sadd.s32 $0x10, s15;
	s23 =	sadd.s32 $0x4D40, s11  }
0x3c3: {  	[tilespmem:s23], [sflag:s14] =	stream.linear.gather [hbm4b:s22+s5], $0x10, $0x38;
	[tilespmem:$0x8EC0] =	vst v63  }
0x3c4: {  	s24 =	sadd.s32 $0x20, s15;
	s25 =	sadd.s32 $0x4DC0, s11  }
0x3c5: {  	[tilespmem:s25], [sflag:s14] =	stream.linear.gather [hbm4b:s24+s5], $0x10, $0x38;
	[tilespmem:$0x8EC0] =	vst v63  }
0x3c6: {  	s26 =	sadd.s32 $0x30, s15;
	s28 =	sadd.s32 $0x4E40, s11  }
0x3c7: {  	[tilespmem:s28], [sflag:s14] =	stream.linear.gather [hbm4b:s26+s5], $0x10, $0x38;
	[tilespmem:$0x8EC0] =	vst v63  }
0x3c8: {  	s29 =	sadd.s32 $0x40, s15;
	s31 =	sadd.s32 $0x4EC0, s11  }
0x3c9: {  	[tilespmem:s31], [sflag:s14] =	stream.linear.gather [hbm4b:s29+s5], $0x10, $0x38;
	[tilespmem:$0x8EC0] =	vst v63  }
0x3ca: {  	s18 =	sadd.s32 $0x50, s15;
	s19 =	sadd.s32 $0x4F40, s11  }
0x3cb: {  	[tilespmem:s19], [sflag:s14] =	stream.linear.gather [hbm4b:s18+s5], $0x10, $0x38;
	[tilespmem:$0x8EC0] =	vst v63  }
0x3cc: {  	s20 =	sadd.s32 $0x60, s15;
	s21 =	sadd.s32 $0x4FC0, s11  }
0x3cd: {  	[tilespmem:s21], [sflag:s14] =	stream.linear.gather [hbm4b:s20+s5], $0x10, $0x38;
	[tilespmem:$0x8EC0] =	vst v63  }
0x3ce: {  	s22 =	sadd.s32 $0x70, s15;
	s23 =	sadd.s32 $0x5040, s11  }
0x3cf: {  	[tilespmem:s23], [sflag:s14] =	stream.linear.gather [hbm4b:s22+s5], $0x10, $0x38;
	[tilespmem:$0x8EC0] =	vst v63  }
0x3d0: {  	s24 =	sadd.s32 $0x6CC0, s11;
	s25 =	sadd.s32 s3, s17  }
0x3d1: {  	[tilespmem:s24], [sflag:s14] =	stream.linear.gather [hbm4b:s25+s5], $0x10, $0x38;
	[tilespmem:$0x8EC0] =	vst v63  }
0x3d2: {  	s26 =	sadd.s32 $0x10, s25;
	s28 =	sadd.s32 $0x6D40, s11  }
0x3d3: {  	[tilespmem:s28], [sflag:s14] =	stream.linear.gather [hbm4b:s26+s5], $0x10, $0x38;
	[tilespmem:$0x8EC0] =	vst v63  }
0x3d4: {  	s29 =	sadd.s32 $0x20, s25;
	s31 =	sadd.s32 $0x6DC0, s11  }
0x3d5: {  	[tilespmem:s31], [sflag:s14] =	stream.linear.gather [hbm4b:s29+s5], $0x10, $0x38;
	[tilespmem:$0x8EC0] =	vst v63  }
0x3d6: {  	s17 =	sadd.s32 $0x6E40, s11;
	s16 =	sadd.s32 $0x30, s25  }
0x3d7: {  	[tilespmem:s17], [sflag:s14] =	stream.linear.gather [hbm4b:s16+s5], $0x10, $0x38;
	[tilespmem:$0x8EC0] =	vst v63  }
0x3d8: {  	s18 =	sadd.s32 $0x40, s25;
	s19 =	sadd.s32 $0x6EC0, s11  }
0x3d9: {  	[tilespmem:s19], [sflag:s14] =	stream.linear.gather [hbm4b:s18+s5], $0x10, $0x38;
	[tilespmem:$0x8EC0] =	vst v63  }
0x3da: {  	s20 =	sadd.s32 $0x50, s25;
	s21 =	sadd.s32 $0x6F40, s11  }
0x3db: {  	[tilespmem:s21], [sflag:s14] =	stream.linear.gather [hbm4b:s20+s5], $0x10, $0x38;
	[tilespmem:$0x8EC0] =	vst v63  }
0x3dc: {  	s4 =	sadd.s32 $0x7A1400, s4;
	s22 =	sadd.s32 $0x60, s25;
	s23 =	sadd.s32 $0x6FC0, s11  }
0x3dd: {  	[tilespmem:s23], [sflag:s14] =	stream.linear.gather [hbm4b:s22+s5], $0x10, $0x38;
	[tilespmem:$0x8EC0] =	vst v63  }
0x3de: {  	s4 =	sshrl.u32 s4, $0x3;
	s24 =	sadd.s32 $0x70, s25;
	s25 =	sadd.s32 $0x7040, s11  }
0x3df: {  	[tilespmem:s25], [sflag:s14] =	stream.linear.gather [hbm4b:s24+s5], $0x10, $0x38;
	[tilespmem:$0x8EC0] =	vst v63  }
0x3e0: {  	s26 =	sadd.s32 $0x10C0, s11;
	s28 =	sadd.s32 s0, s4  }
0x3e1: {  	[tilespmem:s26], [sflag:s14] =	stream.linear.gather [hbm4b:s28+s5], $0x10, $0x38;
	[tilespmem:$0x8EC0] =	vst v63  }
0x3e2: {  	s29 =	sadd.s32 $0x10, s28;
	s31 =	sadd.s32 $0x1140, s11  }
0x3e3: {  	[tilespmem:s31], [sflag:s14] =	stream.linear.gather [hbm4b:s29+s5], $0x10, $0x38;
	[tilespmem:$0x8EC0] =	vst v63  }
0x3e4: {  	s16 =	sadd.s32 $0x20, s28;
	s17 =	sadd.s32 $0x11C0, s11  }
0x3e5: {  	[tilespmem:s17], [sflag:s14] =	stream.linear.gather [hbm4b:s16+s5], $0x10, $0x38;
	[tilespmem:$0x8EC0] =	vst v63  }
0x3e6: {  	s18 =	sadd.s32 $0x30, s28;
	s19 =	sadd.s32 $0x1240, s11  }
0x3e7: {  	[tilespmem:s19], [sflag:s14] =	stream.linear.gather [hbm4b:s18+s5], $0x10, $0x38;
	[tilespmem:$0x8EC0] =	vst v63  }
0x3e8: {  	s20 =	sadd.s32 $0x40, s28;
	s21 =	sadd.s32 $0x12C0, s11  }
0x3e9: {  	[tilespmem:s21], [sflag:s14] =	stream.linear.gather [hbm4b:s20+s5], $0x10, $0x38;
	[tilespmem:$0x8EC0] =	vst v63  }
0x3ea: {  	s22 =	sadd.s32 $0x50, s28;
	s23 =	sadd.s32 $0x1340, s11  }
0x3eb: {  	[tilespmem:s23], [sflag:s14] =	stream.linear.gather [hbm4b:s22+s5], $0x10, $0x38;
	[tilespmem:$0x8EC0] =	vst v63  }
0x3ec: {  	s10 =	sadd.s32 $0x7A1400, s10;
	s24 =	sadd.s32 $0x60, s28;
	s25 =	sadd.s32 $0x13C0, s11  }
0x3ed: {  	[tilespmem:s25], [sflag:s14] =	stream.linear.gather [hbm4b:s24+s5], $0x10, $0x38;
	[tilespmem:$0x8EC0] =	vst v63  }
0x3ee: {  	s10 =	sshrl.u32 s10, $0x3;
	s26 =	sadd.s32 $0x70, s28;
	s28 =	sadd.s32 $0x1440, s11  }
0x3ef: {  	[tilespmem:s28], [sflag:s14] =	stream.linear.gather [hbm4b:s26+s5], $0x10, $0x38;
	[tilespmem:$0x8EC0] =	vst v63  }
0x3f0: {  	s29 =	sadd.s32 $0x30C0, s11;
	s31 =	sadd.s32 s1, s10  }
0x3f1: {  	[tilespmem:s29], [sflag:s14] =	stream.linear.gather [hbm4b:s31+s5], $0x10, $0x38;
	[tilespmem:$0x8EC0] =	vst v63  }
0x3f2: {  	s16 =	sadd.s32 $0x10, s31;
	s17 =	sadd.s32 $0x3140, s11  }
0x3f3: {  	[tilespmem:s17], [sflag:s14] =	stream.linear.gather [hbm4b:s16+s5], $0x10, $0x38;
	[tilespmem:$0x8EC0] =	vst v63  }
0x3f4: {  	s18 =	sadd.s32 $0x20, s31;
	s19 =	sadd.s32 $0x31C0, s11  }
0x3f5: {  	[tilespmem:s19], [sflag:s14] =	stream.linear.gather [hbm4b:s18+s5], $0x10, $0x38;
	[tilespmem:$0x8EC0] =	vst v63  }
0x3f6: {  	s20 =	sadd.s32 $0x30, s31;
	s21 =	sadd.s32 $0x3240, s11  }
0x3f7: {  	[tilespmem:s21], [sflag:s14] =	stream.linear.gather [hbm4b:s20+s5], $0x10, $0x38;
	[tilespmem:$0x8EC0] =	vst v63  }
0x3f8: {  	s22 =	sadd.s32 $0x40, s31;
	s23 =	sadd.s32 $0x32C0, s11  }
0x3f9: {  	[tilespmem:s23], [sflag:s14] =	stream.linear.gather [hbm4b:s22+s5], $0x10, $0x38;
	[tilespmem:$0x8EC0] =	vst v63  }
0x3fa: {  	s24 =	sadd.s32 $0x50, s31;
	s25 =	sadd.s32 $0x3340, s11  }
0x3fb: {  	[tilespmem:s25], [sflag:s14] =	stream.linear.gather [hbm4b:s24+s5], $0x10, $0x38;
	[tilespmem:$0x8EC0] =	vst v63  }
0x3fc: {  	s26 =	sadd.s32 $0x60, s31;
	s28 =	sadd.s32 $0x33C0, s11  }
0x3fd: {  	[tilespmem:s28], [sflag:s14] =	stream.linear.gather [hbm4b:s26+s5], $0x10, $0x38;
	[tilespmem:$0x8EC0] =	vst v63  }
0x3fe: {  	s29 =	sadd.s32 $0x70, s31;
	s31 =	sadd.s32 $0x3440, s11  }
0x3ff: {  	[tilespmem:s31], [sflag:s14] =	stream.linear.gather [hbm4b:s29+s5], $0x10, $0x38;
	[tilespmem:$0x8EC0] =	vst v63  }
0x400: {  	s4 =	sadd.s32 s2, s4;
	s16 =	sadd.s32 $0x50C0, s11  }
0x401: {  	[tilespmem:s16], [sflag:s14] =	stream.linear.gather [hbm4b:s4+s5], $0x10, $0x38;
	[tilespmem:$0x8EC0] =	vst v63  }
0x402: {  	s17 =	sadd.s32 $0x10, s4;
	s18 =	sadd.s32 $0x5140, s11  }
0x403: {  	[tilespmem:s18], [sflag:s14] =	stream.linear.gather [hbm4b:s17+s5], $0x10, $0x38;
	[tilespmem:$0x8EC0] =	vst v63  }
0x404: {  	s19 =	sadd.s32 $0x20, s4;
	s20 =	sadd.s32 $0x51C0, s11  }
0x405: {  	[tilespmem:s20], [sflag:s14] =	stream.linear.gather [hbm4b:s19+s5], $0x10, $0x38;
	[tilespmem:$0x8EC0] =	vst v63  }
0x406: {  	s21 =	sadd.s32 $0x30, s4;
	s22 =	sadd.s32 $0x5240, s11  }
0x407: {  	[tilespmem:s22], [sflag:s14] =	stream.linear.gather [hbm4b:s21+s5], $0x10, $0x38;
	[tilespmem:$0x8EC0] =	vst v63  }
0x408: {  	s23 =	sadd.s32 $0x40, s4;
	s24 =	sadd.s32 $0x52C0, s11  }
0x409: {  	[tilespmem:s24], [sflag:s14] =	stream.linear.gather [hbm4b:s23+s5], $0x10, $0x38;
	[tilespmem:$0x8EC0] =	vst v63  }
0x40a: {  	s25 =	sadd.s32 $0x50, s4;
	s26 =	sadd.s32 $0x5340, s11  }
0x40b: {  	[tilespmem:s26], [sflag:s14] =	stream.linear.gather [hbm4b:s25+s5], $0x10, $0x38;
	[tilespmem:$0x8EC0] =	vst v63  }
0x40c: {  	s28 =	sadd.s32 $0x60, s4;
	s29 =	sadd.s32 $0x53C0, s11  }
0x40d: {  	[tilespmem:s29], [sflag:s14] =	stream.linear.gather [hbm4b:s28+s5], $0x10, $0x38;
	[tilespmem:$0x8EC0] =	vst v63  }
0x40e: {  	s31 =	sadd.s32 $0x5440, s11;
	s4 =	sadd.s32 $0x70, s4  }
0x40f: {  	[tilespmem:s31], [sflag:s14] =	stream.linear.gather [hbm4b:s4+s5], $0x10, $0x38;
	[tilespmem:$0x8EC0] =	vst v63  }
0x410: {  	s15 =	sadd.s32 s3, s10;
	s16 =	sadd.s32 $0x70C0, s11  }
0x411: {  	[tilespmem:s16], [sflag:s14] =	stream.linear.gather [hbm4b:s15+s5], $0x10, $0x38;
	[tilespmem:$0x8EC0] =	vst v63  }
0x412: {  	s17 =	sadd.s32 $0x7140, s11;
	s18 =	sadd.s32 $0x10, s15  }
0x413: {  	[tilespmem:s17], [sflag:s14] =	stream.linear.gather [hbm4b:s18+s5], $0x10, $0x38;
	[tilespmem:$0x8EC0] =	vst v63  }
0x414: {  	s19 =	sadd.s32 $0x20, s15;
	s20 =	sadd.s32 $0x71C0, s11  }
0x415: {  	[tilespmem:s20], [sflag:s14] =	stream.linear.gather [hbm4b:s19+s5], $0x10, $0x38;
	[tilespmem:$0x8EC0] =	vst v63  }
0x416: {  	s21 =	sadd.s32 $0x30, s15;
	s22 =	sadd.s32 $0x7240, s11  }
0x417: {  	[tilespmem:s22], [sflag:s14] =	stream.linear.gather [hbm4b:s21+s5], $0x10, $0x38;
	[tilespmem:$0x8EC0] =	vst v63  }
0x418: {  	s23 =	sadd.s32 $0x40, s15;
	s24 =	sadd.s32 $0x72C0, s11  }
0x419: {  	[tilespmem:s24], [sflag:s14] =	stream.linear.gather [hbm4b:s23+s5], $0x10, $0x38;
	[tilespmem:$0x8EC0] =	vst v63  }
0x41a: {  	s25 =	sadd.s32 $0x7340, s11;
	s26 =	sadd.s32 $0x50, s15  }
0x41b: {  	[tilespmem:s25], [sflag:s14] =	stream.linear.gather [hbm4b:s26+s5], $0x10, $0x38;
	[tilespmem:$0x8EC0] =	vst v63  }
0x41c: {  	s28 =	sadd.s32 $0x73C0, s11;
	s29 =	sadd.s32 $0x60, s15  }
0x41d: {  	[tilespmem:s28], [sflag:s14] =	stream.linear.gather [hbm4b:s29+s5], $0x10, $0x38;
	[tilespmem:$0x8EC0] =	vst v63  }
0x41e: {  	s4 =	sadd.s32 $0x70, s15;
	s31 =	sadd.s32 $0x7440, s11  }
0x41f: {  	[tilespmem:s31], [sflag:s14] =	stream.linear.gather [hbm4b:s4+s5], $0x10, $0x38;
	[tilespmem:$0x8EC0] =	vst v63  }
.LBB2_8:
0x420: {  	s4 =	sadd.s32 $0x1, s13  }
0x421: {  	_ =	swait.ge [sflag:s4], $0x80  }
0x422: {  	s14 =	sadd.s32 $0x1, s9;
	s10 =	simm.s32 $0x7F;
	[sflag:s4] =	ssyncset.done $0x0  }
.LBB2_9:
0x423: {  	p0 =	sne.s32 s10, $0x1;
	s10 =	sadd.s32 $0xFFFFFFFF, s10;
	[sflag:s4] =	ssyncadd.s32 $0xFFFFFF80  }
.Ltmp3:
0x424: {  	(pc) =	sbr.rel @p0 .LBB2_9-.Ltmp3, $3  }
0x425: {  	_ =	sdelay $0x1  }
0x426: {  	_ =	swait.ge [sflag:s4], $0x80  }
0x427: {  	[sflag:s4] =	ssyncset.done $0x0  }
0x428: {  	[sflag:s4] =	ssyncadd.s32 $0xFFFFFF80;
	s9 =	sshll.u32 s9, $0x4;
	v3 =	vld [tilespmem:$0x1FFE0]  }
0x429: {  	v0 =	vld [tilespmem:s9+$0x0]  }
0x42a: {  	v4 =	vld [tilespmem:$0x1FFF0];
	_ =	sdelay $0x1  }
0x42b: {  	s22 =	sshll.u32 s13, $0x1  }
0x42c: {  	v2 =	vmov s22  }
0x42d: {  	v2 =	vshll.u32 v2, $0xB;
	v0 =	vand.u32 $0xF, v0  }
0x42e: {  	v1 =	vld [tilespmem:s9+$0x200];
	v2 =	vor.u32 v4, v2;
	v0 =	vor.u32 v3, v0  }
0x42f: {  	v53 =	vor.u32 v2, v0;
	_ =	sdelay $0x3  }
0x430: {  	s23 =	simm.s32 $0xCC0;
	v1 =	vand.u32 $0xF, v1  }
0x431: {  	v1 =	vor.u32 v3, v1;
	v5 =	vld.idx.msk [tilespmem:v53+s23+$0x0], $0xffff  }
0x432: {  	v3 =	vor.u32 $0x80, v2;
	v19 =	vor.u32 v2, v1  }
0x433: {  	v54 =	vor.u32 v3, v0  }
0x434: {  	v20 =	vor.u32 v3, v1;
	v3 =	vor.u32 $0x100, v2  }
0x435: {  	v4 =	vor.u32 v3, v0  }
0x436: {  	s10 =	simm.s32 $0x2CC0;
	v3 =	vor.u32 v3, v1;
	[tilespmem:$0x1FEC0] =	vst v5;
	v5 =	vor.u32 $0x180, v2  }
0x437: {  	v22 =	vld.idx.msk [tilespmem:v19+s10+$0x0], $0xffff;
	v6 =	vor.u32 v5, v0  }
0x438: {  	s11 =	sld [smem:$0x610];
	v7 =	vor.u32 $0x200, v2;
	v23 =	vld.idx.msk [tilespmem:v54+s23+$0x0], $0xffff;
	v5 =	vor.u32 v5, v1  }
0x439: {  	s24 =	sld [smem:$0x611];
	v8 =	vor.u32 v7, v0;
	v25 =	vld.idx.msk [tilespmem:v20+s10+$0x0], $0xffff  }
0x43a: {  	s25 =	sld [smem:$0x612];
	v24 =	vld.idx.msk [tilespmem:v4+s23+$0x0], $0xffff;
	v4 =	vor.u32 v7, v1;
	v7 =	vor.u32 $0x280, v2  }
0x43b: {  	s26 =	sld [smem:$0x613];
	v27 =	vld.idx.msk [tilespmem:v3+s10+$0x0], $0xffff;
	v3 =	vor.u32 v7, v0  }
0x43c: {  	s12 =	sld [smem:$0x614];
	v26 =	vld.idx.msk [tilespmem:v6+s23+$0x0], $0xffff;
	v6 =	vor.u32 v7, v1;
	v7 =	vor.u32 $0x300, v2  }
0x43d: {  	s13 =	sld [smem:$0x615];
	v29 =	vld.idx.msk [tilespmem:v5+s10+$0x0], $0xffff;
	v5 =	vor.u32 v7, v0  }
0x43e: {  	s15 =	sld [smem:$0x616];
	v28 =	vld.idx.msk [tilespmem:v8+s23+$0x0], $0xffff;
	v8 =	vor.u32 $0x380, v2;
	v7 =	vor.u32 v7, v1  }
0x43f: {  	s16 =	sld [smem:$0x617];
	v31 =	vld.idx.msk [tilespmem:v4+s10+$0x0], $0xffff;
	v4 =	vor.u32 v8, v0  }
0x440: {  	s17 =	sld [smem:$0x618];
	v30 =	vld.idx.msk [tilespmem:v3+s23+$0x0], $0xffff;
	v3 =	vor.u32 v8, v1;
	v8 =	vor.u32 $0x400, v2  }
0x441: {  	s28 =	sld [smem:$0x61A];
	v33 =	vld.idx.msk [tilespmem:v6+s10+$0x0], $0xffff;
	v6 =	vor.u32 v8, v0  }
0x442: {  	s29 =	sld [smem:$0x61B];
	v32 =	vld.idx.msk [tilespmem:v5+s23+$0x0], $0xffff;
	v5 =	vor.u32 v8, v1;
	v8 =	vor.u32 $0x480, v2  }
0x443: {  	s18 =	sld [smem:$0x61C];
	v35 =	vld.idx.msk [tilespmem:v7+s10+$0x0], $0xffff;
	v7 =	vor.u32 v8, v0  }
0x444: {  	s19 =	sld [smem:$0x61D];
	v34 =	vld.idx.msk [tilespmem:v4+s23+$0x0], $0xffff;
	v4 =	vor.u32 v8, v1;
	v8 =	vor.u32 $0x500, v2  }
0x445: {  	s20 =	sld [smem:$0x61E];
	v36 =	vld.idx.msk [tilespmem:v3+s10+$0x0], $0xffff;
	v3 =	vor.u32 v8, v0  }
0x446: {  	s22 =	sld [smem:$0x61F];
	v37 =	vld.idx.msk [tilespmem:v6+s23+$0x0], $0xffff;
	v6 =	vor.u32 v8, v1;
	v8 =	vor.u32 $0x580, v2  }
0x447: {  	[smem:$0x7E0] =	sst s11;
	v38 =	vld.idx.msk [tilespmem:v5+s10+$0x0], $0xffff;
	v5 =	vor.u32 v8, v0  }
0x448: {  	[smem:$0x7E1] =	sst s24;
	v39 =	vld.idx.msk [tilespmem:v7+s23+$0x0], $0xffff;
	v7 =	vor.u32 v8, v1;
	v8 =	vor.u32 $0x600, v2  }
0x449: {  	[smem:$0x7E2] =	sst s25;
	v40 =	vld.idx.msk [tilespmem:v4+s10+$0x0], $0xffff;
	v4 =	vor.u32 v8, v0  }
0x44a: {  	[smem:$0x7E3] =	sst s26;
	v41 =	vld.idx.msk [tilespmem:v3+s23+$0x0], $0xffff;
	v3 =	vor.u32 v8, v1;
	v8 =	vor.u32 $0x680, v2  }
0x44b: {  	[smem:$0x7E4] =	sst s12;
	v42 =	vld.idx.msk [tilespmem:v6+s10+$0x0], $0xffff;
	v6 =	vor.u32 v8, v0  }
0x44c: {  	[smem:$0x7E5] =	sst s13;
	v43 =	vld.idx.msk [tilespmem:v5+s23+$0x0], $0xffff;
	v5 =	vor.u32 v8, v1;
	v8 =	vor.u32 $0x700, v2  }
0x44d: {  	[smem:$0x7E6] =	sst s15;
	v2 =	vor.u32 $0x780, v2;
	v44 =	vld.idx.msk [tilespmem:v7+s10+$0x0], $0xffff;
	v7 =	vor.u32 v8, v0  }
0x44e: {  	[smem:$0x7E7] =	sst s16;
	v0 =	vor.u32 v2, v0;
	v45 =	vld.idx.msk [tilespmem:v4+s23+$0x0], $0xffff  }
0x44f: {  	[smem:$0x7E8] =	sst s17;
	v4 =	vor.u32 v8, v1;
	v46 =	vld.idx.msk [tilespmem:v3+s10+$0x0], $0xffff  }
0x450: {  	s24 =	sld [smem:$0x619];
	v1 =	vor.u32 v2, v1;
	v47 =	vld.idx.msk [tilespmem:v6+s23+$0x0], $0xffff  }
0x451: {  	[smem:$0x7E9] =	sst s18;
	v50 =	vld.idx.msk [tilespmem:v5+s10+$0x0], $0xffff  }
0x452: {  	[smem:$0x7EA] =	sst s19;
	v48 =	vld.idx.msk [tilespmem:v7+s23+$0x0], $0xffff  }
0x453: {  	[smem:$0x7EB] =	sst s20;
	v49 =	vld.idx.msk [tilespmem:v0+s23+$0x0], $0xffff  }
0x454: {  	s21 =	simm.s32 $0x0;
	[smem:$0x7EC] =	sst s22;
	v52 =	vld.idx.msk [tilespmem:v4+s10+$0x0], $0xffff  }
0x455: {  	v0 =	vmov s21;
	v51 =	vld.idx.msk [tilespmem:v1+s10+$0x0], $0xffff;
	s4 =	sld [smem:$0x561]  }
0x456: {  	v0 =	vshll.u32 v0, $0x7;
	s10 =	sld [smem:$0x4A0]  }
0x457: {  	v55 =	vbroadcast v0, $0x0;
	s11 =	sld [smem:$0x4C0]  }
0x458: {  	s12 =	sld [smem:$0x4E0]  }
0x459: {  	v0 =	vor.u32 v55, v53;
	s13 =	sld [smem:$0x500]  }
0x45a: {  	s15 =	sld [smem:$0x520]  }
0x45b: {  	s25 =	sld [smem:$0x540]  }
0x45c: {  	s26 =	sld [smem:$0x560]  }
0x45d: {  	v2 =	vor.u32 v55, v54;
	s31 =	sld [smem:$0x580]  }
0x45e: {  	v1 =	vld.idx.msk [tilespmem:v0+s6+$0x0], $0xffff;
	s16 =	sld [smem:$0x5C0]  }
0x45f: {  	s17 =	sld [smem:$0x5A0]  }
0x460: {  	s18 =	sld [smem:$0x5E0]  }
0x461: {  	s19 =	sld [smem:$0x5C1]  }
0x462: {  	v3 =	vld.idx.msk [tilespmem:v2+s6+$0x0], $0xffff;
	s20 =	sld [smem:$0x5E1]  }
0x463: {  	s21 =	sld [smem:$0x441]  }
0x464: {  	s22 =	sld [smem:$0x4C1]  }
0x465: {  	v0 =	vmul.f32 s17, v1;
	s17 =	sld [smem:$0x4E1]  }
0x466: {  	v4 =	vmul.f32 s18, v1;
	s18 =	sld [smem:$0x541]  }
0x467: {  	s23 =	sld [smem:$0x4A1]  }
0x468: {  	v9 =	vmul.f32 s15, v1;
	s15 =	sld [smem:$0x521]  }
0x469: {  	v8 =	vmul.f32 s25, v1;
	s25 =	sld [smem:$0x501]  }
0x46a: {  	v7 =	vmul.f32 s26, v1;
	s26 =	sld [smem:$0x581]  }
0x46b: {  	v5 =	vmul.f32 s31, v1;
	s31 =	sld [smem:$0x460]  }
0x46c: {  	v11 =	vmul.f32 s18, v3;
	s18 =	sld [smem:$0x440];
	v2 =	vld [tilespmem:$0x1FFA0];
	_ =	sdelay $0x4  }
0x46d: {  	v2 =	vadd.f32 v0, v2;
	v0 =	vld [tilespmem:$0x1FF90];
	_ =	sdelay $0x4  }
0x46e: {  	v56 =	vadd.f32 v5, v0;
	v0 =	vld [tilespmem:$0x1FFC0];
	_ =	sdelay $0x4  }
0x46f: {  	v0 =	vadd.f32 v4, v0;
	v4 =	vld [tilespmem:$0x1FF80]  }
0x470: {  	v57 =	vmul.f32 s19, v3;
	s19 =	sld [smem:$0x420];
	v5 =	vld [tilespmem:$0x1FF70];
	_ =	sdelay $0x4  }
0x471: {  	v58 =	vadd.f32 v8, v5;
	v5 =	vld [tilespmem:$0x1FF60];
	_ =	sdelay $0x4  }
0x472: {  	v15 =	vadd.f32 v9, v5;
	v5 =	vld [tilespmem:$0x1FF50];
	_ =	sdelay $0x1  }
0x473: {  	v12 =	vmul.f32 s20, v3  }
0x474: {  	v10 =	vmul.f32 s13, v1;
	v13 =	vadd.f32 v7, v4;
	v4 =	vld [tilespmem:$0x1FFB0]  }
0x475: {  	s20 =	sld [smem:$0x400];
	v9 =	vadd.f32 v12, v0;
	v0 =	vld [tilespmem:$0x1FF20]  }
0x476: {  	v14 =	vadd.f32 v10, v5;
	v5 =	vld [tilespmem:$0x1FF40];
	_ =	sdelay $0x1  }
0x477: {  	v6 =	vmul.f32 s16, v1;
	v59 =	vmul.f32 s10, v1  }
0x478: {  	v17 =	vmul.f32 s12, v1  }
0x479: {  	v61 =	vmul.f32 s23, v3;
	v4 =	vadd.f32 v6, v4;
	v0 =	vadd.f32 v59, v0  }
0x47a: {  	v60 =	vmul.f32 s22, v3;
	v63 =	vadd.f32 v17, v5;
	v5 =	vld [tilespmem:$0x1FF30];
	s22 =	sld [smem:$0x421]  }
0x47b: {  	v10 =	vadd.f32 v57, v4;
	v4 =	vadd.f32 v61, v0;
	s23 =	sld [smem:$0x401];
	v0 =	vld [tilespmem:$0x1FEF0]  }
0x47c: {  	v16 =	vmul.f32 s25, v3;
	s25 =	sld [smem:$0x481];
	v8 =	vld [tilespmem:$0x1FEE0];
	_ =	sdelay $0x2  }
0x47d: {  	v7 =	vmul.f32 s18, v1;
	v6 =	vmul.f32 s19, v1  }
0x47e: {  	v18 =	vmul.f32 s11, v1;
	v61 =	vmul.f32 s22, v3  }
0x47f: {  	s11 =	sld [smem:$0x5A1];
	v0 =	vadd.f32 v7, v0;
	v7 =	vmul.f32 s21, v3;
	v17 =	vadd.f32 v6, v8  }
0x480: {  	s13 =	sld [smem:$0x480]  }
0x481: {  	v12 =	vmul.f32 s17, v3;
	s12 =	sld [smem:$0x461];
	v8 =	vadd.f32 v7, v0;
	v7 =	vadd.f32 v61, v17;
	v61 =	vld [tilespmem:$0x1FED0]  }
0x482: {  	v5 =	vadd.f32 v18, v5  }
0x483: {  	v62 =	vmul.f32 s26, v3;
	v63 =	vadd.f32 v12, v63;
	v18 =	vmul.f32 s23, v3  }
0x484: {  	v12 =	vld [tilespmem:$0x1FF10];
	v57 =	vadd.f32 v60, v5;
	v5 =	vmul.f32 s20, v1;
	v6 =	vmul.f32 s4, v3  }
0x485: {  	s26 =	simm.s32 $0x2;
	v60 =	vld [tilespmem:$0x1FF00];
	v0 =	vmul.f32 s15, v3;
	v17 =	vmul.f32 s25, v3;
	s25 =	simm.s32 $0x502  }
.LBB2_11:
0x486: {  	v59 =	vmov s26;
	s4 =	sld [smem:s25+$0x61];
	p0 =	sne.s32 s26, $0xE;
	s26 =	sadd.s32 $0x2, s26;
	v5 =	vadd.f32 v5, v61;
	v21 =	vmul.f32 s11, v3  }
0x487: {  	v0 =	vadd.f32 v0, v15;
	v6 =	vadd.f32 v6, v13;
	v59 =	vshll.u32 v59, $0x7;
	s10 =	sld [smem:s25+$0xFFFFFFA0]  }
0x488: {  	v15 =	vmul.f32 s13, v1;
	v13 =	vbroadcast v59, $0x0;
	s11 =	sld [smem:s25+$0xFFFFFFC0];
	v61 =	vadd.f32 v18, v5  }
0x489: {  	v1 =	vmul.f32 s31, v1;
	v3 =	vmul.f32 s12, v3;
	v5 =	vadd.f32 v16, v14;
	s13 =	sld [smem:s25+$0xFFFFFFE0]  }
0x48a: {  	v12 =	vadd.f32 v15, v12;
	v14 =	vor.u32 v13, v53;
	v13 =	vor.u32 v13, v54;
	s15 =	sld [smem:s25+$0x0]  }
0x48b: {  	v1 =	vadd.f32 v1, v60;
	v15 =	vadd.f32 v62, v56;
	s16 =	sld [smem:s25+$0x20]  }
0x48c: {  	v2 =	vadd.f32 v21, v2;
	v12 =	vadd.f32 v17, v12;
	s17 =	sld [smem:s25+$0x40]  }
0x48d: {  	v11 =	vadd.f32 v11, v58;
	v60 =	vadd.f32 v3, v1;
	s18 =	sld [smem:s25+$0x60]  }
0x48e: {  	s19 =	sld [smem:s25+$0x80]  }
0x48f: {  	v1 =	vld.idx.msk [tilespmem:v14+s6+$0x0], $0xffff;
	s20 =	sld [smem:s25+$0xC0]  }
0x490: {  	s21 =	sld [smem:s25+$0xA0]  }
0x491: {  	s22 =	sld [smem:s25+$0xE0]  }
0x492: {  	s23 =	sld [smem:s25+$0xC1]  }
0x493: {  	v3 =	vld.idx.msk [tilespmem:v13+s6+$0x0], $0xffff;
	s31 =	sld [smem:s25+$0xE1]  }
0x494: {  	s12 =	sld [smem:s25+$0xFFFFFF41]  }
0x495: {  	v13 =	vmul.f32 s21, v1;
	v14 =	vmul.f32 s22, v1;
	s21 =	sld [smem:s25+$0xFFFFFFC1]  }
0x496: {  	v16 =	vmul.f32 s19, v1;
	v17 =	vmul.f32 s20, v1;
	s19 =	sld [smem:s25+$0xFFFFFFE1]  }
0x497: {  	v18 =	vmul.f32 s18, v1;
	v2 =	vadd.f32 v13, v2;
	s18 =	sld [smem:s25+$0x41]  }
0x498: {  	v21 =	vmul.f32 s17, v1;
	v56 =	vadd.f32 v16, v15;
	v9 =	vadd.f32 v14, v9;
	s17 =	sld [smem:s25+$0xFFFFFFA1]  }
0x499: {  	v14 =	vmul.f32 s16, v1;
	v13 =	vadd.f32 v18, v6;
	v6 =	vadd.f32 v17, v10;
	s16 =	sld [smem:s25+$0x21]  }
0x49a: {  	v10 =	vmul.f32 s15, v1;
	v58 =	vadd.f32 v21, v11;
	v16 =	vmul.f32 s31, v3;
	s15 =	sld [smem:s25+$0x1]  }
0x49b: {  	v17 =	vmul.f32 s13, v1;
	v15 =	vadd.f32 v14, v0;
	v11 =	vmul.f32 s18, v3;
	s13 =	sld [smem:s25+$0x81]  }
0x49c: {  	v0 =	vmul.f32 s11, v1;
	v14 =	vadd.f32 v10, v5;
	v5 =	vmul.f32 s23, v3;
	s31 =	sld [smem:s25+$0xFFFFFF60]  }
0x49d: {  	v18 =	vmul.f32 s10, v1;
	v21 =	vadd.f32 v17, v63;
	v9 =	vadd.f32 v16, v9;
	s11 =	sld [smem:s25+$0xFFFFFF40]  }
0x49e: {  	v0 =	vadd.f32 v0, v57;
	v16 =	vmul.f32 s21, v3;
	v10 =	vadd.f32 v5, v6;
	s10 =	sld [smem:s25+$0xFFFFFF20]  }
0x49f: {  	v4 =	vadd.f32 v18, v4;
	v5 =	vmul.f32 s17, v3;
	v62 =	vmul.f32 s13, v3;
	s18 =	sld [smem:s25+$0xFFFFFF00]  }
0x4a0: {  	v57 =	vadd.f32 v16, v0;
	v16 =	vmul.f32 s15, v3;
	v6 =	vmul.f32 s11, v1;
	s11 =	sld [smem:s25+$0xFFFFFF21]  }
.Ltmp4:
0x4a1: {  	v59 =	vmul.f32 s19, v3;
	v4 =	vadd.f32 v5, v4;
	v0 =	vmul.f32 s10, v1;
	s10 =	sld [smem:s25+$0xFFFFFF01];
	(pc) =	sbr.rel @p0 .LBB2_11-.Ltmp4, $4  }
0x4a2: {  	v17 =	vmul.f32 s12, v3;
	v5 =	vmul.f32 s18, v1;
	v8 =	vadd.f32 v6, v8;
	s15 =	sld [smem:s25+$0xFFFFFF81]  }
0x4a3: {  	v6 =	vmul.f32 s4, v3;
	v7 =	vadd.f32 v0, v7;
	v63 =	vmul.f32 s11, v3;
	s11 =	sld [smem:s25+$0xA1]  }
0x4a4: {  	v0 =	vmul.f32 s16, v3;
	s13 =	sld [smem:s25+$0xFFFFFF80];
	v18 =	vmul.f32 s10, v3;
	v8 =	vadd.f32 v17, v8  }
0x4a5: {  	v7 =	vadd.f32 v63, v7;
	s12 =	sld [smem:s25+$0xFFFFFF61];
	v17 =	vmul.f32 s15, v3;
	v63 =	vadd.f32 v59, v21;
	s25 =	sadd.s32 $0x2, s25  }
0x4a6: {  	s4 =	sld [smem:$0x571]  }
0x4a7: {  	s10 =	sld [smem:$0x4B0]  }
0x4a8: {  	s15 =	sld [smem:$0x4D0]  }
0x4a9: {  	s16 =	sld [smem:$0x4F0]  }
0x4aa: {  	v21 =	vor.u32 v55, v19;
	s17 =	sld [smem:$0x510]  }
0x4ab: {  	s18 =	sld [smem:$0x530]  }
0x4ac: {  	s19 =	sld [smem:$0x550]  }
0x4ad: {  	s20 =	sld [smem:$0x570]  }
0x4ae: {  	v53 =	vor.u32 v55, v20;
	s21 =	sld [smem:$0x590]  }
0x4af: {  	v5 =	vadd.f32 v5, v61;
	v6 =	vadd.f32 v6, v13;
	v13 =	vmul.f32 s11, v3;
	v59 =	vld.idx.msk [tilespmem:v21+s30+$0x0], $0xffff;
	s22 =	sld [smem:$0x5D0]  }
0x4b0: {  	v21 =	vmul.f32 s13, v1;
	v1 =	vmul.f32 s31, v1;
	s23 =	sld [smem:$0x5B0]  }
0x4b1: {  	v61 =	vadd.f32 v18, v5;
	v2 =	vadd.f32 v13, v2;
	s26 =	sld [smem:$0x5F0]  }
0x4b2: {  	v3 =	vmul.f32 s12, v3;
	v5 =	vadd.f32 v21, v12;
	v1 =	vadd.f32 v1, v60;
	s25 =	sld [smem:$0x5D1]  }
0x4b3: {  	v12 =	vadd.f32 v16, v14;
	v14 =	vadd.f32 v62, v56;
	v53 =	vld.idx.msk [tilespmem:v53+s30+$0x0], $0xffff;
	s11 =	sld [smem:$0x5F1]  }
0x4b4: {  	v56 =	vadd.f32 v17, v5;
	v60 =	vadd.f32 v3, v1;
	v1 =	vmul.f32 s23, v59;
	s12 =	sld [smem:$0x451]  }
0x4b5: {  	v5 =	vadd.f32 v11, v58;
	v11 =	vmul.f32 s21, v59;
	v13 =	vmul.f32 s22, v59;
	s23 =	sld [smem:$0x4D1]  }
0x4b6: {  	v0 =	vadd.f32 v0, v15;
	v15 =	vmul.f32 s20, v59;
	v3 =	vmul.f32 s26, v59;
	s13 =	sld [smem:$0x4F1]  }
0x4b7: {  	v54 =	vadd.f32 v1, v2;
	v1 =	vmul.f32 s19, v59;
	v58 =	vadd.f32 v11, v14;
	s26 =	sld [smem:$0x551]  }
0x4b8: {  	v2 =	vadd.f32 v3, v9;
	v9 =	vmul.f32 s18, v59;
	v3 =	vadd.f32 v15, v6;
	s21 =	sld [smem:$0x4B1]  }
0x4b9: {  	v6 =	vadd.f32 v13, v10;
	v10 =	vmul.f32 s17, v59;
	v13 =	vmul.f32 s16, v59;
	s18 =	sld [smem:$0x531]  }
0x4ba: {  	v62 =	vadd.f32 v1, v5;
	v5 =	vmul.f32 s11, v53;
	v9 =	vadd.f32 v9, v0;
	s17 =	sld [smem:$0x511]  }
0x4bb: {  	v0 =	vmul.f32 s15, v59;
	v11 =	vadd.f32 v10, v12;
	v10 =	vmul.f32 s25, v53;
	s22 =	sld [smem:$0x591]  }
0x4bc: {  	v12 =	vmul.f32 s10, v59;
	v1 =	vmul.f32 s26, v53;
	s26 =	sld [smem:$0x470]  }
0x4bd: {  	v55 =	vadd.f32 v5, v2;
	v2 =	vmul.f32 s23, v53;
	v0 =	vadd.f32 v0, v57;
	s25 =	sld [smem:$0x450]  }
0x4be: {  	v18 =	vadd.f32 v13, v63;
	v13 =	vmul.f32 s4, v53;
	v57 =	vadd.f32 v10, v6;
	s16 =	sld [smem:$0x430]  }
0x4bf: {  	v5 =	vmul.f32 s21, v53;
	v63 =	vadd.f32 v2, v0;
	v2 =	vmul.f32 s13, v53;
	s20 =	sld [smem:$0x410]  }
0x4c0: {  	v4 =	vadd.f32 v12, v4;
	v14 =	vmul.f32 s18, v53;
	v6 =	vmul.f32 s25, v59;
	s21 =	sld [smem:$0x431]  }
0x4c1: {  	v10 =	vmul.f32 s22, v53;
	v0 =	vmul.f32 s16, v59;
	s22 =	sld [smem:$0x411]  }
0x4c2: {  	v12 =	vmul.f32 s17, v53;
	v4 =	vadd.f32 v5, v4;
	v5 =	vadd.f32 v6, v8;
	s23 =	sld [smem:$0x491]  }
0x4c3: {  	v6 =	vmul.f32 s12, v53;
	v0 =	vadd.f32 v0, v7;
	v8 =	vmul.f32 s21, v53;
	s4 =	sld [smem:$0x5B1]  }
0x4c4: {  	v2 =	vadd.f32 v2, v18;
	v16 =	vmul.f32 s20, v59;
	s11 =	sld [smem:$0x490];
	v17 =	vmul.f32 s22, v53  }
0x4c5: {  	s31 =	simm.s32 $0x512;
	s25 =	simm.s32 $0x2;
	v7 =	vadd.f32 v6, v5;
	v8 =	vadd.f32 v8, v0;
	s12 =	sld [smem:$0x471];
	v15 =	vmul.f32 s23, v53  }
.LBB2_13:
0x4c6: {  	v0 =	vmov s25;
	s10 =	sld [smem:s31+$0x61];
	p0 =	sne.s32 s25, $0xE;
	s25 =	sadd.s32 $0x2, s25;
	v5 =	vadd.f32 v16, v61;
	v6 =	vmul.f32 s4, v53  }
0x4c7: {  	v9 =	vadd.f32 v14, v9;
	v3 =	vadd.f32 v13, v3;
	v0 =	vshll.u32 v0, $0x7;
	s4 =	sld [smem:s31+$0xFFFFFFA0]  }
0x4c8: {  	v13 =	vmul.f32 s11, v59;
	v0 =	vbroadcast v0, $0x0;
	s13 =	sld [smem:s31+$0xFFFFFFC0];
	v61 =	vadd.f32 v17, v5  }
0x4c9: {  	v11 =	vadd.f32 v12, v11;
	v5 =	vmul.f32 s26, v59;
	v14 =	vmul.f32 s12, v53;
	s15 =	sld [smem:s31+$0xFFFFFFE0]  }
0x4ca: {  	v13 =	vadd.f32 v13, v56;
	v12 =	vor.u32 v0, v19;
	v0 =	vor.u32 v0, v20;
	s12 =	sld [smem:s31+$0x0]  }
0x4cb: {  	v10 =	vadd.f32 v10, v58;
	v5 =	vadd.f32 v5, v60;
	s16 =	sld [smem:s31+$0x20]  }
0x4cc: {  	v6 =	vadd.f32 v6, v54;
	v56 =	vadd.f32 v15, v13;
	s17 =	sld [smem:s31+$0x40]  }
0x4cd: {  	v1 =	vadd.f32 v1, v62;
	v60 =	vadd.f32 v14, v5;
	s18 =	sld [smem:s31+$0x60]  }
0x4ce: {  	s19 =	sld [smem:s31+$0x80]  }
0x4cf: {  	v59 =	vld.idx.msk [tilespmem:v12+s30+$0x0], $0xffff;
	s20 =	sld [smem:s31+$0xC0]  }
0x4d0: {  	s21 =	sld [smem:s31+$0xA0]  }
0x4d1: {  	s22 =	sld [smem:s31+$0xE0]  }
0x4d2: {  	s23 =	sld [smem:s31+$0xC1]  }
0x4d3: {  	v53 =	vld.idx.msk [tilespmem:v0+s30+$0x0], $0xffff;
	s26 =	sld [smem:s31+$0xE1]  }
0x4d4: {  	s11 =	sld [smem:s31+$0xFFFFFF41]  }
0x4d5: {  	v0 =	vmul.f32 s21, v59;
	v5 =	vmul.f32 s22, v59;
	s21 =	sld [smem:s31+$0xFFFFFFC1]  }
0x4d6: {  	v12 =	vmul.f32 s19, v59;
	v13 =	vmul.f32 s20, v59;
	s19 =	sld [smem:s31+$0xFFFFFFE1]  }
0x4d7: {  	v14 =	vmul.f32 s18, v59;
	v54 =	vadd.f32 v0, v6;
	s18 =	sld [smem:s31+$0x41]  }
0x4d8: {  	v0 =	vmul.f32 s17, v59;
	v58 =	vadd.f32 v12, v10;
	v5 =	vadd.f32 v5, v55;
	s17 =	sld [smem:s31+$0xFFFFFFA1]  }
0x4d9: {  	v6 =	vmul.f32 s16, v59;
	v3 =	vadd.f32 v14, v3;
	v10 =	vadd.f32 v13, v57;
	s16 =	sld [smem:s31+$0x21]  }
0x4da: {  	v12 =	vmul.f32 s12, v59;
	v62 =	vadd.f32 v0, v1;
	v0 =	vmul.f32 s26, v53;
	s12 =	sld [smem:s31+$0x1]  }
0x4db: {  	v13 =	vmul.f32 s15, v59;
	v9 =	vadd.f32 v6, v9;
	v1 =	vmul.f32 s18, v53;
	s15 =	sld [smem:s31+$0x81]  }
0x4dc: {  	v6 =	vmul.f32 s13, v59;
	v11 =	vadd.f32 v12, v11;
	v12 =	vmul.f32 s23, v53;
	s26 =	sld [smem:s31+$0xFFFFFF60]  }
0x4dd: {  	v14 =	vmul.f32 s4, v59;
	v2 =	vadd.f32 v13, v2;
	v55 =	vadd.f32 v0, v5;
	s13 =	sld [smem:s31+$0xFFFFFF40]  }
0x4de: {  	v0 =	vadd.f32 v6, v63;
	v5 =	vmul.f32 s21, v53;
	v57 =	vadd.f32 v12, v10;
	s4 =	sld [smem:s31+$0xFFFFFF20]  }
0x4df: {  	v4 =	vadd.f32 v14, v4;
	v6 =	vmul.f32 s17, v53;
	v10 =	vmul.f32 s15, v53;
	s18 =	sld [smem:s31+$0xFFFFFF00]  }
0x4e0: {  	v63 =	vadd.f32 v5, v0;
	v12 =	vmul.f32 s12, v53;
	v13 =	vmul.f32 s13, v59;
	s13 =	sld [smem:s31+$0xFFFFFF21]  }
.Ltmp5:
0x4e1: {  	v5 =	vmul.f32 s19, v53;
	v4 =	vadd.f32 v6, v4;
	v0 =	vmul.f32 s4, v59;
	s12 =	sld [smem:s31+$0xFFFFFF01];
	(pc) =	sbr.rel @p0 .LBB2_13-.Ltmp5, $4  }
0x4e2: {  	v16 =	vmul.f32 s18, v59;
	v6 =	vadd.f32 v13, v7;
	v7 =	vmul.f32 s11, v53;
	s15 =	sld [smem:s31+$0xFFFFFF81]  }
0x4e3: {  	v13 =	vmul.f32 s10, v53;
	v0 =	vadd.f32 v0, v8;
	v8 =	vmul.f32 s13, v53;
	s4 =	sld [smem:s31+$0xA1]  }
0x4e4: {  	v14 =	vmul.f32 s16, v53;
	s11 =	sld [smem:s31+$0xFFFFFF80];
	v17 =	vmul.f32 s12, v53;
	v7 =	vadd.f32 v7, v6  }
0x4e5: {  	v2 =	vadd.f32 v5, v2;
	v8 =	vadd.f32 v8, v0;
	s12 =	sld [smem:s31+$0xFFFFFF61];
	v15 =	vmul.f32 s15, v53;
	s31 =	sadd.s32 $0x2, s31  }
0x4e6: {  	v0 =	vld [tilespmem:$0x1FEC0];
	_ =	sdelay $0x3  }
0x4e7: {  	s10 =	sld [smem:$0x7E0];
	v6 =	vld [tilespmem:$0x1FFD0]  }
0x4e8: {  	v0 =	vmul.f32 v22, v0  }
0x4e9: {  	s16 =	sld [smem:$0x7E1]  }
0x4ea: {  	v5 =	vmul.f32 v25, v23;
	v0 =	vmul.f32 s10, v0  }
0x4eb: {  	s17 =	sld [smem:$0x7E2]  }
0x4ec: {  	v24 =	vmul.f32 v27, v24;
	v5 =	vmul.f32 s16, v5;
	v0 =	vadd.f32 v0, v6  }
0x4ed: {  	s18 =	sld [smem:$0x7E3]  }
0x4ee: {  	v26 =	vmul.f32 v29, v26;
	v25 =	vmul.f32 s17, v24;
	v0 =	vadd.f32 v5, v0  }
0x4ef: {  	s19 =	sld [smem:$0x7E4]  }
0x4f0: {  	v28 =	vmul.f32 v31, v28;
	v27 =	vmul.f32 s18, v26;
	v0 =	vadd.f32 v25, v0  }
0x4f1: {  	s20 =	sld [smem:$0x7E5]  }
0x4f2: {  	v30 =	vmul.f32 v33, v30;
	v29 =	vmul.f32 s19, v28;
	v0 =	vadd.f32 v27, v0  }
0x4f3: {  	s21 =	sld [smem:$0x7E6]  }
0x4f4: {  	v32 =	vmul.f32 v35, v32;
	v31 =	vmul.f32 s20, v30;
	v0 =	vadd.f32 v29, v0  }
0x4f5: {  	s22 =	sld [smem:$0x7E7]  }
0x4f6: {  	v35 =	vmul.f32 v36, v34;
	v33 =	vmul.f32 s21, v32;
	v0 =	vadd.f32 v31, v0  }
0x4f7: {  	s23 =	sld [smem:$0x7E8]  }
0x4f8: {  	v18 =	vmul.f32 v38, v37;
	v36 =	vmul.f32 s22, v35;
	v0 =	vadd.f32 v33, v0;
	_ =	sdelay $0x1  }
0x4f9: {  	v20 =	vmul.f32 v40, v39;
	v19 =	vmul.f32 s23, v18;
	v0 =	vadd.f32 v36, v0;
	_ =	sdelay $0x1  }
0x4fa: {  	v21 =	vmul.f32 s24, v20;
	v22 =	vmul.f32 v42, v41;
	v0 =	vadd.f32 v19, v0;
	_ =	sdelay $0x1  }
0x4fb: {  	v24 =	vmul.f32 v44, v43;
	v23 =	vmul.f32 s28, v22;
	v0 =	vadd.f32 v21, v0  }
0x4fc: {  	s25 =	sld [smem:$0x7E9]  }
0x4fd: {  	v26 =	vmul.f32 v46, v45;
	v25 =	vmul.f32 s29, v24;
	v0 =	vadd.f32 v23, v0  }
0x4fe: {  	s28 =	sld [smem:$0x7EA]  }
0x4ff: {  	v28 =	vmul.f32 v50, v47;
	v27 =	vmul.f32 s25, v26;
	v0 =	vadd.f32 v25, v0  }
0x500: {  	s29 =	sld [smem:$0x7EB]  }
0x501: {  	v30 =	vmul.f32 v52, v48;
	v29 =	vmul.f32 s28, v28;
	v0 =	vadd.f32 v27, v0  }
0x502: {  	v16 =	vadd.f32 v16, v61;
	s13 =	sld [smem:$0x7EC]  }
0x503: {  	v32 =	vmul.f32 v51, v49;
	v31 =	vmul.f32 s29, v30;
	v0 =	vadd.f32 v29, v0  }
0x504: {  	s31 =	sld [smem:$0x620];
	v16 =	vadd.f32 v17, v16  }
0x505: {  	v33 =	vmul.f32 s13, v32;
	v0 =	vadd.f32 v31, v0  }
0x506: {  	v34 =	vmul.f32 s26, v59;
	s15 =	sld [smem:$0x621];
	v16 =	vmax.f32 v16, $0.0e+00  }
0x507: {  	v8 =	vmax.f32 v8, $0.0e+00;
	v36 =	vmul.f32 s31, v16;
	v0 =	vadd.f32 v33, v0  }
0x508: {  	v37 =	vmul.f32 s12, v53;
	v35 =	vmul.f32 s11, v59;
	s16 =	sld [smem:$0x622];
	v6 =	vadd.f32 v34, v60  }
0x509: {  	v38 =	vmul.f32 s15, v8;
	v0 =	vadd.f32 v36, v0  }
0x50a: {  	v7 =	vmax.f32 v7, $0.0e+00;
	s17 =	sld [smem:$0x623];
	v39 =	vadd.f32 v35, v56;
	v6 =	vadd.f32 v37, v6  }
0x50b: {  	v40 =	vmul.f32 s16, v7;
	v0 =	vadd.f32 v38, v0  }
0x50c: {  	s18 =	sld [smem:$0x624];
	v41 =	vadd.f32 v15, v39;
	v6 =	vmax.f32 v6, $0.0e+00  }
0x50d: {  	v42 =	vmul.f32 s17, v6;
	v0 =	vadd.f32 v40, v0  }
0x50e: {  	s19 =	sld [smem:$0x625];
	v43 =	vmax.f32 v41, $0.0e+00  }
0x50f: {  	v44 =	vmul.f32 s18, v43;
	v0 =	vadd.f32 v42, v0  }
0x510: {  	v4 =	vmax.f32 v4, $0.0e+00;
	s20 =	sld [smem:$0x626]  }
0x511: {  	v4 =	vmul.f32 s19, v4;
	v0 =	vadd.f32 v44, v0  }
0x512: {  	v45 =	vmax.f32 v63, $0.0e+00;
	s21 =	sld [smem:$0x627]  }
0x513: {  	v46 =	vmul.f32 s20, v45;
	v0 =	vadd.f32 v4, v0  }
0x514: {  	v2 =	vmax.f32 v2, $0.0e+00;
	v47 =	vadd.f32 v12, v11;
	s22 =	sld [smem:$0x628]  }
0x515: {  	v2 =	vmul.f32 s21, v2;
	v0 =	vadd.f32 v46, v0  }
0x516: {  	v48 =	vadd.f32 v14, v9;
	s23 =	sld [smem:$0x629];
	v5 =	vmax.f32 v47, $0.0e+00  }
0x517: {  	v49 =	vmul.f32 s22, v5;
	v0 =	vadd.f32 v2, v0  }
0x518: {  	v1 =	vadd.f32 v1, v62;
	s24 =	sld [smem:$0x62A];
	v4 =	vmax.f32 v48, $0.0e+00  }
0x519: {  	v50 =	vmul.f32 s23, v4;
	v0 =	vadd.f32 v49, v0  }
0x51a: {  	v3 =	vadd.f32 v13, v3;
	v1 =	vmax.f32 v1, $0.0e+00;
	s25 =	sld [smem:$0x62B]  }
0x51b: {  	v1 =	vmul.f32 s24, v1;
	v0 =	vadd.f32 v50, v0  }
0x51c: {  	s26 =	sld [smem:$0x62C];
	v3 =	vmax.f32 v3, $0.0e+00;
	v51 =	vmul.f32 s4, v53;
	v52 =	vadd.f32 v10, v58  }
0x51d: {  	v53 =	vmul.f32 s25, v3;
	v0 =	vadd.f32 v1, v0  }
0x51e: {  	v56 =	vmax.f32 v52, $0.0e+00;
	s28 =	sld [smem:$0x62D];
	v2 =	vadd.f32 v51, v54  }
0x51f: {  	v58 =	vmul.f32 s26, v56;
	v0 =	vadd.f32 v53, v0  }
0x520: {  	s29 =	sld [smem:$0x62E];
	v2 =	vmax.f32 v2, $0.0e+00  }
0x521: {  	v59 =	vmul.f32 s28, v2;
	v0 =	vadd.f32 v58, v0  }
0x522: {  	v60 =	vmax.f32 v57, $0.0e+00;
	s31 =	sld [smem:$0x62F]  }
0x523: {  	v61 =	vmul.f32 s29, v60;
	v0 =	vadd.f32 v59, v0  }
0x524: {  	v62 =	vmax.f32 v55, $0.0e+00;
	p0 =	sne.s32 s14, $0x20  }
.Ltmp6:
0x525: {  	v63 =	vmul.f32 s31, v62;
	v0 =	vadd.f32 v61, v0;
	(pc) =	sbr.rel @p0 .LBB2_4-.Ltmp6, $3  }
0x526: {  	_ = 	snop  }
0x527: {  	v0 =	vadd.f32 v63, v0;
	_ =	sdelay $0x1  }
0x528: {  	s7 =	sadd.s32 $0x10, s7;
	s8 =	sadd.s32 $0x10, s8;
	[tilespmem:s9+$0x8CC0] =	vst v0;
	s9 =	smov.u32 s14  }
0x529: {  	s4 =	rddreg [dreg:$0x13];
	s7 =	simm.s32 $0x8CC0;
	s10 =	simm.s32 $0x3  }
0x52a: {  	[hbm4b:s4+s5] =	stream.linear.scatter [tilespmem:s7], [sflag:$0x3], $0x200, $0x38;
	[tilespmem:$0x8EC0] =	vst v63  }
0x52b: {  	_ =	swait.ge [sflag:s10], $0x200  }
0x52c: {  	s29 =	rddreg [dreg:$0x1f]  }
0x52d: {  	s31 =	rddreg [dreg:$0x14];
	s7 =	sadd.s32 $0x1, s29  }
0x52e: {  	p0 =	sne.s32 s7, s31  }
.Ltmp7:
0x52f: {  	_ = 	snop;
	(pc) =	sbr.rel @p0 .LBB2_1-.Ltmp7, $3  }
0x530: {  	_ =	sdelay $0x1  }
0x531: {  	[sflag:s10] =	ssyncset.done $0x0  }
0x532: {  	[sflag:s10] =	ssyncadd.s32 $0xFFFFFE00  }
0x533: {  	_ =	sfence.sel $0x180000  }
0x534: {  	[bflag:$0x0] =	sbarrier.arrive $0xFFFF  }
0x535: {  	_ =	strace $0x90000047  }
0x536: {  	s0 =	stileid.u32;
	[bflag:$0x2] =	sbarrier.arrive $0xFFFF  }
0x537: {  	p0 =	sne.s32 s0, $0x0;
	s0 =	rddreg [dreg:$0xb]  }
0x538: {  	s0 =	sadd.s32 @!p0 $0x100000, s0  }
0x539: {  	[sflag:s0] =	ssyncadd.tile.s32 @!p0 $0x1;
	_ =	shalt  }
.Lfunc_end2:
_tile_overlayer_lowered:
.L_overlay_start_2:
0x53a: {  	(tag) =	ssettag $0x2  }
0x53b: {  	s0 =	rddreg [dreg:$0x0];
	s2 =	stileid.u32  }
0x53c: {  	s1 =	rddreg [dreg:$0x1];
	p0 =	sne.s32 s2, $0x0  }
0x53d: {  	s3 =	rddreg [dreg:$0x2];
	[bflag:$0x3] =	sbarrier.arrive $0xFFFF;
	s2 =	simm.s32 @!p0 $0x1C03  }
0x53e: {  	[timem:s3], [sflag:s2] =	dma.local @!p0 [hbm:s0], s1  }
0x53f: {  	s0 =	simm.s32 @!p0 $0x3  }
0x540: {  	_ =	swait.ge @!p0 [sflag:s0], s1  }
0x541: {  	s1 =	ssub.s32 @!p0 $0x0, s1;
	[sflag:s0] =	ssyncset.done @!p0 $0x0  }
0x542: {  	[sflag:s0] =	ssyncadd.s32 @!p0 s1  }
0x543: {  	[bflag:$0x3] =	sbarrier.arrive $0xFFFF  }
0x544: {  	_ =	shalt  }

</sc_bundles>
